<compile_context>
chip_gen: v7x
topology: tpu7x:2x2x1
jax: 0.10.2.dev20260603
libtpu: 0.0.44.dev20260713+nightly
codegen_flags: <defaults>
</compile_context>

<pallas_src>
import functools

import jax
import jax.numpy as jnp
from jax import lax
from jax.experimental import pallas as pl
from jax.experimental.pallas import tpu as pltpu
from jax.experimental.pallas import tpu_sc as plsc


def _add_kernel(x_ref, pe_ref, o_ref):
    o_ref[...] = x_ref[...] + pe_ref[...]


def _kernel_tc(x, pe):
    B, T, D = x.shape
    BS = 2048
    grid = (T // BS, B)
    return pl.pallas_call(
        _add_kernel,
        grid=grid,
        in_specs=[
            pl.BlockSpec((1, BS, D), lambda i, j: (j, i, 0)),
            pl.BlockSpec((BS, D), lambda i, j: (i, 0)),
        ],
        out_specs=pl.BlockSpec((1, BS, D), lambda i, j: (j, i, 0)),
        out_shape=jax.ShapeDtypeStruct((B, T, D), x.dtype),
        compiler_params=pltpu.CompilerParams(
            dimension_semantics=("parallel", "parallel"),
        ),
    )(x, pe[:T])


_NW = 32
_R = 32


def _kernel_sc(x, pe):
    B, T, D = x.shape
    N = B * T
    xf = x.reshape(N * D)
    pef = pe[:T].reshape(T * D)
    mesh = plsc.VectorSubcoreMesh(core_axis_name="c", subcore_axis_name="s")
    seq_per_w = T // _NW
    CH = _R * D

    @functools.partial(
        pl.kernel,
        mesh=mesh,
        out_type=jax.ShapeDtypeStruct((N * D,), jnp.float32),
        scratch_types=[
            pltpu.VMEM((CH,), jnp.float32),
            pltpu.VMEM((CH,), jnp.float32),
        ],
    )
    def k(x_hbm, pe_hbm, out_hbm, buf_x, buf_pe):
        wid = lax.axis_index("s") * 2 + lax.axis_index("c")

        def add_pe(v, _):
            o = v * 16
            plsc.addupdate(buf_x.at[pl.ds(o, 16)], buf_pe[pl.ds(o, 16)])
            return _

        for i in range(seq_per_w // _R):
            t0 = (wid * seq_per_w + i * _R) * D
            pltpu.sync_copy(pe_hbm.at[pl.ds(t0, CH)], buf_pe)
            for b in range(B):
                e0 = b * T * D + t0
                pltpu.sync_copy(x_hbm.at[pl.ds(e0, CH)], buf_x)
                lax.fori_loop(0, CH // 16, add_pe, None)
                pltpu.sync_copy(buf_x, out_hbm.at[pl.ds(e0, CH)])

    return k(xf, pef).reshape(B, T, D)


def kernel(x, pe):
    return _kernel_sc(x, pe)

# --- scband reference (transcript-rebuilt; emitter-appended) ---
"""Pipeline reference for scband-learnable-pe-89034672046097 (READ-ONLY COPY).

The authoritative reference and input builder live on the scoring server;
editing this copy changes nothing except your own understanding.
"""

import jax, jax.numpy as jnp
import numpy as np

D_MODEL = 1024
MAX_LEN = 8192
BATCH = 4
SEQ = 8192

def setup_inputs(seed: int = 0) -> dict:
    key = jax.random.key(seed)
    k_x, k_pe = jax.random.split(key)
    x = jax.random.normal(k_x, (BATCH, SEQ, D_MODEL), dtype=jnp.float32)
    # learnable positional embedding table, trunc_normal std=0.02 approximated by clipped normal
    pe = jnp.clip(jax.random.normal(k_pe, (MAX_LEN, D_MODEL), dtype=jnp.float32) * 0.02, -0.04, 0.04)
    return {"x": x, "pe": pe}

def reference(x, pe):
    # eval-mode forward: dropout is identity
    T = x.shape[1]
    pos = jnp.arange(T)
    pos_emb = jnp.take(pe, pos, axis=0)  # embedding lookup -> gather
    return x + pos_emb[None, :, :]

if __name__ == "__main__":
    import jax
    _d = setup_inputs()
    print(jax.jit(kernel)(*tuple(_d.values())))

</pallas_src>

<mosaic_0001>
#map = affine_map<(d0, d1) -> (0)>
module attributes {stable_mosaic.version = 14 : i64} {
  func.func @k(%arg0: i32, %arg1: i32, %arg2: memref<33554432xf32, #tpu.memory_space<hbm>>, %arg3: memref<8388608xf32, #tpu.memory_space<hbm>>, %arg4: memref<33554432xf32, #tpu.memory_space<hbm>>, %arg5: memref<32768xf32, #tpu.memory_space<vmem>>, %arg6: memref<32768xf32, #tpu.memory_space<vmem>>) attributes {dimension_semantics = [#tpu.dimension_semantics<core_parallel>, #tpu.dimension_semantics<subcore_parallel>], iteration_bounds = array<i64: 2, 16>, scalar_prefetch = 0 : i64, scratch_operands = 2 : i64, tpu.core_type = #tpu.core_type<sc_vector_subcore>, window_params = [{transform_indices = #map}, {transform_indices = #map}, {transform_indices = #map}]} {
    %mul3A = arith.constant 2 : i32
    %mul3A_0 = arith.muli %arg1, %mul3A : i32
    %add3A = arith.addi %mul3A_0, %arg0 : i32
    %mul3A_1 = arith.constant 256 : i32
    %mul3A_2 = arith.muli %add3A, %mul3A_1 : i32
    %add3A_3 = arith.constant 0 : i32
    %add3A_4 = arith.addi %mul3A_2, %add3A_3 : i32
    %mul3A_5 = arith.constant 1024 : i32
    %mul3A_6 = arith.muli %add3A_4, %mul3A_5 : i32
    "tpu.region"() ({
      %run_scoped3A = tpu.sem_alloc : memref<!tpu.dma_semaphore, #tpu.memory_space<semaphore_mem>>
      %dma_start3A = tpu.memref_slice %arg3[%mul3A_6] : memref<8388608xf32, #tpu.memory_space<hbm>> -> memref<32768xf32, #tpu.memory_space<hbm>>
      %dma_start3A_272 = tpu.memref_slice %arg3[%mul3A_6] : memref<8388608xf32, #tpu.memory_space<hbm>> -> memref<32768xf32, #tpu.memory_space<hbm>>
      tpu.enqueue_dma source(%dma_start3A_272 : memref<32768xf32, #tpu.memory_space<hbm>>) target(%arg6 : memref<32768xf32, #tpu.memory_space<vmem>>) target_semaphore(%run_scoped3A : memref<!tpu.dma_semaphore, #tpu.memory_space<semaphore_mem>>)
      %dma_wait3A = tpu.memref_slice %arg3[%mul3A_6] : memref<8388608xf32, #tpu.memory_space<hbm>> -> memref<32768xf32, #tpu.memory_space<hbm>>
      %dma_wait3A_273 = tpu.memref_slice %arg3[%mul3A_6] : memref<8388608xf32, #tpu.memory_space<hbm>> -> memref<32768xf32, #tpu.memory_space<hbm>>
      tpu.wait_dma2 semaphore(%run_scoped3A : memref<!tpu.dma_semaphore, #tpu.memory_space<semaphore_mem>>) src(%dma_wait3A_273 : memref<32768xf32, #tpu.memory_space<hbm>>) dst(%arg6 : memref<32768xf32, #tpu.memory_space<vmem>>)
      tpu.yield
    }) : () -> ()
    %add3A_7 = arith.constant 0 : i32
    %add3A_8 = arith.addi %add3A_7, %mul3A_6 : i32
    "tpu.region"() ({
      %run_scoped3A = tpu.sem_alloc : memref<!tpu.dma_semaphore, #tpu.memory_space<semaphore_mem>>
      %dma_start3A = tpu.memref_slice %arg2[%add3A_8] : memref<33554432xf32, #tpu.memory_space<hbm>> -> memref<32768xf32, #tpu.memory_space<hbm>>
      %dma_start3A_272 = tpu.memref_slice %arg2[%add3A_8] : memref<33554432xf32, #tpu.memory_space<hbm>> -> memref<32768xf32, #tpu.memory_space<hbm>>
      tpu.enqueue_dma source(%dma_start3A_272 : memref<32768xf32, #tpu.memory_space<hbm>>) target(%arg5 : memref<32768xf32, #tpu.memory_space<vmem>>) target_semaphore(%run_scoped3A : memref<!tpu.dma_semaphore, #tpu.memory_space<semaphore_mem>>)
      %dma_wait3A = tpu.memref_slice %arg2[%add3A_8] : memref<33554432xf32, #tpu.memory_space<hbm>> -> memref<32768xf32, #tpu.memory_space<hbm>>
      %dma_wait3A_273 = tpu.memref_slice %arg2[%add3A_8] : memref<33554432xf32, #tpu.memory_space<hbm>> -> memref<32768xf32, #tpu.memory_space<hbm>>
      tpu.wait_dma2 semaphore(%run_scoped3A : memref<!tpu.dma_semaphore, #tpu.memory_space<semaphore_mem>>) src(%dma_wait3A_273 : memref<32768xf32, #tpu.memory_space<hbm>>) dst(%arg5 : memref<32768xf32, #tpu.memory_space<vmem>>)
      tpu.yield
    }) : () -> ()
    %scan3A = arith.constant 0 : i32
    %scan3A_9 = arith.constant 2048 : i32
    %scan3A_10 = arith.addi %scan3A, %scan3A_9 : i32
    %scan3A_11 = arith.constant 1 : i32
    scf.for %scan3A_272 = %scan3A to %scan3A_10 step %scan3A_11  : i32 {
      %mul3A_273 = arith.constant 16 : i32
      %mul3A_274 = arith.muli %scan3A_272, %mul3A_273 : i32
      %get3A = arith.index_cast %mul3A_274 : i32 to index
      %get3A_275 = tpu.vector_load %arg6[%get3A] {strides = array<i32>} : memref<32768xf32, #tpu.memory_space<vmem>>, vector<16xf32>,
      %get3A_276 = vector.shape_cast %get3A_275 : vector<16xf32> to vector<16xf32>
      %swap3A = arith.index_cast %mul3A_274 : i32 to index
      %swap3A_277 = tpu.vector_load %arg5[%swap3A] {strides = array<i32>} : memref<32768xf32, #tpu.memory_space<vmem>>, vector<16xf32>,
      %swap3A_278 = vector.shape_cast %swap3A_277 : vector<16xf32> to vector<16xf32>
      %swap3A_279 = vector.shape_cast %get3A_276 : vector<16xf32> to vector<16xf32>
      tpu.vector_store %arg5[%swap3A], %swap3A_279 {add = true, strides = array<i32>} : memref<32768xf32, #tpu.memory_space<vmem>>, vector<16xf32>,
    }
    %scan3A_12 = arith.constant 2048 : i32
    "tpu.region"() ({
      %run_scoped3A = tpu.sem_alloc : memref<!tpu.dma_semaphore, #tpu.memory_space<semaphore_mem>>
      %dma_start3A = tpu.memref_slice %arg4[%add3A_8] : memref<33554432xf32, #tpu.memory_space<hbm>> -> memref<32768xf32, #tpu.memory_space<hbm>>
      %dma_start3A_272 = tpu.memref_slice %arg4[%add3A_8] : memref<33554432xf32, #tpu.memory_space<hbm>> -> memref<32768xf32, #tpu.memory_space<hbm>>
      tpu.enqueue_dma source(%arg5 : memref<32768xf32, #tpu.memory_space<vmem>>) target(%dma_start3A_272 : memref<32768xf32, #tpu.memory_space<hbm>>) target_semaphore(%run_scoped3A : memref<!tpu.dma_semaphore, #tpu.memory_space<semaphore_mem>>)
      %dma_wait3A = tpu.memref_slice %arg4[%add3A_8] : memref<33554432xf32, #tpu.memory_space<hbm>> -> memref<32768xf32, #tpu.memory_space<hbm>>
      %dma_wait3A_273 = tpu.memref_slice %arg4[%add3A_8] : memref<33554432xf32, #tpu.memory_space<hbm>> -> memref<32768xf32, #tpu.memory_space<hbm>>
      tpu.wait_dma2 semaphore(%run_scoped3A : memref<!tpu.dma_semaphore, #tpu.memory_space<semaphore_mem>>) src(%arg5 : memref<32768xf32, #tpu.memory_space<vmem>>) dst(%dma_wait3A_273 : memref<32768xf32, #tpu.memory_space<hbm>>)
      tpu.yield
    }) : () -> ()
    %add3A_13 = arith.constant 8388608 : i32
    %add3A_14 = arith.addi %add3A_13, %mul3A_6 : i32
    "tpu.region"() ({
      %run_scoped3A = tpu.sem_alloc : memref<!tpu.dma_semaphore, #tpu.memory_space<semaphore_mem>>
      %dma_start3A = tpu.memref_slice %arg2[%add3A_14] : memref<33554432xf32, #tpu.memory_space<hbm>> -> memref<32768xf32, #tpu.memory_space<hbm>>
      %dma_start3A_272 = tpu.memref_slice %arg2[%add3A_14] : memref<33554432xf32, #tpu.memory_space<hbm>> -> memref<32768xf32, #tpu.memory_space<hbm>>
      tpu.enqueue_dma source(%dma_start3A_272 : memref<32768xf32, #tpu.memory_space<hbm>>) target(%arg5 : memref<32768xf32, #tpu.memory_space<vmem>>) target_semaphore(%run_scoped3A : memref<!tpu.dma_semaphore, #tpu.memory_space<semaphore_mem>>)
      %dma_wait3A = tpu.memref_slice %arg2[%add3A_14] : memref<33554432xf32, #tpu.memory_space<hbm>> -> memref<32768xf32, #tpu.memory_space<hbm>>
      %dma_wait3A_273 = tpu.memref_slice %arg2[%add3A_14] : memref<33554432xf32, #tpu.memory_space<hbm>> -> memref<32768xf32, #tpu.memory_space<hbm>>
      tpu.wait_dma2 semaphore(%run_scoped3A : memref<!tpu.dma_semaphore, #tpu.memory_space<semaphore_mem>>) src(%dma_wait3A_273 : memref<32768xf32, #tpu.memory_space<hbm>>) dst(%arg5 : memref<32768xf32, #tpu.memory_space<vmem>>)
      tpu.yield
    }) : () -> ()
    %scan3A_15 = arith.constant 0 : i32
    %scan3A_16 = arith.constant 2048 : i32
    %scan3A_17 = arith.addi %scan3A_15, %scan3A_16 : i32
    %scan3A_18 = arith.constant 1 : i32
    scf.for %scan3A_272 = %scan3A_15 to %scan3A_17 step %scan3A_18  : i32 {
      %mul3A_273 = arith.constant 16 : i32
      %mul3A_274 = arith.muli %scan3A_272, %mul3A_273 : i32
      %get3A = arith.index_cast %mul3A_274 : i32 to index
      %get3A_275 = tpu.vector_load %arg6[%get3A] {strides = array<i32>} : memref<32768xf32, #tpu.memory_space<vmem>>, vector<16xf32>,
      %get3A_276 = vector.shape_cast %get3A_275 : vector<16xf32> to vector<16xf32>
      %swap3A = arith.index_cast %mul3A_274 : i32 to index
      %swap3A_277 = tpu.vector_load %arg5[%swap3A] {strides = array<i32>} : memref<32768xf32, #tpu.memory_space<vmem>>, vector<16xf32>,
      %swap3A_278 = vector.shape_cast %swap3A_277 : vector<16xf32> to vector<16xf32>
      %swap3A_279 = vector.shape_cast %get3A_276 : vector<16xf32> to vector<16xf32>
      tpu.vector_store %arg5[%swap3A], %swap3A_279 {add = true, strides = array<i32>} : memref<32768xf32, #tpu.memory_space<vmem>>, vector<16xf32>,
    }
    %scan3A_19 = arith.constant 2048 : i32
    "tpu.region"() ({
      %run_scoped3A = tpu.sem_alloc : memref<!tpu.dma_semaphore, #tpu.memory_space<semaphore_mem>>
      %dma_start3A = tpu.memref_slice %arg4[%add3A_14] : memref<33554432xf32, #tpu.memory_space<hbm>> -> memref<32768xf32, #tpu.memory_space<hbm>>
      %dma_start3A_272 = tpu.memref_slice %arg4[%add3A_14] : memref<33554432xf32, #tpu.memory_space<hbm>> -> memref<32768xf32, #tpu.memory_space<hbm>>
      tpu.enqueue_dma source(%arg5 : memref<32768xf32, #tpu.memory_space<vmem>>) target(%dma_start3A_272 : memref<32768xf32, #tpu.memory_space<hbm>>) target_semaphore(%run_scoped3A : memref<!tpu.dma_semaphore, #tpu.memory_space<semaphore_mem>>)
      %dma_wait3A = tpu.memref_slice %arg4[%add3A_14] : memref<33554432xf32, #tpu.memory_space<hbm>> -> memref<32768xf32, #tpu.memory_space<hbm>>
      %dma_wait3A_273 = tpu.memref_slice %arg4[%add3A_14] : memref<33554432xf32, #tpu.memory_space<hbm>> -> memref<32768xf32, #tpu.memory_space<hbm>>
      tpu.wait_dma2 semaphore(%run_scoped3A : memref<!tpu.dma_semaphore, #tpu.memory_space<semaphore_mem>>) src(%arg5 : memref<32768xf32, #tpu.memory_space<vmem>>) dst(%dma_wait3A_273 : memref<32768xf32, #tpu.memory_space<hbm>>)
      tpu.yield
    }) : () -> ()
    %add3A_20 = arith.constant 16777216 : i32
    %add3A_21 = arith.addi %add3A_20, %mul3A_6 : i32
    "tpu.region"() ({
      %run_scoped3A = tpu.sem_alloc : memref<!tpu.dma_semaphore, #tpu.memory_space<semaphore_mem>>
      %dma_start3A = tpu.memref_slice %arg2[%add3A_21] : memref<33554432xf32, #tpu.memory_space<hbm>> -> memref<32768xf32, #tpu.memory_space<hbm>>
      %dma_start3A_272 = tpu.memref_slice %arg2[%add3A_21] : memref<33554432xf32, #tpu.memory_space<hbm>> -> memref<32768xf32, #tpu.memory_space<hbm>>
      tpu.enqueue_dma source(%dma_start3A_272 : memref<32768xf32, #tpu.memory_space<hbm>>) target(%arg5 : memref<32768xf32, #tpu.memory_space<vmem>>) target_semaphore(%run_scoped3A : memref<!tpu.dma_semaphore, #tpu.memory_space<semaphore_mem>>)
      %dma_wait3A = tpu.memref_slice %arg2[%add3A_21] : memref<33554432xf32, #tpu.memory_space<hbm>> -> memref<32768xf32, #tpu.memory_space<hbm>>
      %dma_wait3A_273 = tpu.memref_slice %arg2[%add3A_21] : memref<33554432xf32, #tpu.memory_space<hbm>> -> memref<32768xf32, #tpu.memory_space<hbm>>
      tpu.wait_dma2 semaphore(%run_scoped3A : memref<!tpu.dma_semaphore, #tpu.memory_space<semaphore_mem>>) src(%dma_wait3A_273 : memref<32768xf32, #tpu.memory_space<hbm>>) dst(%arg5 : memref<32768xf32, #tpu.memory_space<vmem>>)
      tpu.yield
    }) : () -> ()
    %scan3A_22 = arith.constant 0 : i32
    %scan3A_23 = arith.constant 2048 : i32
    %scan3A_24 = arith.addi %scan3A_22, %scan3A_23 : i32
    %scan3A_25 = arith.constant 1 : i32
    scf.for %scan3A_272 = %scan3A_22 to %scan3A_24 step %scan3A_25  : i32 {
      %mul3A_273 = arith.constant 16 : i32
      %mul3A_274 = arith.muli %scan3A_272, %mul3A_273 : i32
      %get3A = arith.index_cast %mul3A_274 : i32 to index
      %get3A_275 = tpu.vector_load %arg6[%get3A] {strides = array<i32>} : memref<32768xf32, #tpu.memory_space<vmem>>, vector<16xf32>,
      %get3A_276 = vector.shape_cast %get3A_275 : vector<16xf32> to vector<16xf32>
      %swap3A = arith.index_cast %mul3A_274 : i32 to index
      %swap3A_277 = tpu.vector_load %arg5[%swap3A] {strides = array<i32>} : memref<32768xf32, #tpu.memory_space<vmem>>, vector<16xf32>,
      %swap3A_278 = vector.shape_cast %swap3A_277 : vector<16xf32> to vector<16xf32>
      %swap3A_279 = vector.shape_cast %get3A_276 : vector<16xf32> to vector<16xf32>
      tpu.vector_store %arg5[%swap3A], %swap3A_279 {add = true, strides = array<i32>} : memref<32768xf32, #tpu.memory_space<vmem>>, vector<16xf32>,
    }
    %scan3A_26 = arith.constant 2048 : i32
    "tpu.region"() ({
      %run_scoped3A = tpu.sem_alloc : memref<!tpu.dma_semaphore, #tpu.memory_space<semaphore_mem>>
      %dma_start3A = tpu.memref_slice %arg4[%add3A_21] : memref<33554432xf32, #tpu.memory_space<hbm>> -> memref<32768xf32, #tpu.memory_space<hbm>>
      %dma_start3A_272 = tpu.memref_slice %arg4[%add3A_21] : memref<33554432xf32, #tpu.memory_space<hbm>> -> memref<32768xf32, #tpu.memory_space<hbm>>
      tpu.enqueue_dma source(%arg5 : memref<32768xf32, #tpu.memory_space<vmem>>) target(%dma_start3A_272 : memref<32768xf32, #tpu.memory_space<hbm>>) target_semaphore(%run_scoped3A : memref<!tpu.dma_semaphore, #tpu.memory_space<semaphore_mem>>)
      %dma_wait3A = tpu.memref_slice %arg4[%add3A_21] : memref<33554432xf32, #tpu.memory_space<hbm>> -> memref<32768xf32, #tpu.memory_space<hbm>>
      %dma_wait3A_273 = tpu.memref_slice %arg4[%add3A_21] : memref<33554432xf32, #tpu.memory_space<hbm>> -> memref<32768xf32, #tpu.memory_space<hbm>>
      tpu.wait_dma2 semaphore(%run_scoped3A : memref<!tpu.dma_semaphore, #tpu.memory_space<semaphore_mem>>) src(%arg5 : memref<32768xf32, #tpu.memory_space<vmem>>) dst(%dma_wait3A_273 : memref<32768xf32, #tpu.memory_space<hbm>>)
      tpu.yield
    }) : () -> ()
    %add3A_27 = arith.constant 25165824 : i32
    %add3A_28 = arith.addi %add3A_27, %mul3A_6 : i32
    "tpu.region"() ({
      %run_scoped3A = tpu.sem_alloc : memref<!tpu.dma_semaphore, #tpu.memory_space<semaphore_mem>>
      %dma_start3A = tpu.memref_slice %arg2[%add3A_28] : memref<33554432xf32, #tpu.memory_space<hbm>> -> memref<32768xf32, #tpu.memory_space<hbm>>
      %dma_start3A_272 = tpu.memref_slice %arg2[%add3A_28] : memref<33554432xf32, #tpu.memory_space<hbm>> -> memref<32768xf32, #tpu.memory_space<hbm>>
      tpu.enqueue_dma source(%dma_start3A_272 : memref<32768xf32, #tpu.memory_space<hbm>>) target(%arg5 : memref<32768xf32, #tpu.memory_space<vmem>>) target_semaphore(%run_scoped3A : memref<!tpu.dma_semaphore, #tpu.memory_space<semaphore_mem>>)
      %dma_wait3A = tpu.memref_slice %arg2[%add3A_28] : memref<33554432xf32, #tpu.memory_space<hbm>> -> memref<32768xf32, #tpu.memory_space<hbm>>
      %dma_wait3A_273 = tpu.memref_slice %arg2[%add3A_28] : memref<33554432xf32, #tpu.memory_space<hbm>> -> memref<32768xf32, #tpu.memory_space<hbm>>
      tpu.wait_dma2 semaphore(%run_scoped3A : memref<!tpu.dma_semaphore, #tpu.memory_space<semaphore_mem>>) src(%dma_wait3A_273 : memref<32768xf32, #tpu.memory_space<hbm>>) dst(%arg5 : memref<32768xf32, #tpu.memory_space<vmem>>)
      tpu.yield
    }) : () -> ()
    %scan3A_29 = arith.constant 0 : i32
    %scan3A_30 = arith.constant 2048 : i32
    %scan3A_31 = arith.addi %scan3A_29, %scan3A_30 : i32
    %scan3A_32 = arith.constant 1 : i32
    scf.for %scan3A_272 = %scan3A_29 to %scan3A_31 step %scan3A_32  : i32 {
      %mul3A_273 = arith.constant 16 : i32
      %mul3A_274 = arith.muli %scan3A_272, %mul3A_273 : i32
      %get3A = arith.index_cast %mul3A_274 : i32 to index
      %get3A_275 = tpu.vector_load %arg6[%get3A] {strides = array<i32>} : memref<32768xf32, #tpu.memory_space<vmem>>, vector<16xf32>,
      %get3A_276 = vector.shape_cast %get3A_275 : vector<16xf32> to vector<16xf32>
      %swap3A = arith.index_cast %mul3A_274 : i32 to index
      %swap3A_277 = tpu.vector_load %arg5[%swap3A] {strides = array<i32>} : memref<32768xf32, #tpu.memory_space<vmem>>, vector<16xf32>,
      %swap3A_278 = vector.shape_cast %swap3A_277 : vector<16xf32> to vector<16xf32>
      %swap3A_279 = vector.shape_cast %get3A_276 : vector<16xf32> to vector<16xf32>
      tpu.vector_store %arg5[%swap3A], %swap3A_279 {add = true, strides = array<i32>} : memref<32768xf32, #tpu.memory_space<vmem>>, vector<16xf32>,
    }
    %scan3A_33 = arith.constant 2048 : i32
    "tpu.region"() ({
      %run_scoped3A = tpu.sem_alloc : memref<!tpu.dma_semaphore, #tpu.memory_space<semaphore_mem>>
      %dma_start3A = tpu.memref_slice %arg4[%add3A_28] : memref<33554432xf32, #tpu.memory_space<hbm>> -> memref<32768xf32, #tpu.memory_space<hbm>>
      %dma_start3A_272 = tpu.memref_slice %arg4[%add3A_28] : memref<33554432xf32, #tpu.memory_space<hbm>> -> memref<32768xf32, #tpu.memory_space<hbm>>
      tpu.enqueue_dma source(%arg5 : memref<32768xf32, #tpu.memory_space<vmem>>) target(%dma_start3A_272 : memref<32768xf32, #tpu.memory_space<hbm>>) target_semaphore(%run_scoped3A : memref<!tpu.dma_semaphore, #tpu.memory_space<semaphore_mem>>)
      %dma_wait3A = tpu.memref_slice %arg4[%add3A_28] : memref<33554432xf32, #tpu.memory_space<hbm>> -> memref<32768xf32, #tpu.memory_space<hbm>>
      %dma_wait3A_273 = tpu.memref_slice %arg4[%add3A_28] : memref<33554432xf32, #tpu.memory_space<hbm>> -> memref<32768xf32, #tpu.memory_space<hbm>>
      tpu.wait_dma2 semaphore(%run_scoped3A : memref<!tpu.dma_semaphore, #tpu.memory_space<semaphore_mem>>) src(%arg5 : memref<32768xf32, #tpu.memory_space<vmem>>) dst(%dma_wait3A_273 : memref<32768xf32, #tpu.memory_space<hbm>>)
      tpu.yield
    }) : () -> ()
    %mul3A_34 = arith.constant 256 : i32
    %mul3A_35 = arith.muli %add3A, %mul3A_34 : i32
    %add3A_36 = arith.constant 32 : i32
    %add3A_37 = arith.addi %mul3A_35, %add3A_36 : i32
    %mul3A_38 = arith.constant 1024 : i32
    %mul3A_39 = arith.muli %add3A_37, %mul3A_38 : i32
    "tpu.region"() ({
      %run_scoped3A = tpu.sem_alloc : memref<!tpu.dma_semaphore, #tpu.memory_space<semaphore_mem>>
      %dma_start3A = tpu.memref_slice %arg3[%mul3A_39] : memref<8388608xf32, #tpu.memory_space<hbm>> -> memref<32768xf32, #tpu.memory_space<hbm>>
      %dma_start3A_272 = tpu.memref_slice %arg3[%mul3A_39] : memref<8388608xf32, #tpu.memory_space<hbm>> -> memref<32768xf32, #tpu.memory_space<hbm>>
      tpu.enqueue_dma source(%dma_start3A_272 : memref<32768xf32, #tpu.memory_space<hbm>>) target(%arg6 : memref<32768xf32, #tpu.memory_space<vmem>>) target_semaphore(%run_scoped3A : memref<!tpu.dma_semaphore, #tpu.memory_space<semaphore_mem>>)
      %dma_wait3A = tpu.memref_slice %arg3[%mul3A_39] : memref<8388608xf32, #tpu.memory_space<hbm>> -> memref<32768xf32, #tpu.memory_space<hbm>>
      %dma_wait3A_273 = tpu.memref_slice %arg3[%mul3A_39] : memref<8388608xf32, #tpu.memory_space<hbm>> -> memref<32768xf32, #tpu.memory_space<hbm>>
      tpu.wait_dma2 semaphore(%run_scoped3A : memref<!tpu.dma_semaphore, #tpu.memory_space<semaphore_mem>>) src(%dma_wait3A_273 : memref<32768xf32, #tpu.memory_space<hbm>>) dst(%arg6 : memref<32768xf32, #tpu.memory_space<vmem>>)
      tpu.yield
    }) : () -> ()
    %add3A_40 = arith.constant 0 : i32
    %add3A_41 = arith.addi %add3A_40, %mul3A_39 : i32
    "tpu.region"() ({
      %run_scoped3A = tpu.sem_alloc : memref<!tpu.dma_semaphore, #tpu.memory_space<semaphore_mem>>
      %dma_start3A = tpu.memref_slice %arg2[%add3A_41] : memref<33554432xf32, #tpu.memory_space<hbm>> -> memref<32768xf32, #tpu.memory_space<hbm>>
      %dma_start3A_272 = tpu.memref_slice %arg2[%add3A_41] : memref<33554432xf32, #tpu.memory_space<hbm>> -> memref<32768xf32, #tpu.memory_space<hbm>>
      tpu.enqueue_dma source(%dma_start3A_272 : memref<32768xf32, #tpu.memory_space<hbm>>) target(%arg5 : memref<32768xf32, #tpu.memory_space<vmem>>) target_semaphore(%run_scoped3A : memref<!tpu.dma_semaphore, #tpu.memory_space<semaphore_mem>>)
      %dma_wait3A = tpu.memref_slice %arg2[%add3A_41] : memref<33554432xf32, #tpu.memory_space<hbm>> -> memref<32768xf32, #tpu.memory_space<hbm>>
      %dma_wait3A_273 = tpu.memref_slice %arg2[%add3A_41] : memref<33554432xf32, #tpu.memory_space<hbm>> -> memref<32768xf32, #tpu.memory_space<hbm>>
      tpu.wait_dma2 semaphore(%run_scoped3A : memref<!tpu.dma_semaphore, #tpu.memory_space<semaphore_mem>>) src(%dma_wait3A_273 : memref<32768xf32, #tpu.memory_space<hbm>>) dst(%arg5 : memref<32768xf32, #tpu.memory_space<vmem>>)
      tpu.yield
    }) : () -> ()
    %scan3A_42 = arith.constant 0 : i32
    %scan3A_43 = arith.constant 2048 : i32
    %scan3A_44 = arith.addi %scan3A_42, %scan3A_43 : i32
    %scan3A_45 = arith.constant 1 : i32
    scf.for %scan3A_272 = %scan3A_42 to %scan3A_44 step %scan3A_45  : i32 {
      %mul3A_273 = arith.constant 16 : i32
      %mul3A_274 = arith.muli %scan3A_272, %mul3A_273 : i32
      %get3A = arith.index_cast %mul3A_274 : i32 to index
      %get3A_275 = tpu.vector_load %arg6[%get3A] {strides = array<i32>} : memref<32768xf32, #tpu.memory_space<vmem>>, vector<16xf32>,
      %get3A_276 = vector.shape_cast %get3A_275 : vector<16xf32> to vector<16xf32>
      %swap3A = arith.index_cast %mul3A_274 : i32 to index
      %swap3A_277 = tpu.vector_load %arg5[%swap3A] {strides = array<i32>} : memref<32768xf32, #tpu.memory_space<vmem>>, vector<16xf32>,
      %swap3A_278 = vector.shape_cast %swap3A_277 : vector<16xf32> to vector<16xf32>
      %swap3A_279 = vector.shape_cast %get3A_276 : vector<16xf32> to vector<16xf32>
      tpu.vector_store %arg5[%swap3A], %swap3A_279 {add = true, strides = array<i32>} : memref<32768xf32, #tpu.memory_space<vmem>>, vector<16xf32>,
    }
    %scan3A_46 = arith.constant 2048 : i32
    "tpu.region"() ({
      %run_scoped3A = tpu.sem_alloc : memref<!tpu.dma_semaphore, #tpu.memory_space<semaphore_mem>>
      %dma_start3A = tpu.memref_slice %arg4[%add3A_41] : memref<33554432xf32, #tpu.memory_space<hbm>> -> memref<32768xf32, #tpu.memory_space<hbm>>
      %dma_start3A_272 = tpu.memref_slice %arg4[%add3A_41] : memref<33554432xf32, #tpu.memory_space<hbm>> -> memref<32768xf32, #tpu.memory_space<hbm>>
      tpu.enqueue_dma source(%arg5 : memref<32768xf32, #tpu.memory_space<vmem>>) target(%dma_start3A_272 : memref<32768xf32, #tpu.memory_space<hbm>>) target_semaphore(%run_scoped3A : memref<!tpu.dma_semaphore, #tpu.memory_space<semaphore_mem>>)
      %dma_wait3A = tpu.memref_slice %arg4[%add3A_41] : memref<33554432xf32, #tpu.memory_space<hbm>> -> memref<32768xf32, #tpu.memory_space<hbm>>
      %dma_wait3A_273 = tpu.memref_slice %arg4[%add3A_41] : memref<33554432xf32, #tpu.memory_space<hbm>> -> memref<32768xf32, #tpu.memory_space<hbm>>
      tpu.wait_dma2 semaphore(%run_scoped3A : memref<!tpu.dma_semaphore, #tpu.memory_space<semaphore_mem>>) src(%arg5 : memref<32768xf32, #tpu.memory_space<vmem>>) dst(%dma_wait3A_273 : memref<32768xf32, #tpu.memory_space<hbm>>)
      tpu.yield
    }) : () -> ()
    %add3A_47 = arith.constant 8388608 : i32
    %add3A_48 = arith.addi %add3A_47, %mul3A_39 : i32
    "tpu.region"() ({
      %run_scoped3A = tpu.sem_alloc : memref<!tpu.dma_semaphore, #tpu.memory_space<semaphore_mem>>
      %dma_start3A = tpu.memref_slice %arg2[%add3A_48] : memref<33554432xf32, #tpu.memory_space<hbm>> -> memref<32768xf32, #tpu.memory_space<hbm>>
      %dma_start3A_272 = tpu.memref_slice %arg2[%add3A_48] : memref<33554432xf32, #tpu.memory_space<hbm>> -> memref<32768xf32, #tpu.memory_space<hbm>>
      tpu.enqueue_dma source(%dma_start3A_272 : memref<32768xf32, #tpu.memory_space<hbm>>) target(%arg5 : memref<32768xf32, #tpu.memory_space<vmem>>) target_semaphore(%run_scoped3A : memref<!tpu.dma_semaphore, #tpu.memory_space<semaphore_mem>>)
      %dma_wait3A = tpu.memref_slice %arg2[%add3A_48] : memref<33554432xf32, #tpu.memory_space<hbm>> -> memref<32768xf32, #tpu.memory_space<hbm>>
      %dma_wait3A_273 = tpu.memref_slice %arg2[%add3A_48] : memref<33554432xf32, #tpu.memory_space<hbm>> -> memref<32768xf32, #tpu.memory_space<hbm>>
      tpu.wait_dma2 semaphore(%run_scoped3A : memref<!tpu.dma_semaphore, #tpu.memory_space<semaphore_mem>>) src(%dma_wait3A_273 : memref<32768xf32, #tpu.memory_space<hbm>>) dst(%arg5 : memref<32768xf32, #tpu.memory_space<vmem>>)
      tpu.yield
    }) : () -> ()
    %scan3A_49 = arith.constant 0 : i32
    %scan3A_50 = arith.constant 2048 : i32
    %scan3A_51 = arith.addi %scan3A_49, %scan3A_50 : i32
    %scan3A_52 = arith.constant 1 : i32
    scf.for %scan3A_272 = %scan3A_49 to %scan3A_51 step %scan3A_52  : i32 {
      %mul3A_273 = arith.constant 16 : i32
      %mul3A_274 = arith.muli %scan3A_272, %mul3A_273 : i32
      %get3A = arith.index_cast %mul3A_274 : i32 to index
      %get3A_275 = tpu.vector_load %arg6[%get3A] {strides = array<i32>} : memref<32768xf32, #tpu.memory_space<vmem>>, vector<16xf32>,
      %get3A_276 = vector.shape_cast %get3A_275 : vector<16xf32> to vector<16xf32>
      %swap3A = arith.index_cast %mul3A_274 : i32 to index
      %swap3A_277 = tpu.vector_load %arg5[%swap3A] {strides = array<i32>} : memref<32768xf32, #tpu.memory_space<vmem>>, vector<16xf32>,
      %swap3A_278 = vector.shape_cast %swap3A_277 : vector<16xf32> to vector<16xf32>
      %swap3A_279 = vector.shape_cast %get3A_276 : vector<16xf32> to vector<16xf32>
      tpu.vector_store %arg5[%swap3A], %swap3A_279 {add = true, strides = array<i32>} : memref<32768xf32, #tpu.memory_space<vmem>>, vector<16xf32>,
    }
    %scan3A_53 = arith.constant 2048 : i32
    "tpu.region"() ({
      %run_scoped3A = tpu.sem_alloc : memref<!tpu.dma_semaphore, #tpu.memory_space<semaphore_mem>>
      %dma_start3A = tpu.memref_slice %arg4[%add3A_48] : memref<33554432xf32, #tpu.memory_space<hbm>> -> memref<32768xf32, #tpu.memory_space<hbm>>
      %dma_start3A_272 = tpu.memref_slice %arg4[%add3A_48] : memref<33554432xf32, #tpu.memory_space<hbm>> -> memref<32768xf32, #tpu.memory_space<hbm>>
      tpu.enqueue_dma source(%arg5 : memref<32768xf32, #tpu.memory_space<vmem>>) target(%dma_start3A_272 : memref<32768xf32, #tpu.memory_space<hbm>>) target_semaphore(%run_scoped3A : memref<!tpu.dma_semaphore, #tpu.memory_space<semaphore_mem>>)
      %dma_wait3A = tpu.memref_slice %arg4[%add3A_48] : memref<33554432xf32, #tpu.memory_space<hbm>> -> memref<32768xf32, #tpu.memory_space<hbm>>
      %dma_wait3A_273 = tpu.memref_slice %arg4[%add3A_48] : memref<33554432xf32, #tpu.memory_space<hbm>> -> memref<32768xf32, #tpu.memory_space<hbm>>
      tpu.wait_dma2 semaphore(%run_scoped3A : memref<!tpu.dma_semaphore, #tpu.memory_space<semaphore_mem>>) src(%arg5 : memref<32768xf32, #tpu.memory_space<vmem>>) dst(%dma_wait3A_273 : memref<32768xf32, #tpu.memory_space<hbm>>)
      tpu.yield
    }) : () -> ()
    %add3A_54 = arith.constant 16777216 : i32
    %add3A_55 = arith.addi %add3A_54, %mul3A_39 : i32
    "tpu.region"() ({
      %run_scoped3A = tpu.sem_alloc : memref<!tpu.dma_semaphore, #tpu.memory_space<semaphore_mem>>
      %dma_start3A = tpu.memref_slice %arg2[%add3A_55] : memref<33554432xf32, #tpu.memory_space<hbm>> -> memref<32768xf32, #tpu.memory_space<hbm>>
      %dma_start3A_272 = tpu.memref_slice %arg2[%add3A_55] : memref<33554432xf32, #tpu.memory_space<hbm>> -> memref<32768xf32, #tpu.memory_space<hbm>>
      tpu.enqueue_dma source(%dma_start3A_272 : memref<32768xf32, #tpu.memory_space<hbm>>) target(%arg5 : memref<32768xf32, #tpu.memory_space<vmem>>) target_semaphore(%run_scoped3A : memref<!tpu.dma_semaphore, #tpu.memory_space<semaphore_mem>>)
      %dma_wait3A = tpu.memref_slice %arg2[%add3A_55] : memref<33554432xf32, #tpu.memory_space<hbm>> -> memref<32768xf32, #tpu.memory_space<hbm>>
      %dma_wait3A_273 = tpu.memref_slice %arg2[%add3A_55] : memref<33554432xf32, #tpu.memory_space<hbm>> -> memref<32768xf32, #tpu.memory_space<hbm>>
      tpu.wait_dma2 semaphore(%run_scoped3A : memref<!tpu.dma_semaphore, #tpu.memory_space<semaphore_mem>>) src(%dma_wait3A_273 : memref<32768xf32, #tpu.memory_space<hbm>>) dst(%arg5 : memref<32768xf32, #tpu.memory_space<vmem>>)
      tpu.yield
    }) : () -> ()
    %scan3A_56 = arith.constant 0 : i32
    %scan3A_57 = arith.constant 2048 : i32
    %scan3A_58 = arith.addi %scan3A_56, %scan3A_57 : i32
    %scan3A_59 = arith.constant 1 : i32
    scf.for %scan3A_272 = %scan3A_56 to %scan3A_58 step %scan3A_59  : i32 {
      %mul3A_273 = arith.constant 16 : i32
      %mul3A_274 = arith.muli %scan3A_272, %mul3A_273 : i32
      %get3A = arith.index_cast %mul3A_274 : i32 to index
      %get3A_275 = tpu.vector_load %arg6[%get3A] {strides = array<i32>} : memref<32768xf32, #tpu.memory_space<vmem>>, vector<16xf32>,
      %get3A_276 = vector.shape_cast %get3A_275 : vector<16xf32> to vector<16xf32>
      %swap3A = arith.index_cast %mul3A_274 : i32 to index
      %swap3A_277 = tpu.vector_load %arg5[%swap3A] {strides = array<i32>} : memref<32768xf32, #tpu.memory_space<vmem>>, vector<16xf32>,
      %swap3A_278 = vector.shape_cast %swap3A_277 : vector<16xf32> to vector<16xf32>
      %swap3A_279 = vector.shape_cast %get3A_276 : vector<16xf32> to vector<16xf32>
      tpu.vector_store %arg5[%swap3A], %swap3A_279 {add = true, strides = array<i32>} : memref<32768xf32, #tpu.memory_space<vmem>>, vector<16xf32>,
    }
    %scan3A_60 = arith.constant 2048 : i32
    "tpu.region"() ({
      %run_scoped3A = tpu.sem_alloc : memref<!tpu.dma_semaphore, #tpu.memory_space<semaphore_mem>>
      %dma_start3A = tpu.memref_slice %arg4[%add3A_55] : memref<33554432xf32, #tpu.memory_space<hbm>> -> memref<32768xf32, #tpu.memory_space<hbm>>
      %dma_start3A_272 = tpu.memref_slice %arg4[%add3A_55] : memref<33554432xf32, #tpu.memory_space<hbm>> -> memref<32768xf32, #tpu.memory_space<hbm>>
      tpu.enqueue_dma source(%arg5 : memref<32768xf32, #tpu.memory_space<vmem>>) target(%dma_start3A_272 : memref<32768xf32, #tpu.memory_space<hbm>>) target_semaphore(%run_scoped3A : memref<!tpu.dma_semaphore, #tpu.memory_space<semaphore_mem>>)
      %dma_wait3A = tpu.memref_slice %arg4[%add3A_55] : memref<33554432xf32, #tpu.memory_space<hbm>> -> memref<32768xf32, #tpu.memory_space<hbm>>
      %dma_wait3A_273 = tpu.memref_slice %arg4[%add3A_55] : memref<33554432xf32, #tpu.memory_space<hbm>> -> memref<32768xf32, #tpu.memory_space<hbm>>
      tpu.wait_dma2 semaphore(%run_scoped3A : memref<!tpu.dma_semaphore, #tpu.memory_space<semaphore_mem>>) src(%arg5 : memref<32768xf32, #tpu.memory_space<vmem>>) dst(%dma_wait3A_273 : memref<32768xf32, #tpu.memory_space<hbm>>)
      tpu.yield
    }) : () -> ()
    %add3A_61 = arith.constant 25165824 : i32
    %add3A_62 = arith.addi %add3A_61, %mul3A_39 : i32
    "tpu.region"() ({
      %run_scoped3A = tpu.sem_alloc : memref<!tpu.dma_semaphore, #tpu.memory_space<semaphore_mem>>
      %dma_start3A = tpu.memref_slice %arg2[%add3A_62] : memref<33554432xf32, #tpu.memory_space<hbm>> -> memref<32768xf32, #tpu.memory_space<hbm>>
      %dma_start3A_272 = tpu.memref_slice %arg2[%add3A_62] : memref<33554432xf32, #tpu.memory_space<hbm>> -> memref<32768xf32, #tpu.memory_space<hbm>>
      tpu.enqueue_dma source(%dma_start3A_272 : memref<32768xf32, #tpu.memory_space<hbm>>) target(%arg5 : memref<32768xf32, #tpu.memory_space<vmem>>) target_semaphore(%run_scoped3A : memref<!tpu.dma_semaphore, #tpu.memory_space<semaphore_mem>>)
      %dma_wait3A = tpu.memref_slice %arg2[%add3A_62] : memref<33554432xf32, #tpu.memory_space<hbm>> -> memref<32768xf32, #tpu.memory_space<hbm>>
      %dma_wait3A_273 = tpu.memref_slice %arg2[%add3A_62] : memref<33554432xf32, #tpu.memory_space<hbm>> -> memref<32768xf32, #tpu.memory_space<hbm>>
      tpu.wait_dma2 semaphore(%run_scoped3A : memref<!tpu.dma_semaphore, #tpu.memory_space<semaphore_mem>>) src(%dma_wait3A_273 : memref<32768xf32, #tpu.memory_space<hbm>>) dst(%arg5 : memref<32768xf32, #tpu.memory_space<vmem>>)
      tpu.yield
    }) : () -> ()
    %scan3A_63 = arith.constant 0 : i32
    %scan3A_64 = arith.constant 2048 : i32
    %scan3A_65 = arith.addi %scan3A_63, %scan3A_64 : i32
    %scan3A_66 = arith.constant 1 : i32
    scf.for %scan3A_272 = %scan3A_63 to %scan3A_65 step %scan3A_66  : i32 {
      %mul3A_273 = arith.constant 16 : i32
      %mul3A_274 = arith.muli %scan3A_272, %mul3A_273 : i32
      %get3A = arith.index_cast %mul3A_274 : i32 to index
      %get3A_275 = tpu.vector_load %arg6[%get3A] {strides = array<i32>} : memref<32768xf32, #tpu.memory_space<vmem>>, vector<16xf32>,
      %get3A_276 = vector.shape_cast %get3A_275 : vector<16xf32> to vector<16xf32>
      %swap3A = arith.index_cast %mul3A_274 : i32 to index
      %swap3A_277 = tpu.vector_load %arg5[%swap3A] {strides = array<i32>} : memref<32768xf32, #tpu.memory_space<vmem>>, vector<16xf32>,
      %swap3A_278 = vector.shape_cast %swap3A_277 : vector<16xf32> to vector<16xf32>
      %swap3A_279 = vector.shape_cast %get3A_276 : vector<16xf32> to vector<16xf32>
      tpu.vector_store %arg5[%swap3A], %swap3A_279 {add = true, strides = array<i32>} : memref<32768xf32, #tpu.memory_space<vmem>>, vector<16xf32>,
    }
    %scan3A_67 = arith.constant 2048 : i32
    "tpu.region"() ({
      %run_scoped3A = tpu.sem_alloc : memref<!tpu.dma_semaphore, #tpu.memory_space<semaphore_mem>>
      %dma_start3A = tpu.memref_slice %arg4[%add3A_62] : memref<33554432xf32, #tpu.memory_space<hbm>> -> memref<32768xf32, #tpu.memory_space<hbm>>
      %dma_start3A_272 = tpu.memref_slice %arg4[%add3A_62] : memref<33554432xf32, #tpu.memory_space<hbm>> -> memref<32768xf32, #tpu.memory_space<hbm>>
      tpu.enqueue_dma source(%arg5 : memref<32768xf32, #tpu.memory_space<vmem>>) target(%dma_start3A_272 : memref<32768xf32, #tpu.memory_space<hbm>>) target_semaphore(%run_scoped3A : memref<!tpu.dma_semaphore, #tpu.memory_space<semaphore_mem>>)
      %dma_wait3A = tpu.memref_slice %arg4[%add3A_62] : memref<33554432xf32, #tpu.memory_space<hbm>> -> memref<32768xf32, #tpu.memory_space<hbm>>
      %dma_wait3A_273 = tpu.memref_slice %arg4[%add3A_62] : memref<33554432xf32, #tpu.memory_space<hbm>> -> memref<32768xf32, #tpu.memory_space<hbm>>
      tpu.wait_dma2 semaphore(%run_scoped3A : memref<!tpu.dma_semaphore, #tpu.memory_space<semaphore_mem>>) src(%arg5 : memref<32768xf32, #tpu.memory_space<vmem>>) dst(%dma_wait3A_273 : memref<32768xf32, #tpu.memory_space<hbm>>)
      tpu.yield
    }) : () -> ()
    %mul3A_68 = arith.constant 256 : i32
    %mul3A_69 = arith.muli %add3A, %mul3A_68 : i32
    %add3A_70 = arith.constant 64 : i32
    %add3A_71 = arith.addi %mul3A_69, %add3A_70 : i32
    %mul3A_72 = arith.constant 1024 : i32
    %mul3A_73 = arith.muli %add3A_71, %mul3A_72 : i32
    "tpu.region"() ({
      %run_scoped3A = tpu.sem_alloc : memref<!tpu.dma_semaphore, #tpu.memory_space<semaphore_mem>>
      %dma_start3A = tpu.memref_slice %arg3[%mul3A_73] : memref<8388608xf32, #tpu.memory_space<hbm>> -> memref<32768xf32, #tpu.memory_space<hbm>>
      %dma_start3A_272 = tpu.memref_slice %arg3[%mul3A_73] : memref<8388608xf32, #tpu.memory_space<hbm>> -> memref<32768xf32, #tpu.memory_space<hbm>>
      tpu.enqueue_dma source(%dma_start3A_272 : memref<32768xf32, #tpu.memory_space<hbm>>) target(%arg6 : memref<32768xf32, #tpu.memory_space<vmem>>) target_semaphore(%run_scoped3A : memref<!tpu.dma_semaphore, #tpu.memory_space<semaphore_mem>>)
      %dma_wait3A = tpu.memref_slice %arg3[%mul3A_73] : memref<8388608xf32, #tpu.memory_space<hbm>> -> memref<32768xf32, #tpu.memory_space<hbm>>
      %dma_wait3A_273 = tpu.memref_slice %arg3[%mul3A_73] : memref<8388608xf32, #tpu.memory_space<hbm>> -> memref<32768xf32, #tpu.memory_space<hbm>>
      tpu.wait_dma2 semaphore(%run_scoped3A : memref<!tpu.dma_semaphore, #tpu.memory_space<semaphore_mem>>) src(%dma_wait3A_273 : memref<32768xf32, #tpu.memory_space<hbm>>) dst(%arg6 : memref<32768xf32, #tpu.memory_space<vmem>>)
      tpu.yield
    }) : () -> ()
    %add3A_74 = arith.constant 0 : i32
    %add3A_75 = arith.addi %add3A_74, %mul3A_73 : i32
    "tpu.region"() ({
      %run_scoped3A = tpu.sem_alloc : memref<!tpu.dma_semaphore, #tpu.memory_space<semaphore_mem>>
      %dma_start3A = tpu.memref_slice %arg2[%add3A_75] : memref<33554432xf32, #tpu.memory_space<hbm>> -> memref<32768xf32, #tpu.memory_space<hbm>>
      %dma_start3A_272 = tpu.memref_slice %arg2[%add3A_75] : memref<33554432xf32, #tpu.memory_space<hbm>> -> memref<32768xf32, #tpu.memory_space<hbm>>
      tpu.enqueue_dma source(%dma_start3A_272 : memref<32768xf32, #tpu.memory_space<hbm>>) target(%arg5 : memref<32768xf32, #tpu.memory_space<vmem>>) target_semaphore(%run_scoped3A : memref<!tpu.dma_semaphore, #tpu.memory_space<semaphore_mem>>)
      %dma_wait3A = tpu.memref_slice %arg2[%add3A_75] : memref<33554432xf32, #tpu.memory_space<hbm>> -> memref<32768xf32, #tpu.memory_space<hbm>>
      %dma_wait3A_273 = tpu.memref_slice %arg2[%add3A_75] : memref<33554432xf32, #tpu.memory_space<hbm>> -> memref<32768xf32, #tpu.memory_space<hbm>>
      tpu.wait_dma2 semaphore(%run_scoped3A : memref<!tpu.dma_semaphore, #tpu.memory_space<semaphore_mem>>) src(%dma_wait3A_273 : memref<32768xf32, #tpu.memory_space<hbm>>) dst(%arg5 : memref<32768xf32, #tpu.memory_space<vmem>>)
      tpu.yield
    }) : () -> ()
    %scan3A_76 = arith.constant 0 : i32
    %scan3A_77 = arith.constant 2048 : i32
    %scan3A_78 = arith.addi %scan3A_76, %scan3A_77 : i32
    %scan3A_79 = arith.constant 1 : i32
    scf.for %scan3A_272 = %scan3A_76 to %scan3A_78 step %scan3A_79  : i32 {
      %mul3A_273 = arith.constant 16 : i32
      %mul3A_274 = arith.muli %scan3A_272, %mul3A_273 : i32
      %get3A = arith.index_cast %mul3A_274 : i32 to index
      %get3A_275 = tpu.vector_load %arg6[%get3A] {strides = array<i32>} : memref<32768xf32, #tpu.memory_space<vmem>>, vector<16xf32>,
      %get3A_276 = vector.shape_cast %get3A_275 : vector<16xf32> to vector<16xf32>
      %swap3A = arith.index_cast %mul3A_274 : i32 to index
      %swap3A_277 = tpu.vector_load %arg5[%swap3A] {strides = array<i32>} : memref<32768xf32, #tpu.memory_space<vmem>>, vector<16xf32>,
      %swap3A_278 = vector.shape_cast %swap3A_277 : vector<16xf32> to vector<16xf32>
      %swap3A_279 = vector.shape_cast %get3A_276 : vector<16xf32> to vector<16xf32>
      tpu.vector_store %arg5[%swap3A], %swap3A_279 {add = true, strides = array<i32>} : memref<32768xf32, #tpu.memory_space<vmem>>, vector<16xf32>,
    }
    %scan3A_80 = arith.constant 2048 : i32
    "tpu.region"() ({
      %run_scoped3A = tpu.sem_alloc : memref<!tpu.dma_semaphore, #tpu.memory_space<semaphore_mem>>
      %dma_start3A = tpu.memref_slice %arg4[%add3A_75] : memref<33554432xf32, #tpu.memory_space<hbm>> -> memref<32768xf32, #tpu.memory_space<hbm>>
      %dma_start3A_272 = tpu.memref_slice %arg4[%add3A_75] : memref<33554432xf32, #tpu.memory_space<hbm>> -> memref<32768xf32, #tpu.memory_space<hbm>>
      tpu.enqueue_dma source(%arg5 : memref<32768xf32, #tpu.memory_space<vmem>>) target(%dma_start3A_272 : memref<32768xf32, #tpu.memory_space<hbm>>) target_semaphore(%run_scoped3A : memref<!tpu.dma_semaphore, #tpu.memory_space<semaphore_mem>>)
      %dma_wait3A = tpu.memref_slice %arg4[%add3A_75] : memref<33554432xf32, #tpu.memory_space<hbm>> -> memref<32768xf32, #tpu.memory_space<hbm>>
      %dma_wait3A_273 = tpu.memref_slice %arg4[%add3A_75] : memref<33554432xf32, #tpu.memory_space<hbm>> -> memref<32768xf32, #tpu.memory_space<hbm>>
      tpu.wait_dma2 semaphore(%run_scoped3A : memref<!tpu.dma_semaphore, #tpu.memory_space<semaphore_mem>>) src(%arg5 : memref<32768xf32, #tpu.memory_space<vmem>>) dst(%dma_wait3A_273 : memref<32768xf32, #tpu.memory_space<hbm>>)
      tpu.yield
    }) : () -> ()
    %add3A_81 = arith.constant 8388608 : i32
    %add3A_82 = arith.addi %add3A_81, %mul3A_73 : i32
    "tpu.region"() ({
      %run_scoped3A = tpu.sem_alloc : memref<!tpu.dma_semaphore, #tpu.memory_space<semaphore_mem>>
      %dma_start3A = tpu.memref_slice %arg2[%add3A_82] : memref<33554432xf32, #tpu.memory_space<hbm>> -> memref<32768xf32, #tpu.memory_space<hbm>>
      %dma_start3A_272 = tpu.memref_slice %arg2[%add3A_82] : memref<33554432xf32, #tpu.memory_space<hbm>> -> memref<32768xf32, #tpu.memory_space<hbm>>
      tpu.enqueue_dma source(%dma_start3A_272 : memref<32768xf32, #tpu.memory_space<hbm>>) target(%arg5 : memref<32768xf32, #tpu.memory_space<vmem>>) target_semaphore(%run_scoped3A : memref<!tpu.dma_semaphore, #tpu.memory_space<semaphore_mem>>)
      %dma_wait3A = tpu.memref_slice %arg2[%add3A_82] : memref<33554432xf32, #tpu.memory_space<hbm>> -> memref<32768xf32, #tpu.memory_space<hbm>>
      %dma_wait3A_273 = tpu.memref_slice %arg2[%add3A_82] : memref<33554432xf32, #tpu.memory_space<hbm>> -> memref<32768xf32, #tpu.memory_space<hbm>>
      tpu.wait_dma2 semaphore(%run_scoped3A : memref<!tpu.dma_semaphore, #tpu.memory_space<semaphore_mem>>) src(%dma_wait3A_273 : memref<32768xf32, #tpu.memory_space<hbm>>) dst(%arg5 : memref<32768xf32, #tpu.memory_space<vmem>>)
      tpu.yield
    }) : () -> ()
    %scan3A_83 = arith.constant 0 : i32
    %scan3A_84 = arith.constant 2048 : i32
    %scan3A_85 = arith.addi %scan3A_83, %scan3A_84 : i32
    %scan3A_86 = arith.constant 1 : i32
    scf.for %scan3A_272 = %scan3A_83 to %scan3A_85 step %scan3A_86  : i32 {
      %mul3A_273 = arith.constant 16 : i32
      %mul3A_274 = arith.muli %scan3A_272, %mul3A_273 : i32
      %get3A = arith.index_cast %mul3A_274 : i32 to index
      %get3A_275 = tpu.vector_load %arg6[%get3A] {strides = array<i32>} : memref<32768xf32, #tpu.memory_space<vmem>>, vector<16xf32>,
      %get3A_276 = vector.shape_cast %get3A_275 : vector<16xf32> to vector<16xf32>
      %swap3A = arith.index_cast %mul3A_274 : i32 to index
      %swap3A_277 = tpu.vector_load %arg5[%swap3A] {strides = array<i32>} : memref<32768xf32, #tpu.memory_space<vmem>>, vector<16xf32>,
      %swap3A_278 = vector.shape_cast %swap3A_277 : vector<16xf32> to vector<16xf32>
      %swap3A_279 = vector.shape_cast %get3A_276 : vector<16xf32> to vector<16xf32>
      tpu.vector_store %arg5[%swap3A], %swap3A_279 {add = true, strides = array<i32>} : memref<32768xf32, #tpu.memory_space<vmem>>, vector<16xf32>,
    }
    %scan3A_87 = arith.constant 2048 : i32
    "tpu.region"() ({
      %run_scoped3A = tpu.sem_alloc : memref<!tpu.dma_semaphore, #tpu.memory_space<semaphore_mem>>
      %dma_start3A = tpu.memref_slice %arg4[%add3A_82] : memref<33554432xf32, #tpu.memory_space<hbm>> -> memref<32768xf32, #tpu.memory_space<hbm>>
      %dma_start3A_272 = tpu.memref_slice %arg4[%add3A_82] : memref<33554432xf32, #tpu.memory_space<hbm>> -> memref<32768xf32, #tpu.memory_space<hbm>>
      tpu.enqueue_dma source(%arg5 : memref<32768xf32, #tpu.memory_space<vmem>>) target(%dma_start3A_272 : memref<32768xf32, #tpu.memory_space<hbm>>) target_semaphore(%run_scoped3A : memref<!tpu.dma_semaphore, #tpu.memory_space<semaphore_mem>>)
      %dma_wait3A = tpu.memref_slice %arg4[%add3A_82] : memref<33554432xf32, #tpu.memory_space<hbm>> -> memref<32768xf32, #tpu.memory_space<hbm>>
      %dma_wait3A_273 = tpu.memref_slice %arg4[%add3A_82] : memref<33554432xf32, #tpu.memory_space<hbm>> -> memref<32768xf32, #tpu.memory_space<hbm>>
      tpu.wait_dma2 semaphore(%run_scoped3A : memref<!tpu.dma_semaphore, #tpu.memory_space<semaphore_mem>>) src(%arg5 : memref<32768xf32, #tpu.memory_space<vmem>>) dst(%dma_wait3A_273 : memref<32768xf32, #tpu.memory_space<hbm>>)
      tpu.yield
    }) : () -> ()
    %add3A_88 = arith.constant 16777216 : i32
    %add3A_89 = arith.addi %add3A_88, %mul3A_73 : i32
    "tpu.region"() ({
      %run_scoped3A = tpu.sem_alloc : memref<!tpu.dma_semaphore, #tpu.memory_space<semaphore_mem>>
      %dma_start3A = tpu.memref_slice %arg2[%add3A_89] : memref<33554432xf32, #tpu.memory_space<hbm>> -> memref<32768xf32, #tpu.memory_space<hbm>>
      %dma_start3A_272 = tpu.memref_slice %arg2[%add3A_89] : memref<33554432xf32, #tpu.memory_space<hbm>> -> memref<32768xf32, #tpu.memory_space<hbm>>
      tpu.enqueue_dma source(%dma_start3A_272 : memref<32768xf32, #tpu.memory_space<hbm>>) target(%arg5 : memref<32768xf32, #tpu.memory_space<vmem>>) target_semaphore(%run_scoped3A : memref<!tpu.dma_semaphore, #tpu.memory_space<semaphore_mem>>)
      %dma_wait3A = tpu.memref_slice %arg2[%add3A_89] : memref<33554432xf32, #tpu.memory_space<hbm>> -> memref<32768xf32, #tpu.memory_space<hbm>>
      %dma_wait3A_273 = tpu.memref_slice %arg2[%add3A_89] : memref<33554432xf32, #tpu.memory_space<hbm>> -> memref<32768xf32, #tpu.memory_space<hbm>>
      tpu.wait_dma2 semaphore(%run_scoped3A : memref<!tpu.dma_semaphore, #tpu.memory_space<semaphore_mem>>) src(%dma_wait3A_273 : memref<32768xf32, #tpu.memory_space<hbm>>) dst(%arg5 : memref<32768xf32, #tpu.memory_space<vmem>>)
      tpu.yield
    }) : () -> ()
    %scan3A_90 = arith.constant 0 : i32
    %scan3A_91 = arith.constant 2048 : i32
    %scan3A_92 = arith.addi %scan3A_90, %scan3A_91 : i32
    %scan3A_93 = arith.constant 1 : i32
    scf.for %scan3A_272 = %scan3A_90 to %scan3A_92 step %scan3A_93  : i32 {
      %mul3A_273 = arith.constant 16 : i32
      %mul3A_274 = arith.muli %scan3A_272, %mul3A_273 : i32
      %get3A = arith.index_cast %mul3A_274 : i32 to index
      %get3A_275 = tpu.vector_load %arg6[%get3A] {strides = array<i32>} : memref<32768xf32, #tpu.memory_space<vmem>>, vector<16xf32>,
      %get3A_276 = vector.shape_cast %get3A_275 : vector<16xf32> to vector<16xf32>
      %swap3A = arith.index_cast %mul3A_274 : i32 to index
      %swap3A_277 = tpu.vector_load %arg5[%swap3A] {strides = array<i32>} : memref<32768xf32, #tpu.memory_space<vmem>>, vector<16xf32>,
      %swap3A_278 = vector.shape_cast %swap3A_277 : vector<16xf32> to vector<16xf32>
      %swap3A_279 = vector.shape_cast %get3A_276 : vector<16xf32> to vector<16xf32>
      tpu.vector_store %arg5[%swap3A], %swap3A_279 {add = true, strides = array<i32>} : memref<32768xf32, #tpu.memory_space<vmem>>, vector<16xf32>,
    }
    %scan3A_94 = arith.constant 2048 : i32
    "tpu.region"() ({
      %run_scoped3A = tpu.sem_alloc : memref<!tpu.dma_semaphore, #tpu.memory_space<semaphore_mem>>
      %dma_start3A = tpu.memref_slice %arg4[%add3A_89] : memref<33554432xf32, #tpu.memory_space<hbm>> -> memref<32768xf32, #tpu.memory_space<hbm>>
      %dma_start3A_272 = tpu.memref_slice %arg4[%add3A_89] : memref<33554432xf32, #tpu.memory_space<hbm>> -> memref<32768xf32, #tpu.memory_space<hbm>>
      tpu.enqueue_dma source(%arg5 : memref<32768xf32, #tpu.memory_space<vmem>>) target(%dma_start3A_272 : memref<32768xf32, #tpu.memory_space<hbm>>) target_semaphore(%run_scoped3A : memref<!tpu.dma_semaphore, #tpu.memory_space<semaphore_mem>>)
      %dma_wait3A = tpu.memref_slice %arg4[%add3A_89] : memref<33554432xf32, #tpu.memory_space<hbm>> -> memref<32768xf32, #tpu.memory_space<hbm>>
      %dma_wait3A_273 = tpu.memref_slice %arg4[%add3A_89] : memref<33554432xf32, #tpu.memory_space<hbm>> -> memref<32768xf32, #tpu.memory_space<hbm>>
      tpu.wait_dma2 semaphore(%run_scoped3A : memref<!tpu.dma_semaphore, #tpu.memory_space<semaphore_mem>>) src(%arg5 : memref<32768xf32, #tpu.memory_space<vmem>>) dst(%dma_wait3A_273 : memref<32768xf32, #tpu.memory_space<hbm>>)
      tpu.yield
    }) : () -> ()
    %add3A_95 = arith.constant 25165824 : i32
    %add3A_96 = arith.addi %add3A_95, %mul3A_73 : i32
    "tpu.region"() ({
      %run_scoped3A = tpu.sem_alloc : memref<!tpu.dma_semaphore, #tpu.memory_space<semaphore_mem>>
      %dma_start3A = tpu.memref_slice %arg2[%add3A_96] : memref<33554432xf32, #tpu.memory_space<hbm>> -> memref<32768xf32, #tpu.memory_space<hbm>>
      %dma_start3A_272 = tpu.memref_slice %arg2[%add3A_96] : memref<33554432xf32, #tpu.memory_space<hbm>> -> memref<32768xf32, #tpu.memory_space<hbm>>
      tpu.enqueue_dma source(%dma_start3A_272 : memref<32768xf32, #tpu.memory_space<hbm>>) target(%arg5 : memref<32768xf32, #tpu.memory_space<vmem>>) target_semaphore(%run_scoped3A : memref<!tpu.dma_semaphore, #tpu.memory_space<semaphore_mem>>)
      %dma_wait3A = tpu.memref_slice %arg2[%add3A_96] : memref<33554432xf32, #tpu.memory_space<hbm>> -> memref<32768xf32, #tpu.memory_space<hbm>>
      %dma_wait3A_273 = tpu.memref_slice %arg2[%add3A_96] : memref<33554432xf32, #tpu.memory_space<hbm>> -> memref<32768xf32, #tpu.memory_space<hbm>>
      tpu.wait_dma2 semaphore(%run_scoped3A : memref<!tpu.dma_semaphore, #tpu.memory_space<semaphore_mem>>) src(%dma_wait3A_273 : memref<32768xf32, #tpu.memory_space<hbm>>) dst(%arg5 : memref<32768xf32, #tpu.memory_space<vmem>>)
      tpu.yield
    }) : () -> ()
    %scan3A_97 = arith.constant 0 : i32
    %scan3A_98 = arith.constant 2048 : i32
    %scan3A_99 = arith.addi %scan3A_97, %scan3A_98 : i32
    %scan3A_100 = arith.constant 1 : i32
    scf.for %scan3A_272 = %scan3A_97 to %scan3A_99 step %scan3A_100  : i32 {
      %mul3A_273 = arith.constant 16 : i32
      %mul3A_274 = arith.muli %scan3A_272, %mul3A_273 : i32
      %get3A = arith.index_cast %mul3A_274 : i32 to index
      %get3A_275 = tpu.vector_load %arg6[%get3A] {strides = array<i32>} : memref<32768xf32, #tpu.memory_space<vmem>>, vector<16xf32>,
      %get3A_276 = vector.shape_cast %get3A_275 : vector<16xf32> to vector<16xf32>
      %swap3A = arith.index_cast %mul3A_274 : i32 to index
      %swap3A_277 = tpu.vector_load %arg5[%swap3A] {strides = array<i32>} : memref<32768xf32, #tpu.memory_space<vmem>>, vector<16xf32>,
      %swap3A_278 = vector.shape_cast %swap3A_277 : vector<16xf32> to vector<16xf32>
      %swap3A_279 = vector.shape_cast %get3A_276 : vector<16xf32> to vector<16xf32>
      tpu.vector_store %arg5[%swap3A], %swap3A_279 {add = true, strides = array<i32>} : memref<32768xf32, #tpu.memory_space<vmem>>, vector<16xf32>,
    }
    %scan3A_101 = arith.constant 2048 : i32
    "tpu.region"() ({
      %run_scoped3A = tpu.sem_alloc : memref<!tpu.dma_semaphore, #tpu.memory_space<semaphore_mem>>
      %dma_start3A = tpu.memref_slice %arg4[%add3A_96] : memref<33554432xf32, #tpu.memory_space<hbm>> -> memref<32768xf32, #tpu.memory_space<hbm>>
      %dma_start3A_272 = tpu.memref_slice %arg4[%add3A_96] : memref<33554432xf32, #tpu.memory_space<hbm>> -> memref<32768xf32, #tpu.memory_space<hbm>>
      tpu.enqueue_dma source(%arg5 : memref<32768xf32, #tpu.memory_space<vmem>>) target(%dma_start3A_272 : memref<32768xf32, #tpu.memory_space<hbm>>) target_semaphore(%run_scoped3A : memref<!tpu.dma_semaphore, #tpu.memory_space<semaphore_mem>>)
      %dma_wait3A = tpu.memref_slice %arg4[%add3A_96] : memref<33554432xf32, #tpu.memory_space<hbm>> -> memref<32768xf32, #tpu.memory_space<hbm>>
      %dma_wait3A_273 = tpu.memref_slice %arg4[%add3A_96] : memref<33554432xf32, #tpu.memory_space<hbm>> -> memref<32768xf32, #tpu.memory_space<hbm>>
      tpu.wait_dma2 semaphore(%run_scoped3A : memref<!tpu.dma_semaphore, #tpu.memory_space<semaphore_mem>>) src(%arg5 : memref<32768xf32, #tpu.memory_space<vmem>>) dst(%dma_wait3A_273 : memref<32768xf32, #tpu.memory_space<hbm>>)
      tpu.yield
    }) : () -> ()
    %mul3A_102 = arith.constant 256 : i32
    %mul3A_103 = arith.muli %add3A, %mul3A_102 : i32
    %add3A_104 = arith.constant 96 : i32
    %add3A_105 = arith.addi %mul3A_103, %add3A_104 : i32
    %mul3A_106 = arith.constant 1024 : i32
    %mul3A_107 = arith.muli %add3A_105, %mul3A_106 : i32
    "tpu.region"() ({
      %run_scoped3A = tpu.sem_alloc : memref<!tpu.dma_semaphore, #tpu.memory_space<semaphore_mem>>
      %dma_start3A = tpu.memref_slice %arg3[%mul3A_107] : memref<8388608xf32, #tpu.memory_space<hbm>> -> memref<32768xf32, #tpu.memory_space<hbm>>
      %dma_start3A_272 = tpu.memref_slice %arg3[%mul3A_107] : memref<8388608xf32, #tpu.memory_space<hbm>> -> memref<32768xf32, #tpu.memory_space<hbm>>
      tpu.enqueue_dma source(%dma_start3A_272 : memref<32768xf32, #tpu.memory_space<hbm>>) target(%arg6 : memref<32768xf32, #tpu.memory_space<vmem>>) target_semaphore(%run_scoped3A : memref<!tpu.dma_semaphore, #tpu.memory_space<semaphore_mem>>)
      %dma_wait3A = tpu.memref_slice %arg3[%mul3A_107] : memref<8388608xf32, #tpu.memory_space<hbm>> -> memref<32768xf32, #tpu.memory_space<hbm>>
      %dma_wait3A_273 = tpu.memref_slice %arg3[%mul3A_107] : memref<8388608xf32, #tpu.memory_space<hbm>> -> memref<32768xf32, #tpu.memory_space<hbm>>
      tpu.wait_dma2 semaphore(%run_scoped3A : memref<!tpu.dma_semaphore, #tpu.memory_space<semaphore_mem>>) src(%dma_wait3A_273 : memref<32768xf32, #tpu.memory_space<hbm>>) dst(%arg6 : memref<32768xf32, #tpu.memory_space<vmem>>)
      tpu.yield
    }) : () -> ()
    %add3A_108 = arith.constant 0 : i32
    %add3A_109 = arith.addi %add3A_108, %mul3A_107 : i32
    "tpu.region"() ({
      %run_scoped3A = tpu.sem_alloc : memref<!tpu.dma_semaphore, #tpu.memory_space<semaphore_mem>>
      %dma_start3A = tpu.memref_slice %arg2[%add3A_109] : memref<33554432xf32, #tpu.memory_space<hbm>> -> memref<32768xf32, #tpu.memory_space<hbm>>
      %dma_start3A_272 = tpu.memref_slice %arg2[%add3A_109] : memref<33554432xf32, #tpu.memory_space<hbm>> -> memref<32768xf32, #tpu.memory_space<hbm>>
      tpu.enqueue_dma source(%dma_start3A_272 : memref<32768xf32, #tpu.memory_space<hbm>>) target(%arg5 : memref<32768xf32, #tpu.memory_space<vmem>>) target_semaphore(%run_scoped3A : memref<!tpu.dma_semaphore, #tpu.memory_space<semaphore_mem>>)
      %dma_wait3A = tpu.memref_slice %arg2[%add3A_109] : memref<33554432xf32, #tpu.memory_space<hbm>> -> memref<32768xf32, #tpu.memory_space<hbm>>
      %dma_wait3A_273 = tpu.memref_slice %arg2[%add3A_109] : memref<33554432xf32, #tpu.memory_space<hbm>> -> memref<32768xf32, #tpu.memory_space<hbm>>
      tpu.wait_dma2 semaphore(%run_scoped3A : memref<!tpu.dma_semaphore, #tpu.memory_space<semaphore_mem>>) src(%dma_wait3A_273 : memref<32768xf32, #tpu.memory_space<hbm>>) dst(%arg5 : memref<32768xf32, #tpu.memory_space<vmem>>)
      tpu.yield
    }) : () -> ()
    %scan3A_110 = arith.constant 0 : i32
    %scan3A_111 = arith.constant 2048 : i32
    %scan3A_112 = arith.addi %scan3A_110, %scan3A_111 : i32
    %scan3A_113 = arith.constant 1 : i32
    scf.for %scan3A_272 = %scan3A_110 to %scan3A_112 step %scan3A_113  : i32 {
      %mul3A_273 = arith.constant 16 : i32
      %mul3A_274 = arith.muli %scan3A_272, %mul3A_273 : i32
      %get3A = arith.index_cast %mul3A_274 : i32 to index
      %get3A_275 = tpu.vector_load %arg6[%get3A] {strides = array<i32>} : memref<32768xf32, #tpu.memory_space<vmem>>, vector<16xf32>,
      %get3A_276 = vector.shape_cast %get3A_275 : vector<16xf32> to vector<16xf32>
      %swap3A = arith.index_cast %mul3A_274 : i32 to index
      %swap3A_277 = tpu.vector_load %arg5[%swap3A] {strides = array<i32>} : memref<32768xf32, #tpu.memory_space<vmem>>, vector<16xf32>,
      %swap3A_278 = vector.shape_cast %swap3A_277 : vector<16xf32> to vector<16xf32>
      %swap3A_279 = vector.shape_cast %get3A_276 : vector<16xf32> to vector<16xf32>
      tpu.vector_store %arg5[%swap3A], %swap3A_279 {add = true, strides = array<i32>} : memref<32768xf32, #tpu.memory_space<vmem>>, vector<16xf32>,
    }
    %scan3A_114 = arith.constant 2048 : i32
    "tpu.region"() ({
      %run_scoped3A = tpu.sem_alloc : memref<!tpu.dma_semaphore, #tpu.memory_space<semaphore_mem>>
      %dma_start3A = tpu.memref_slice %arg4[%add3A_109] : memref<33554432xf32, #tpu.memory_space<hbm>> -> memref<32768xf32, #tpu.memory_space<hbm>>
      %dma_start3A_272 = tpu.memref_slice %arg4[%add3A_109] : memref<33554432xf32, #tpu.memory_space<hbm>> -> memref<32768xf32, #tpu.memory_space<hbm>>
      tpu.enqueue_dma source(%arg5 : memref<32768xf32, #tpu.memory_space<vmem>>) target(%dma_start3A_272 : memref<32768xf32, #tpu.memory_space<hbm>>) target_semaphore(%run_scoped3A : memref<!tpu.dma_semaphore, #tpu.memory_space<semaphore_mem>>)
      %dma_wait3A = tpu.memref_slice %arg4[%add3A_109] : memref<33554432xf32, #tpu.memory_space<hbm>> -> memref<32768xf32, #tpu.memory_space<hbm>>
      %dma_wait3A_273 = tpu.memref_slice %arg4[%add3A_109] : memref<33554432xf32, #tpu.memory_space<hbm>> -> memref<32768xf32, #tpu.memory_space<hbm>>
      tpu.wait_dma2 semaphore(%run_scoped3A : memref<!tpu.dma_semaphore, #tpu.memory_space<semaphore_mem>>) src(%arg5 : memref<32768xf32, #tpu.memory_space<vmem>>) dst(%dma_wait3A_273 : memref<32768xf32, #tpu.memory_space<hbm>>)
      tpu.yield
    }) : () -> ()
    %add3A_115 = arith.constant 8388608 : i32
    %add3A_116 = arith.addi %add3A_115, %mul3A_107 : i32
    "tpu.region"() ({
      %run_scoped3A = tpu.sem_alloc : memref<!tpu.dma_semaphore, #tpu.memory_space<semaphore_mem>>
      %dma_start3A = tpu.memref_slice %arg2[%add3A_116] : memref<33554432xf32, #tpu.memory_space<hbm>> -> memref<32768xf32, #tpu.memory_space<hbm>>
      %dma_start3A_272 = tpu.memref_slice %arg2[%add3A_116] : memref<33554432xf32, #tpu.memory_space<hbm>> -> memref<32768xf32, #tpu.memory_space<hbm>>
      tpu.enqueue_dma source(%dma_start3A_272 : memref<32768xf32, #tpu.memory_space<hbm>>) target(%arg5 : memref<32768xf32, #tpu.memory_space<vmem>>) target_semaphore(%run_scoped3A : memref<!tpu.dma_semaphore, #tpu.memory_space<semaphore_mem>>)
      %dma_wait3A = tpu.memref_slice %arg2[%add3A_116] : memref<33554432xf32, #tpu.memory_space<hbm>> -> memref<32768xf32, #tpu.memory_space<hbm>>
      %dma_wait3A_273 = tpu.memref_slice %arg2[%add3A_116] : memref<33554432xf32, #tpu.memory_space<hbm>> -> memref<32768xf32, #tpu.memory_space<hbm>>
      tpu.wait_dma2 semaphore(%run_scoped3A : memref<!tpu.dma_semaphore, #tpu.memory_space<semaphore_mem>>) src(%dma_wait3A_273 : memref<32768xf32, #tpu.memory_space<hbm>>) dst(%arg5 : memref<32768xf32, #tpu.memory_space<vmem>>)
      tpu.yield
    }) : () -> ()
    %scan3A_117 = arith.constant 0 : i32
    %scan3A_118 = arith.constant 2048 : i32
    %scan3A_119 = arith.addi %scan3A_117, %scan3A_118 : i32
    %scan3A_120 = arith.constant 1 : i32
    scf.for %scan3A_272 = %scan3A_117 to %scan3A_119 step %scan3A_120  : i32 {
      %mul3A_273 = arith.constant 16 : i32
      %mul3A_274 = arith.muli %scan3A_272, %mul3A_273 : i32
      %get3A = arith.index_cast %mul3A_274 : i32 to index
      %get3A_275 = tpu.vector_load %arg6[%get3A] {strides = array<i32>} : memref<32768xf32, #tpu.memory_space<vmem>>, vector<16xf32>,
      %get3A_276 = vector.shape_cast %get3A_275 : vector<16xf32> to vector<16xf32>
      %swap3A = arith.index_cast %mul3A_274 : i32 to index
      %swap3A_277 = tpu.vector_load %arg5[%swap3A] {strides = array<i32>} : memref<32768xf32, #tpu.memory_space<vmem>>, vector<16xf32>,
      %swap3A_278 = vector.shape_cast %swap3A_277 : vector<16xf32> to vector<16xf32>
      %swap3A_279 = vector.shape_cast %get3A_276 : vector<16xf32> to vector<16xf32>
      tpu.vector_store %arg5[%swap3A], %swap3A_279 {add = true, strides = array<i32>} : memref<32768xf32, #tpu.memory_space<vmem>>, vector<16xf32>,
    }
    %scan3A_121 = arith.constant 2048 : i32
    "tpu.region"() ({
      %run_scoped3A = tpu.sem_alloc : memref<!tpu.dma_semaphore, #tpu.memory_space<semaphore_mem>>
      %dma_start3A = tpu.memref_slice %arg4[%add3A_116] : memref<33554432xf32, #tpu.memory_space<hbm>> -> memref<32768xf32, #tpu.memory_space<hbm>>
      %dma_start3A_272 = tpu.memref_slice %arg4[%add3A_116] : memref<33554432xf32, #tpu.memory_space<hbm>> -> memref<32768xf32, #tpu.memory_space<hbm>>
      tpu.enqueue_dma source(%arg5 : memref<32768xf32, #tpu.memory_space<vmem>>) target(%dma_start3A_272 : memref<32768xf32, #tpu.memory_space<hbm>>) target_semaphore(%run_scoped3A : memref<!tpu.dma_semaphore, #tpu.memory_space<semaphore_mem>>)
      %dma_wait3A = tpu.memref_slice %arg4[%add3A_116] : memref<33554432xf32, #tpu.memory_space<hbm>> -> memref<32768xf32, #tpu.memory_space<hbm>>
      %dma_wait3A_273 = tpu.memref_slice %arg4[%add3A_116] : memref<33554432xf32, #tpu.memory_space<hbm>> -> memref<32768xf32, #tpu.memory_space<hbm>>
      tpu.wait_dma2 semaphore(%run_scoped3A : memref<!tpu.dma_semaphore, #tpu.memory_space<semaphore_mem>>) src(%arg5 : memref<32768xf32, #tpu.memory_space<vmem>>) dst(%dma_wait3A_273 : memref<32768xf32, #tpu.memory_space<hbm>>)
      tpu.yield
    }) : () -> ()
    %add3A_122 = arith.constant 16777216 : i32
    %add3A_123 = arith.addi %add3A_122, %mul3A_107 : i32
    "tpu.region"() ({
      %run_scoped3A = tpu.sem_alloc : memref<!tpu.dma_semaphore, #tpu.memory_space<semaphore_mem>>
      %dma_start3A = tpu.memref_slice %arg2[%add3A_123] : memref<33554432xf32, #tpu.memory_space<hbm>> -> memref<32768xf32, #tpu.memory_space<hbm>>
      %dma_start3A_272 = tpu.memref_slice %arg2[%add3A_123] : memref<33554432xf32, #tpu.memory_space<hbm>> -> memref<32768xf32, #tpu.memory_space<hbm>>
      tpu.enqueue_dma source(%dma_start3A_272 : memref<32768xf32, #tpu.memory_space<hbm>>) target(%arg5 : memref<32768xf32, #tpu.memory_space<vmem>>) target_semaphore(%run_scoped3A : memref<!tpu.dma_semaphore, #tpu.memory_space<semaphore_mem>>)
      %dma_wait3A = tpu.memref_slice %arg2[%add3A_123] : memref<33554432xf32, #tpu.memory_space<hbm>> -> memref<32768xf32, #tpu.memory_space<hbm>>
      %dma_wait3A_273 = tpu.memref_slice %arg2[%add3A_123] : memref<33554432xf32, #tpu.memory_space<hbm>> -> memref<32768xf32, #tpu.memory_space<hbm>>
      tpu.wait_dma2 semaphore(%run_scoped3A : memref<!tpu.dma_semaphore, #tpu.memory_space<semaphore_mem>>) src(%dma_wait3A_273 : memref<32768xf32, #tpu.memory_space<hbm>>) dst(%arg5 : memref<32768xf32, #tpu.memory_space<vmem>>)
      tpu.yield
    }) : () -> ()
    %scan3A_124 = arith.constant 0 : i32
    %scan3A_125 = arith.constant 2048 : i32
    %scan3A_126 = arith.addi %scan3A_124, %scan3A_125 : i32
    %scan3A_127 = arith.constant 1 : i32
    scf.for %scan3A_272 = %scan3A_124 to %scan3A_126 step %scan3A_127  : i32 {
      %mul3A_273 = arith.constant 16 : i32
      %mul3A_274 = arith.muli %scan3A_272, %mul3A_273 : i32
      %get3A = arith.index_cast %mul3A_274 : i32 to index
      %get3A_275 = tpu.vector_load %arg6[%get3A] {strides = array<i32>} : memref<32768xf32, #tpu.memory_space<vmem>>, vector<16xf32>,
      %get3A_276 = vector.shape_cast %get3A_275 : vector<16xf32> to vector<16xf32>
      %swap3A = arith.index_cast %mul3A_274 : i32 to index
      %swap3A_277 = tpu.vector_load %arg5[%swap3A] {strides = array<i32>} : memref<32768xf32, #tpu.memory_space<vmem>>, vector<16xf32>,
      %swap3A_278 = vector.shape_cast %swap3A_277 : vector<16xf32> to vector<16xf32>
      %swap3A_279 = vector.shape_cast %get3A_276 : vector<16xf32> to vector<16xf32>
      tpu.vector_store %arg5[%swap3A], %swap3A_279 {add = true, strides = array<i32>} : memref<32768xf32, #tpu.memory_space<vmem>>, vector<16xf32>,
    }
    %scan3A_128 = arith.constant 2048 : i32
    "tpu.region"() ({
      %run_scoped3A = tpu.sem_alloc : memref<!tpu.dma_semaphore, #tpu.memory_space<semaphore_mem>>
      %dma_start3A = tpu.memref_slice %arg4[%add3A_123] : memref<33554432xf32, #tpu.memory_space<hbm>> -> memref<32768xf32, #tpu.memory_space<hbm>>
      %dma_start3A_272 = tpu.memref_slice %arg4[%add3A_123] : memref<33554432xf32, #tpu.memory_space<hbm>> -> memref<32768xf32, #tpu.memory_space<hbm>>
      tpu.enqueue_dma source(%arg5 : memref<32768xf32, #tpu.memory_space<vmem>>) target(%dma_start3A_272 : memref<32768xf32, #tpu.memory_space<hbm>>) target_semaphore(%run_scoped3A : memref<!tpu.dma_semaphore, #tpu.memory_space<semaphore_mem>>)
      %dma_wait3A = tpu.memref_slice %arg4[%add3A_123] : memref<33554432xf32, #tpu.memory_space<hbm>> -> memref<32768xf32, #tpu.memory_space<hbm>>
      %dma_wait3A_273 = tpu.memref_slice %arg4[%add3A_123] : memref<33554432xf32, #tpu.memory_space<hbm>> -> memref<32768xf32, #tpu.memory_space<hbm>>
      tpu.wait_dma2 semaphore(%run_scoped3A : memref<!tpu.dma_semaphore, #tpu.memory_space<semaphore_mem>>) src(%arg5 : memref<32768xf32, #tpu.memory_space<vmem>>) dst(%dma_wait3A_273 : memref<32768xf32, #tpu.memory_space<hbm>>)
      tpu.yield
    }) : () -> ()
    %add3A_129 = arith.constant 25165824 : i32
    %add3A_130 = arith.addi %add3A_129, %mul3A_107 : i32
    "tpu.region"() ({
      %run_scoped3A = tpu.sem_alloc : memref<!tpu.dma_semaphore, #tpu.memory_space<semaphore_mem>>
      %dma_start3A = tpu.memref_slice %arg2[%add3A_130] : memref<33554432xf32, #tpu.memory_space<hbm>> -> memref<32768xf32, #tpu.memory_space<hbm>>
      %dma_start3A_272 = tpu.memref_slice %arg2[%add3A_130] : memref<33554432xf32, #tpu.memory_space<hbm>> -> memref<32768xf32, #tpu.memory_space<hbm>>
      tpu.enqueue_dma source(%dma_start3A_272 : memref<32768xf32, #tpu.memory_space<hbm>>) target(%arg5 : memref<32768xf32, #tpu.memory_space<vmem>>) target_semaphore(%run_scoped3A : memref<!tpu.dma_semaphore, #tpu.memory_space<semaphore_mem>>)
      %dma_wait3A = tpu.memref_slice %arg2[%add3A_130] : memref<33554432xf32, #tpu.memory_space<hbm>> -> memref<32768xf32, #tpu.memory_space<hbm>>
      %dma_wait3A_273 = tpu.memref_slice %arg2[%add3A_130] : memref<33554432xf32, #tpu.memory_space<hbm>> -> memref<32768xf32, #tpu.memory_space<hbm>>
      tpu.wait_dma2 semaphore(%run_scoped3A : memref<!tpu.dma_semaphore, #tpu.memory_space<semaphore_mem>>) src(%dma_wait3A_273 : memref<32768xf32, #tpu.memory_space<hbm>>) dst(%arg5 : memref<32768xf32, #tpu.memory_space<vmem>>)
      tpu.yield
    }) : () -> ()
    %scan3A_131 = arith.constant 0 : i32
    %scan3A_132 = arith.constant 2048 : i32
    %scan3A_133 = arith.addi %scan3A_131, %scan3A_132 : i32
    %scan3A_134 = arith.constant 1 : i32
    scf.for %scan3A_272 = %scan3A_131 to %scan3A_133 step %scan3A_134  : i32 {
      %mul3A_273 = arith.constant 16 : i32
      %mul3A_274 = arith.muli %scan3A_272, %mul3A_273 : i32
      %get3A = arith.index_cast %mul3A_274 : i32 to index
      %get3A_275 = tpu.vector_load %arg6[%get3A] {strides = array<i32>} : memref<32768xf32, #tpu.memory_space<vmem>>, vector<16xf32>,
      %get3A_276 = vector.shape_cast %get3A_275 : vector<16xf32> to vector<16xf32>
      %swap3A = arith.index_cast %mul3A_274 : i32 to index
      %swap3A_277 = tpu.vector_load %arg5[%swap3A] {strides = array<i32>} : memref<32768xf32, #tpu.memory_space<vmem>>, vector<16xf32>,
      %swap3A_278 = vector.shape_cast %swap3A_277 : vector<16xf32> to vector<16xf32>
      %swap3A_279 = vector.shape_cast %get3A_276 : vector<16xf32> to vector<16xf32>
      tpu.vector_store %arg5[%swap3A], %swap3A_279 {add = true, strides = array<i32>} : memref<32768xf32, #tpu.memory_space<vmem>>, vector<16xf32>,
    }
    %scan3A_135 = arith.constant 2048 : i32
    "tpu.region"() ({
      %run_scoped3A = tpu.sem_alloc : memref<!tpu.dma_semaphore, #tpu.memory_space<semaphore_mem>>
      %dma_start3A = tpu.memref_slice %arg4[%add3A_130] : memref<33554432xf32, #tpu.memory_space<hbm>> -> memref<32768xf32, #tpu.memory_space<hbm>>
      %dma_start3A_272 = tpu.memref_slice %arg4[%add3A_130] : memref<33554432xf32, #tpu.memory_space<hbm>> -> memref<32768xf32, #tpu.memory_space<hbm>>
      tpu.enqueue_dma source(%arg5 : memref<32768xf32, #tpu.memory_space<vmem>>) target(%dma_start3A_272 : memref<32768xf32, #tpu.memory_space<hbm>>) target_semaphore(%run_scoped3A : memref<!tpu.dma_semaphore, #tpu.memory_space<semaphore_mem>>)
      %dma_wait3A = tpu.memref_slice %arg4[%add3A_130] : memref<33554432xf32, #tpu.memory_space<hbm>> -> memref<32768xf32, #tpu.memory_space<hbm>>
      %dma_wait3A_273 = tpu.memref_slice %arg4[%add3A_130] : memref<33554432xf32, #tpu.memory_space<hbm>> -> memref<32768xf32, #tpu.memory_space<hbm>>
      tpu.wait_dma2 semaphore(%run_scoped3A : memref<!tpu.dma_semaphore, #tpu.memory_space<semaphore_mem>>) src(%arg5 : memref<32768xf32, #tpu.memory_space<vmem>>) dst(%dma_wait3A_273 : memref<32768xf32, #tpu.memory_space<hbm>>)
      tpu.yield
    }) : () -> ()
    %mul3A_136 = arith.constant 256 : i32
    %mul3A_137 = arith.muli %add3A, %mul3A_136 : i32
    %add3A_138 = arith.constant 128 : i32
    %add3A_139 = arith.addi %mul3A_137, %add3A_138 : i32
    %mul3A_140 = arith.constant 1024 : i32
    %mul3A_141 = arith.muli %add3A_139, %mul3A_140 : i32
    "tpu.region"() ({
      %run_scoped3A = tpu.sem_alloc : memref<!tpu.dma_semaphore, #tpu.memory_space<semaphore_mem>>
      %dma_start3A = tpu.memref_slice %arg3[%mul3A_141] : memref<8388608xf32, #tpu.memory_space<hbm>> -> memref<32768xf32, #tpu.memory_space<hbm>>
      %dma_start3A_272 = tpu.memref_slice %arg3[%mul3A_141] : memref<8388608xf32, #tpu.memory_space<hbm>> -> memref<32768xf32, #tpu.memory_space<hbm>>
      tpu.enqueue_dma source(%dma_start3A_272 : memref<32768xf32, #tpu.memory_space<hbm>>) target(%arg6 : memref<32768xf32, #tpu.memory_space<vmem>>) target_semaphore(%run_scoped3A : memref<!tpu.dma_semaphore, #tpu.memory_space<semaphore_mem>>)
      %dma_wait3A = tpu.memref_slice %arg3[%mul3A_141] : memref<8388608xf32, #tpu.memory_space<hbm>> -> memref<32768xf32, #tpu.memory_space<hbm>>
      %dma_wait3A_273 = tpu.memref_slice %arg3[%mul3A_141] : memref<8388608xf32, #tpu.memory_space<hbm>> -> memref<32768xf32, #tpu.memory_space<hbm>>
      tpu.wait_dma2 semaphore(%run_scoped3A : memref<!tpu.dma_semaphore, #tpu.memory_space<semaphore_mem>>) src(%dma_wait3A_273 : memref<32768xf32, #tpu.memory_space<hbm>>) dst(%arg6 : memref<32768xf32, #tpu.memory_space<vmem>>)
      tpu.yield
    }) : () -> ()
    %add3A_142 = arith.constant 0 : i32
    %add3A_143 = arith.addi %add3A_142, %mul3A_141 : i32
    "tpu.region"() ({
      %run_scoped3A = tpu.sem_alloc : memref<!tpu.dma_semaphore, #tpu.memory_space<semaphore_mem>>
      %dma_start3A = tpu.memref_slice %arg2[%add3A_143] : memref<33554432xf32, #tpu.memory_space<hbm>> -> memref<32768xf32, #tpu.memory_space<hbm>>
      %dma_start3A_272 = tpu.memref_slice %arg2[%add3A_143] : memref<33554432xf32, #tpu.memory_space<hbm>> -> memref<32768xf32, #tpu.memory_space<hbm>>
      tpu.enqueue_dma source(%dma_start3A_272 : memref<32768xf32, #tpu.memory_space<hbm>>) target(%arg5 : memref<32768xf32, #tpu.memory_space<vmem>>) target_semaphore(%run_scoped3A : memref<!tpu.dma_semaphore, #tpu.memory_space<semaphore_mem>>)
      %dma_wait3A = tpu.memref_slice %arg2[%add3A_143] : memref<33554432xf32, #tpu.memory_space<hbm>> -> memref<32768xf32, #tpu.memory_space<hbm>>
      %dma_wait3A_273 = tpu.memref_slice %arg2[%add3A_143] : memref<33554432xf32, #tpu.memory_space<hbm>> -> memref<32768xf32, #tpu.memory_space<hbm>>
      tpu.wait_dma2 semaphore(%run_scoped3A : memref<!tpu.dma_semaphore, #tpu.memory_space<semaphore_mem>>) src(%dma_wait3A_273 : memref<32768xf32, #tpu.memory_space<hbm>>) dst(%arg5 : memref<32768xf32, #tpu.memory_space<vmem>>)
      tpu.yield
    }) : () -> ()
    %scan3A_144 = arith.constant 0 : i32
    %scan3A_145 = arith.constant 2048 : i32
    %scan3A_146 = arith.addi %scan3A_144, %scan3A_145 : i32
    %scan3A_147 = arith.constant 1 : i32
    scf.for %scan3A_272 = %scan3A_144 to %scan3A_146 step %scan3A_147  : i32 {
      %mul3A_273 = arith.constant 16 : i32
      %mul3A_274 = arith.muli %scan3A_272, %mul3A_273 : i32
      %get3A = arith.index_cast %mul3A_274 : i32 to index
      %get3A_275 = tpu.vector_load %arg6[%get3A] {strides = array<i32>} : memref<32768xf32, #tpu.memory_space<vmem>>, vector<16xf32>,
      %get3A_276 = vector.shape_cast %get3A_275 : vector<16xf32> to vector<16xf32>
      %swap3A = arith.index_cast %mul3A_274 : i32 to index
      %swap3A_277 = tpu.vector_load %arg5[%swap3A] {strides = array<i32>} : memref<32768xf32, #tpu.memory_space<vmem>>, vector<16xf32>,
      %swap3A_278 = vector.shape_cast %swap3A_277 : vector<16xf32> to vector<16xf32>
      %swap3A_279 = vector.shape_cast %get3A_276 : vector<16xf32> to vector<16xf32>
      tpu.vector_store %arg5[%swap3A], %swap3A_279 {add = true, strides = array<i32>} : memref<32768xf32, #tpu.memory_space<vmem>>, vector<16xf32>,
    }
    %scan3A_148 = arith.constant 2048 : i32
    "tpu.region"() ({
      %run_scoped3A = tpu.sem_alloc : memref<!tpu.dma_semaphore, #tpu.memory_space<semaphore_mem>>
      %dma_start3A = tpu.memref_slice %arg4[%add3A_143] : memref<33554432xf32, #tpu.memory_space<hbm>> -> memref<32768xf32, #tpu.memory_space<hbm>>
      %dma_start3A_272 = tpu.memref_slice %arg4[%add3A_143] : memref<33554432xf32, #tpu.memory_space<hbm>> -> memref<32768xf32, #tpu.memory_space<hbm>>
      tpu.enqueue_dma source(%arg5 : memref<32768xf32, #tpu.memory_space<vmem>>) target(%dma_start3A_272 : memref<32768xf32, #tpu.memory_space<hbm>>) target_semaphore(%run_scoped3A : memref<!tpu.dma_semaphore, #tpu.memory_space<semaphore_mem>>)
      %dma_wait3A = tpu.memref_slice %arg4[%add3A_143] : memref<33554432xf32, #tpu.memory_space<hbm>> -> memref<32768xf32, #tpu.memory_space<hbm>>
      %dma_wait3A_273 = tpu.memref_slice %arg4[%add3A_143] : memref<33554432xf32, #tpu.memory_space<hbm>> -> memref<32768xf32, #tpu.memory_space<hbm>>
      tpu.wait_dma2 semaphore(%run_scoped3A : memref<!tpu.dma_semaphore, #tpu.memory_space<semaphore_mem>>) src(%arg5 : memref<32768xf32, #tpu.memory_space<vmem>>) dst(%dma_wait3A_273 : memref<32768xf32, #tpu.memory_space<hbm>>)
      tpu.yield
    }) : () -> ()
    %add3A_149 = arith.constant 8388608 : i32
    %add3A_150 = arith.addi %add3A_149, %mul3A_141 : i32
    "tpu.region"() ({
      %run_scoped3A = tpu.sem_alloc : memref<!tpu.dma_semaphore, #tpu.memory_space<semaphore_mem>>
      %dma_start3A = tpu.memref_slice %arg2[%add3A_150] : memref<33554432xf32, #tpu.memory_space<hbm>> -> memref<32768xf32, #tpu.memory_space<hbm>>
      %dma_start3A_272 = tpu.memref_slice %arg2[%add3A_150] : memref<33554432xf32, #tpu.memory_space<hbm>> -> memref<32768xf32, #tpu.memory_space<hbm>>
      tpu.enqueue_dma source(%dma_start3A_272 : memref<32768xf32, #tpu.memory_space<hbm>>) target(%arg5 : memref<32768xf32, #tpu.memory_space<vmem>>) target_semaphore(%run_scoped3A : memref<!tpu.dma_semaphore, #tpu.memory_space<semaphore_mem>>)
      %dma_wait3A = tpu.memref_slice %arg2[%add3A_150] : memref<33554432xf32, #tpu.memory_space<hbm>> -> memref<32768xf32, #tpu.memory_space<hbm>>
      %dma_wait3A_273 = tpu.memref_slice %arg2[%add3A_150] : memref<33554432xf32, #tpu.memory_space<hbm>> -> memref<32768xf32, #tpu.memory_space<hbm>>
      tpu.wait_dma2 semaphore(%run_scoped3A : memref<!tpu.dma_semaphore, #tpu.memory_space<semaphore_mem>>) src(%dma_wait3A_273 : memref<32768xf32, #tpu.memory_space<hbm>>) dst(%arg5 : memref<32768xf32, #tpu.memory_space<vmem>>)
      tpu.yield
    }) : () -> ()
    %scan3A_151 = arith.constant 0 : i32
    %scan3A_152 = arith.constant 2048 : i32
    %scan3A_153 = arith.addi %scan3A_151, %scan3A_152 : i32
    %scan3A_154 = arith.constant 1 : i32
    scf.for %scan3A_272 = %scan3A_151 to %scan3A_153 step %scan3A_154  : i32 {
      %mul3A_273 = arith.constant 16 : i32
      %mul3A_274 = arith.muli %scan3A_272, %mul3A_273 : i32
      %get3A = arith.index_cast %mul3A_274 : i32 to index
      %get3A_275 = tpu.vector_load %arg6[%get3A] {strides = array<i32>} : memref<32768xf32, #tpu.memory_space<vmem>>, vector<16xf32>,
      %get3A_276 = vector.shape_cast %get3A_275 : vector<16xf32> to vector<16xf32>
      %swap3A = arith.index_cast %mul3A_274 : i32 to index
      %swap3A_277 = tpu.vector_load %arg5[%swap3A] {strides = array<i32>} : memref<32768xf32, #tpu.memory_space<vmem>>, vector<16xf32>,
      %swap3A_278 = vector.shape_cast %swap3A_277 : vector<16xf32> to vector<16xf32>
      %swap3A_279 = vector.shape_cast %get3A_276 : vector<16xf32> to vector<16xf32>
      tpu.vector_store %arg5[%swap3A], %swap3A_279 {add = true, strides = array<i32>} : memref<32768xf32, #tpu.memory_space<vmem>>, vector<16xf32>,
    }
    %scan3A_155 = arith.constant 2048 : i32
    "tpu.region"() ({
      %run_scoped3A = tpu.sem_alloc : memref<!tpu.dma_semaphore, #tpu.memory_space<semaphore_mem>>
      %dma_start3A = tpu.memref_slice %arg4[%add3A_150] : memref<33554432xf32, #tpu.memory_space<hbm>> -> memref<32768xf32, #tpu.memory_space<hbm>>
      %dma_start3A_272 = tpu.memref_slice %arg4[%add3A_150] : memref<33554432xf32, #tpu.memory_space<hbm>> -> memref<32768xf32, #tpu.memory_space<hbm>>
      tpu.enqueue_dma source(%arg5 : memref<32768xf32, #tpu.memory_space<vmem>>) target(%dma_start3A_272 : memref<32768xf32, #tpu.memory_space<hbm>>) target_semaphore(%run_scoped3A : memref<!tpu.dma_semaphore, #tpu.memory_space<semaphore_mem>>)
      %dma_wait3A = tpu.memref_slice %arg4[%add3A_150] : memref<33554432xf32, #tpu.memory_space<hbm>> -> memref<32768xf32, #tpu.memory_space<hbm>>
      %dma_wait3A_273 = tpu.memref_slice %arg4[%add3A_150] : memref<33554432xf32, #tpu.memory_space<hbm>> -> memref<32768xf32, #tpu.memory_space<hbm>>
      tpu.wait_dma2 semaphore(%run_scoped3A : memref<!tpu.dma_semaphore, #tpu.memory_space<semaphore_mem>>) src(%arg5 : memref<32768xf32, #tpu.memory_space<vmem>>) dst(%dma_wait3A_273 : memref<32768xf32, #tpu.memory_space<hbm>>)
      tpu.yield
    }) : () -> ()
    %add3A_156 = arith.constant 16777216 : i32
    %add3A_157 = arith.addi %add3A_156, %mul3A_141 : i32
    "tpu.region"() ({
      %run_scoped3A = tpu.sem_alloc : memref<!tpu.dma_semaphore, #tpu.memory_space<semaphore_mem>>
      %dma_start3A = tpu.memref_slice %arg2[%add3A_157] : memref<33554432xf32, #tpu.memory_space<hbm>> -> memref<32768xf32, #tpu.memory_space<hbm>>
      %dma_start3A_272 = tpu.memref_slice %arg2[%add3A_157] : memref<33554432xf32, #tpu.memory_space<hbm>> -> memref<32768xf32, #tpu.memory_space<hbm>>
      tpu.enqueue_dma source(%dma_start3A_272 : memref<32768xf32, #tpu.memory_space<hbm>>) target(%arg5 : memref<32768xf32, #tpu.memory_space<vmem>>) target_semaphore(%run_scoped3A : memref<!tpu.dma_semaphore, #tpu.memory_space<semaphore_mem>>)
      %dma_wait3A = tpu.memref_slice %arg2[%add3A_157] : memref<33554432xf32, #tpu.memory_space<hbm>> -> memref<32768xf32, #tpu.memory_space<hbm>>
      %dma_wait3A_273 = tpu.memref_slice %arg2[%add3A_157] : memref<33554432xf32, #tpu.memory_space<hbm>> -> memref<32768xf32, #tpu.memory_space<hbm>>
      tpu.wait_dma2 semaphore(%run_scoped3A : memref<!tpu.dma_semaphore, #tpu.memory_space<semaphore_mem>>) src(%dma_wait3A_273 : memref<32768xf32, #tpu.memory_space<hbm>>) dst(%arg5 : memref<32768xf32, #tpu.memory_space<vmem>>)
      tpu.yield
    }) : () -> ()
    %scan3A_158 = arith.constant 0 : i32
    %scan3A_159 = arith.constant 2048 : i32
    %scan3A_160 = arith.addi %scan3A_158, %scan3A_159 : i32
    %scan3A_161 = arith.constant 1 : i32
    scf.for %scan3A_272 = %scan3A_158 to %scan3A_160 step %scan3A_161  : i32 {
      %mul3A_273 = arith.constant 16 : i32
      %mul3A_274 = arith.muli %scan3A_272, %mul3A_273 : i32
      %get3A = arith.index_cast %mul3A_274 : i32 to index
      %get3A_275 = tpu.vector_load %arg6[%get3A] {strides = array<i32>} : memref<32768xf32, #tpu.memory_space<vmem>>, vector<16xf32>,
      %get3A_276 = vector.shape_cast %get3A_275 : vector<16xf32> to vector<16xf32>
      %swap3A = arith.index_cast %mul3A_274 : i32 to index
      %swap3A_277 = tpu.vector_load %arg5[%swap3A] {strides = array<i32>} : memref<32768xf32, #tpu.memory_space<vmem>>, vector<16xf32>,
      %swap3A_278 = vector.shape_cast %swap3A_277 : vector<16xf32> to vector<16xf32>
      %swap3A_279 = vector.shape_cast %get3A_276 : vector<16xf32> to vector<16xf32>
      tpu.vector_store %arg5[%swap3A], %swap3A_279 {add = true, strides = array<i32>} : memref<32768xf32, #tpu.memory_space<vmem>>, vector<16xf32>,
    }
    %scan3A_162 = arith.constant 2048 : i32
    "tpu.region"() ({
      %run_scoped3A = tpu.sem_alloc : memref<!tpu.dma_semaphore, #tpu.memory_space<semaphore_mem>>
      %dma_start3A = tpu.memref_slice %arg4[%add3A_157] : memref<33554432xf32, #tpu.memory_space<hbm>> -> memref<32768xf32, #tpu.memory_space<hbm>>
      %dma_start3A_272 = tpu.memref_slice %arg4[%add3A_157] : memref<33554432xf32, #tpu.memory_space<hbm>> -> memref<32768xf32, #tpu.memory_space<hbm>>
      tpu.enqueue_dma source(%arg5 : memref<32768xf32, #tpu.memory_space<vmem>>) target(%dma_start3A_272 : memref<32768xf32, #tpu.memory_space<hbm>>) target_semaphore(%run_scoped3A : memref<!tpu.dma_semaphore, #tpu.memory_space<semaphore_mem>>)
      %dma_wait3A = tpu.memref_slice %arg4[%add3A_157] : memref<33554432xf32, #tpu.memory_space<hbm>> -> memref<32768xf32, #tpu.memory_space<hbm>>
      %dma_wait3A_273 = tpu.memref_slice %arg4[%add3A_157] : memref<33554432xf32, #tpu.memory_space<hbm>> -> memref<32768xf32, #tpu.memory_space<hbm>>
      tpu.wait_dma2 semaphore(%run_scoped3A : memref<!tpu.dma_semaphore, #tpu.memory_space<semaphore_mem>>) src(%arg5 : memref<32768xf32, #tpu.memory_space<vmem>>) dst(%dma_wait3A_273 : memref<32768xf32, #tpu.memory_space<hbm>>)
      tpu.yield
    }) : () -> ()
    %add3A_163 = arith.constant 25165824 : i32
    %add3A_164 = arith.addi %add3A_163, %mul3A_141 : i32
    "tpu.region"() ({
      %run_scoped3A = tpu.sem_alloc : memref<!tpu.dma_semaphore, #tpu.memory_space<semaphore_mem>>
      %dma_start3A = tpu.memref_slice %arg2[%add3A_164] : memref<33554432xf32, #tpu.memory_space<hbm>> -> memref<32768xf32, #tpu.memory_space<hbm>>
      %dma_start3A_272 = tpu.memref_slice %arg2[%add3A_164] : memref<33554432xf32, #tpu.memory_space<hbm>> -> memref<32768xf32, #tpu.memory_space<hbm>>
      tpu.enqueue_dma source(%dma_start3A_272 : memref<32768xf32, #tpu.memory_space<hbm>>) target(%arg5 : memref<32768xf32, #tpu.memory_space<vmem>>) target_semaphore(%run_scoped3A : memref<!tpu.dma_semaphore, #tpu.memory_space<semaphore_mem>>)
      %dma_wait3A = tpu.memref_slice %arg2[%add3A_164] : memref<33554432xf32, #tpu.memory_space<hbm>> -> memref<32768xf32, #tpu.memory_space<hbm>>
      %dma_wait3A_273 = tpu.memref_slice %arg2[%add3A_164] : memref<33554432xf32, #tpu.memory_space<hbm>> -> memref<32768xf32, #tpu.memory_space<hbm>>
      tpu.wait_dma2 semaphore(%run_scoped3A : memref<!tpu.dma_semaphore, #tpu.memory_space<semaphore_mem>>) src(%dma_wait3A_273 : memref<32768xf32, #tpu.memory_space<hbm>>) dst(%arg5 : memref<32768xf32, #tpu.memory_space<vmem>>)
      tpu.yield
    }) : () -> ()
    %scan3A_165 = arith.constant 0 : i32
    %scan3A_166 = arith.constant 2048 : i32
    %scan3A_167 = arith.addi %scan3A_165, %scan3A_166 : i32
    %scan3A_168 = arith.constant 1 : i32
    scf.for %scan3A_272 = %scan3A_165 to %scan3A_167 step %scan3A_168  : i32 {
      %mul3A_273 = arith.constant 16 : i32
      %mul3A_274 = arith.muli %scan3A_272, %mul3A_273 : i32
      %get3A = arith.index_cast %mul3A_274 : i32 to index
      %get3A_275 = tpu.vector_load %arg6[%get3A] {strides = array<i32>} : memref<32768xf32, #tpu.memory_space<vmem>>, vector<16xf32>,
      %get3A_276 = vector.shape_cast %get3A_275 : vector<16xf32> to vector<16xf32>
      %swap3A = arith.index_cast %mul3A_274 : i32 to index
      %swap3A_277 = tpu.vector_load %arg5[%swap3A] {strides = array<i32>} : memref<32768xf32, #tpu.memory_space<vmem>>, vector<16xf32>,
      %swap3A_278 = vector.shape_cast %swap3A_277 : vector<16xf32> to vector<16xf32>
      %swap3A_279 = vector.shape_cast %get3A_276 : vector<16xf32> to vector<16xf32>
      tpu.vector_store %arg5[%swap3A], %swap3A_279 {add = true, strides = array<i32>} : memref<32768xf32, #tpu.memory_space<vmem>>, vector<16xf32>,
    }
    %scan3A_169 = arith.constant 2048 : i32
    "tpu.region"() ({
      %run_scoped3A = tpu.sem_alloc : memref<!tpu.dma_semaphore, #tpu.memory_space<semaphore_mem>>
      %dma_start3A = tpu.memref_slice %arg4[%add3A_164] : memref<33554432xf32, #tpu.memory_space<hbm>> -> memref<32768xf32, #tpu.memory_space<hbm>>
      %dma_start3A_272 = tpu.memref_slice %arg4[%add3A_164] : memref<33554432xf32, #tpu.memory_space<hbm>> -> memref<32768xf32, #tpu.memory_space<hbm>>
      tpu.enqueue_dma source(%arg5 : memref<32768xf32, #tpu.memory_space<vmem>>) target(%dma_start3A_272 : memref<32768xf32, #tpu.memory_space<hbm>>) target_semaphore(%run_scoped3A : memref<!tpu.dma_semaphore, #tpu.memory_space<semaphore_mem>>)
      %dma_wait3A = tpu.memref_slice %arg4[%add3A_164] : memref<33554432xf32, #tpu.memory_space<hbm>> -> memref<32768xf32, #tpu.memory_space<hbm>>
      %dma_wait3A_273 = tpu.memref_slice %arg4[%add3A_164] : memref<33554432xf32, #tpu.memory_space<hbm>> -> memref<32768xf32, #tpu.memory_space<hbm>>
      tpu.wait_dma2 semaphore(%run_scoped3A : memref<!tpu.dma_semaphore, #tpu.memory_space<semaphore_mem>>) src(%arg5 : memref<32768xf32, #tpu.memory_space<vmem>>) dst(%dma_wait3A_273 : memref<32768xf32, #tpu.memory_space<hbm>>)
      tpu.yield
    }) : () -> ()
    %mul3A_170 = arith.constant 256 : i32
    %mul3A_171 = arith.muli %add3A, %mul3A_170 : i32
    %add3A_172 = arith.constant 160 : i32
    %add3A_173 = arith.addi %mul3A_171, %add3A_172 : i32
    %mul3A_174 = arith.constant 1024 : i32
    %mul3A_175 = arith.muli %add3A_173, %mul3A_174 : i32
    "tpu.region"() ({
      %run_scoped3A = tpu.sem_alloc : memref<!tpu.dma_semaphore, #tpu.memory_space<semaphore_mem>>
      %dma_start3A = tpu.memref_slice %arg3[%mul3A_175] : memref<8388608xf32, #tpu.memory_space<hbm>> -> memref<32768xf32, #tpu.memory_space<hbm>>
      %dma_start3A_272 = tpu.memref_slice %arg3[%mul3A_175] : memref<8388608xf32, #tpu.memory_space<hbm>> -> memref<32768xf32, #tpu.memory_space<hbm>>
      tpu.enqueue_dma source(%dma_start3A_272 : memref<32768xf32, #tpu.memory_space<hbm>>) target(%arg6 : memref<32768xf32, #tpu.memory_space<vmem>>) target_semaphore(%run_scoped3A : memref<!tpu.dma_semaphore, #tpu.memory_space<semaphore_mem>>)
      %dma_wait3A = tpu.memref_slice %arg3[%mul3A_175] : memref<8388608xf32, #tpu.memory_space<hbm>> -> memref<32768xf32, #tpu.memory_space<hbm>>
      %dma_wait3A_273 = tpu.memref_slice %arg3[%mul3A_175] : memref<8388608xf32, #tpu.memory_space<hbm>> -> memref<32768xf32, #tpu.memory_space<hbm>>
      tpu.wait_dma2 semaphore(%run_scoped3A : memref<!tpu.dma_semaphore, #tpu.memory_space<semaphore_mem>>) src(%dma_wait3A_273 : memref<32768xf32, #tpu.memory_space<hbm>>) dst(%arg6 : memref<32768xf32, #tpu.memory_space<vmem>>)
      tpu.yield
    }) : () -> ()
    %add3A_176 = arith.constant 0 : i32
    %add3A_177 = arith.addi %add3A_176, %mul3A_175 : i32
    "tpu.region"() ({
      %run_scoped3A = tpu.sem_alloc : memref<!tpu.dma_semaphore, #tpu.memory_space<semaphore_mem>>
      %dma_start3A = tpu.memref_slice %arg2[%add3A_177] : memref<33554432xf32, #tpu.memory_space<hbm>> -> memref<32768xf32, #tpu.memory_space<hbm>>
      %dma_start3A_272 = tpu.memref_slice %arg2[%add3A_177] : memref<33554432xf32, #tpu.memory_space<hbm>> -> memref<32768xf32, #tpu.memory_space<hbm>>
      tpu.enqueue_dma source(%dma_start3A_272 : memref<32768xf32, #tpu.memory_space<hbm>>) target(%arg5 : memref<32768xf32, #tpu.memory_space<vmem>>) target_semaphore(%run_scoped3A : memref<!tpu.dma_semaphore, #tpu.memory_space<semaphore_mem>>)
      %dma_wait3A = tpu.memref_slice %arg2[%add3A_177] : memref<33554432xf32, #tpu.memory_space<hbm>> -> memref<32768xf32, #tpu.memory_space<hbm>>
      %dma_wait3A_273 = tpu.memref_slice %arg2[%add3A_177] : memref<33554432xf32, #tpu.memory_space<hbm>> -> memref<32768xf32, #tpu.memory_space<hbm>>
      tpu.wait_dma2 semaphore(%run_scoped3A : memref<!tpu.dma_semaphore, #tpu.memory_space<semaphore_mem>>) src(%dma_wait3A_273 : memref<32768xf32, #tpu.memory_space<hbm>>) dst(%arg5 : memref<32768xf32, #tpu.memory_space<vmem>>)
      tpu.yield
    }) : () -> ()
    %scan3A_178 = arith.constant 0 : i32
    %scan3A_179 = arith.constant 2048 : i32
    %scan3A_180 = arith.addi %scan3A_178, %scan3A_179 : i32
    %scan3A_181 = arith.constant 1 : i32
    scf.for %scan3A_272 = %scan3A_178 to %scan3A_180 step %scan3A_181  : i32 {
      %mul3A_273 = arith.constant 16 : i32
      %mul3A_274 = arith.muli %scan3A_272, %mul3A_273 : i32
      %get3A = arith.index_cast %mul3A_274 : i32 to index
      %get3A_275 = tpu.vector_load %arg6[%get3A] {strides = array<i32>} : memref<32768xf32, #tpu.memory_space<vmem>>, vector<16xf32>,
      %get3A_276 = vector.shape_cast %get3A_275 : vector<16xf32> to vector<16xf32>
      %swap3A = arith.index_cast %mul3A_274 : i32 to index
      %swap3A_277 = tpu.vector_load %arg5[%swap3A] {strides = array<i32>} : memref<32768xf32, #tpu.memory_space<vmem>>, vector<16xf32>,
      %swap3A_278 = vector.shape_cast %swap3A_277 : vector<16xf32> to vector<16xf32>
      %swap3A_279 = vector.shape_cast %get3A_276 : vector<16xf32> to vector<16xf32>
      tpu.vector_store %arg5[%swap3A], %swap3A_279 {add = true, strides = array<i32>} : memref<32768xf32, #tpu.memory_space<vmem>>, vector<16xf32>,
    }
    %scan3A_182 = arith.constant 2048 : i32
    "tpu.region"() ({
      %run_scoped3A = tpu.sem_alloc : memref<!tpu.dma_semaphore, #tpu.memory_space<semaphore_mem>>
      %dma_start3A = tpu.memref_slice %arg4[%add3A_177] : memref<33554432xf32, #tpu.memory_space<hbm>> -> memref<32768xf32, #tpu.memory_space<hbm>>
      %dma_start3A_272 = tpu.memref_slice %arg4[%add3A_177] : memref<33554432xf32, #tpu.memory_space<hbm>> -> memref<32768xf32, #tpu.memory_space<hbm>>
      tpu.enqueue_dma source(%arg5 : memref<32768xf32, #tpu.memory_space<vmem>>) target(%dma_start3A_272 : memref<32768xf32, #tpu.memory_space<hbm>>) target_semaphore(%run_scoped3A : memref<!tpu.dma_semaphore, #tpu.memory_space<semaphore_mem>>)
      %dma_wait3A = tpu.memref_slice %arg4[%add3A_177] : memref<33554432xf32, #tpu.memory_space<hbm>> -> memref<32768xf32, #tpu.memory_space<hbm>>
      %dma_wait3A_273 = tpu.memref_slice %arg4[%add3A_177] : memref<33554432xf32, #tpu.memory_space<hbm>> -> memref<32768xf32, #tpu.memory_space<hbm>>
      tpu.wait_dma2 semaphore(%run_scoped3A : memref<!tpu.dma_semaphore, #tpu.memory_space<semaphore_mem>>) src(%arg5 : memref<32768xf32, #tpu.memory_space<vmem>>) dst(%dma_wait3A_273 : memref<32768xf32, #tpu.memory_space<hbm>>)
      tpu.yield
    }) : () -> ()
    %add3A_183 = arith.constant 8388608 : i32
    %add3A_184 = arith.addi %add3A_183, %mul3A_175 : i32
    "tpu.region"() ({
      %run_scoped3A = tpu.sem_alloc : memref<!tpu.dma_semaphore, #tpu.memory_space<semaphore_mem>>
      %dma_start3A = tpu.memref_slice %arg2[%add3A_184] : memref<33554432xf32, #tpu.memory_space<hbm>> -> memref<32768xf32, #tpu.memory_space<hbm>>
      %dma_start3A_272 = tpu.memref_slice %arg2[%add3A_184] : memref<33554432xf32, #tpu.memory_space<hbm>> -> memref<32768xf32, #tpu.memory_space<hbm>>
      tpu.enqueue_dma source(%dma_start3A_272 : memref<32768xf32, #tpu.memory_space<hbm>>) target(%arg5 : memref<32768xf32, #tpu.memory_space<vmem>>) target_semaphore(%run_scoped3A : memref<!tpu.dma_semaphore, #tpu.memory_space<semaphore_mem>>)
      %dma_wait3A = tpu.memref_slice %arg2[%add3A_184] : memref<33554432xf32, #tpu.memory_space<hbm>> -> memref<32768xf32, #tpu.memory_space<hbm>>
      %dma_wait3A_273 = tpu.memref_slice %arg2[%add3A_184] : memref<33554432xf32, #tpu.memory_space<hbm>> -> memref<32768xf32, #tpu.memory_space<hbm>>
      tpu.wait_dma2 semaphore(%run_scoped3A : memref<!tpu.dma_semaphore, #tpu.memory_space<semaphore_mem>>) src(%dma_wait3A_273 : memref<32768xf32, #tpu.memory_space<hbm>>) dst(%arg5 : memref<32768xf32, #tpu.memory_space<vmem>>)
      tpu.yield
    }) : () -> ()
    %scan3A_185 = arith.constant 0 : i32
    %scan3A_186 = arith.constant 2048 : i32
    %scan3A_187 = arith.addi %scan3A_185, %scan3A_186 : i32
    %scan3A_188 = arith.constant 1 : i32
    scf.for %scan3A_272 = %scan3A_185 to %scan3A_187 step %scan3A_188  : i32 {
      %mul3A_273 = arith.constant 16 : i32
      %mul3A_274 = arith.muli %scan3A_272, %mul3A_273 : i32
      %get3A = arith.index_cast %mul3A_274 : i32 to index
      %get3A_275 = tpu.vector_load %arg6[%get3A] {strides = array<i32>} : memref<32768xf32, #tpu.memory_space<vmem>>, vector<16xf32>,
      %get3A_276 = vector.shape_cast %get3A_275 : vector<16xf32> to vector<16xf32>
      %swap3A = arith.index_cast %mul3A_274 : i32 to index
      %swap3A_277 = tpu.vector_load %arg5[%swap3A] {strides = array<i32>} : memref<32768xf32, #tpu.memory_space<vmem>>, vector<16xf32>,
      %swap3A_278 = vector.shape_cast %swap3A_277 : vector<16xf32> to vector<16xf32>
      %swap3A_279 = vector.shape_cast %get3A_276 : vector<16xf32> to vector<16xf32>
      tpu.vector_store %arg5[%swap3A], %swap3A_279 {add = true, strides = array<i32>} : memref<32768xf32, #tpu.memory_space<vmem>>, vector<16xf32>,
    }
    %scan3A_189 = arith.constant 2048 : i32
    "tpu.region"() ({
      %run_scoped3A = tpu.sem_alloc : memref<!tpu.dma_semaphore, #tpu.memory_space<semaphore_mem>>
      %dma_start3A = tpu.memref_slice %arg4[%add3A_184] : memref<33554432xf32, #tpu.memory_space<hbm>> -> memref<32768xf32, #tpu.memory_space<hbm>>
      %dma_start3A_272 = tpu.memref_slice %arg4[%add3A_184] : memref<33554432xf32, #tpu.memory_space<hbm>> -> memref<32768xf32, #tpu.memory_space<hbm>>
      tpu.enqueue_dma source(%arg5 : memref<32768xf32, #tpu.memory_space<vmem>>) target(%dma_start3A_272 : memref<32768xf32, #tpu.memory_space<hbm>>) target_semaphore(%run_scoped3A : memref<!tpu.dma_semaphore, #tpu.memory_space<semaphore_mem>>)
      %dma_wait3A = tpu.memref_slice %arg4[%add3A_184] : memref<33554432xf32, #tpu.memory_space<hbm>> -> memref<32768xf32, #tpu.memory_space<hbm>>
      %dma_wait3A_273 = tpu.memref_slice %arg4[%add3A_184] : memref<33554432xf32, #tpu.memory_space<hbm>> -> memref<32768xf32, #tpu.memory_space<hbm>>
      tpu.wait_dma2 semaphore(%run_scoped3A : memref<!tpu.dma_semaphore, #tpu.memory_space<semaphore_mem>>) src(%arg5 : memref<32768xf32, #tpu.memory_space<vmem>>) dst(%dma_wait3A_273 : memref<32768xf32, #tpu.memory_space<hbm>>)
      tpu.yield
    }) : () -> ()
    %add3A_190 = arith.constant 16777216 : i32
    %add3A_191 = arith.addi %add3A_190, %mul3A_175 : i32
    "tpu.region"() ({
      %run_scoped3A = tpu.sem_alloc : memref<!tpu.dma_semaphore, #tpu.memory_space<semaphore_mem>>
      %dma_start3A = tpu.memref_slice %arg2[%add3A_191] : memref<33554432xf32, #tpu.memory_space<hbm>> -> memref<32768xf32, #tpu.memory_space<hbm>>
      %dma_start3A_272 = tpu.memref_slice %arg2[%add3A_191] : memref<33554432xf32, #tpu.memory_space<hbm>> -> memref<32768xf32, #tpu.memory_space<hbm>>
      tpu.enqueue_dma source(%dma_start3A_272 : memref<32768xf32, #tpu.memory_space<hbm>>) target(%arg5 : memref<32768xf32, #tpu.memory_space<vmem>>) target_semaphore(%run_scoped3A : memref<!tpu.dma_semaphore, #tpu.memory_space<semaphore_mem>>)
      %dma_wait3A = tpu.memref_slice %arg2[%add3A_191] : memref<33554432xf32, #tpu.memory_space<hbm>> -> memref<32768xf32, #tpu.memory_space<hbm>>
      %dma_wait3A_273 = tpu.memref_slice %arg2[%add3A_191] : memref<33554432xf32, #tpu.memory_space<hbm>> -> memref<32768xf32, #tpu.memory_space<hbm>>
      tpu.wait_dma2 semaphore(%run_scoped3A : memref<!tpu.dma_semaphore, #tpu.memory_space<semaphore_mem>>) src(%dma_wait3A_273 : memref<32768xf32, #tpu.memory_space<hbm>>) dst(%arg5 : memref<32768xf32, #tpu.memory_space<vmem>>)
      tpu.yield
    }) : () -> ()
    %scan3A_192 = arith.constant 0 : i32
    %scan3A_193 = arith.constant 2048 : i32
    %scan3A_194 = arith.addi %scan3A_192, %scan3A_193 : i32
    %scan3A_195 = arith.constant 1 : i32
    scf.for %scan3A_272 = %scan3A_192 to %scan3A_194 step %scan3A_195  : i32 {
      %mul3A_273 = arith.constant 16 : i32
      %mul3A_274 = arith.muli %scan3A_272, %mul3A_273 : i32
      %get3A = arith.index_cast %mul3A_274 : i32 to index
      %get3A_275 = tpu.vector_load %arg6[%get3A] {strides = array<i32>} : memref<32768xf32, #tpu.memory_space<vmem>>, vector<16xf32>,
      %get3A_276 = vector.shape_cast %get3A_275 : vector<16xf32> to vector<16xf32>
      %swap3A = arith.index_cast %mul3A_274 : i32 to index
      %swap3A_277 = tpu.vector_load %arg5[%swap3A] {strides = array<i32>} : memref<32768xf32, #tpu.memory_space<vmem>>, vector<16xf32>,
      %swap3A_278 = vector.shape_cast %swap3A_277 : vector<16xf32> to vector<16xf32>
      %swap3A_279 = vector.shape_cast %get3A_276 : vector<16xf32> to vector<16xf32>
      tpu.vector_store %arg5[%swap3A], %swap3A_279 {add = true, strides = array<i32>} : memref<32768xf32, #tpu.memory_space<vmem>>, vector<16xf32>,
    }
    %scan3A_196 = arith.constant 2048 : i32
    "tpu.region"() ({
      %run_scoped3A = tpu.sem_alloc : memref<!tpu.dma_semaphore, #tpu.memory_space<semaphore_mem>>
      %dma_start3A = tpu.memref_slice %arg4[%add3A_191] : memref<33554432xf32, #tpu.memory_space<hbm>> -> memref<32768xf32, #tpu.memory_space<hbm>>
      %dma_start3A_272 = tpu.memref_slice %arg4[%add3A_191] : memref<33554432xf32, #tpu.memory_space<hbm>> -> memref<32768xf32, #tpu.memory_space<hbm>>
      tpu.enqueue_dma source(%arg5 : memref<32768xf32, #tpu.memory_space<vmem>>) target(%dma_start3A_272 : memref<32768xf32, #tpu.memory_space<hbm>>) target_semaphore(%run_scoped3A : memref<!tpu.dma_semaphore, #tpu.memory_space<semaphore_mem>>)
      %dma_wait3A = tpu.memref_slice %arg4[%add3A_191] : memref<33554432xf32, #tpu.memory_space<hbm>> -> memref<32768xf32, #tpu.memory_space<hbm>>
      %dma_wait3A_273 = tpu.memref_slice %arg4[%add3A_191] : memref<33554432xf32, #tpu.memory_space<hbm>> -> memref<32768xf32, #tpu.memory_space<hbm>>
      tpu.wait_dma2 semaphore(%run_scoped3A : memref<!tpu.dma_semaphore, #tpu.memory_space<semaphore_mem>>) src(%arg5 : memref<32768xf32, #tpu.memory_space<vmem>>) dst(%dma_wait3A_273 : memref<32768xf32, #tpu.memory_space<hbm>>)
      tpu.yield
    }) : () -> ()
    %add3A_197 = arith.constant 25165824 : i32
    %add3A_198 = arith.addi %add3A_197, %mul3A_175 : i32
    "tpu.region"() ({
      %run_scoped3A = tpu.sem_alloc : memref<!tpu.dma_semaphore, #tpu.memory_space<semaphore_mem>>
      %dma_start3A = tpu.memref_slice %arg2[%add3A_198] : memref<33554432xf32, #tpu.memory_space<hbm>> -> memref<32768xf32, #tpu.memory_space<hbm>>
      %dma_start3A_272 = tpu.memref_slice %arg2[%add3A_198] : memref<33554432xf32, #tpu.memory_space<hbm>> -> memref<32768xf32, #tpu.memory_space<hbm>>
      tpu.enqueue_dma source(%dma_start3A_272 : memref<32768xf32, #tpu.memory_space<hbm>>) target(%arg5 : memref<32768xf32, #tpu.memory_space<vmem>>) target_semaphore(%run_scoped3A : memref<!tpu.dma_semaphore, #tpu.memory_space<semaphore_mem>>)
      %dma_wait3A = tpu.memref_slice %arg2[%add3A_198] : memref<33554432xf32, #tpu.memory_space<hbm>> -> memref<32768xf32, #tpu.memory_space<hbm>>
      %dma_wait3A_273 = tpu.memref_slice %arg2[%add3A_198] : memref<33554432xf32, #tpu.memory_space<hbm>> -> memref<32768xf32, #tpu.memory_space<hbm>>
      tpu.wait_dma2 semaphore(%run_scoped3A : memref<!tpu.dma_semaphore, #tpu.memory_space<semaphore_mem>>) src(%dma_wait3A_273 : memref<32768xf32, #tpu.memory_space<hbm>>) dst(%arg5 : memref<32768xf32, #tpu.memory_space<vmem>>)
      tpu.yield
    }) : () -> ()
    %scan3A_199 = arith.constant 0 : i32
    %scan3A_200 = arith.constant 2048 : i32
    %scan3A_201 = arith.addi %scan3A_199, %scan3A_200 : i32
    %scan3A_202 = arith.constant 1 : i32
    scf.for %scan3A_272 = %scan3A_199 to %scan3A_201 step %scan3A_202  : i32 {
      %mul3A_273 = arith.constant 16 : i32
      %mul3A_274 = arith.muli %scan3A_272, %mul3A_273 : i32
      %get3A = arith.index_cast %mul3A_274 : i32 to index
      %get3A_275 = tpu.vector_load %arg6[%get3A] {strides = array<i32>} : memref<32768xf32, #tpu.memory_space<vmem>>, vector<16xf32>,
      %get3A_276 = vector.shape_cast %get3A_275 : vector<16xf32> to vector<16xf32>
      %swap3A = arith.index_cast %mul3A_274 : i32 to index
      %swap3A_277 = tpu.vector_load %arg5[%swap3A] {strides = array<i32>} : memref<32768xf32, #tpu.memory_space<vmem>>, vector<16xf32>,
      %swap3A_278 = vector.shape_cast %swap3A_277 : vector<16xf32> to vector<16xf32>
      %swap3A_279 = vector.shape_cast %get3A_276 : vector<16xf32> to vector<16xf32>
      tpu.vector_store %arg5[%swap3A], %swap3A_279 {add = true, strides = array<i32>} : memref<32768xf32, #tpu.memory_space<vmem>>, vector<16xf32>,
    }
    %scan3A_203 = arith.constant 2048 : i32
    "tpu.region"() ({
      %run_scoped3A = tpu.sem_alloc : memref<!tpu.dma_semaphore, #tpu.memory_space<semaphore_mem>>
      %dma_start3A = tpu.memref_slice %arg4[%add3A_198] : memref<33554432xf32, #tpu.memory_space<hbm>> -> memref<32768xf32, #tpu.memory_space<hbm>>
      %dma_start3A_272 = tpu.memref_slice %arg4[%add3A_198] : memref<33554432xf32, #tpu.memory_space<hbm>> -> memref<32768xf32, #tpu.memory_space<hbm>>
      tpu.enqueue_dma source(%arg5 : memref<32768xf32, #tpu.memory_space<vmem>>) target(%dma_start3A_272 : memref<32768xf32, #tpu.memory_space<hbm>>) target_semaphore(%run_scoped3A : memref<!tpu.dma_semaphore, #tpu.memory_space<semaphore_mem>>)
      %dma_wait3A = tpu.memref_slice %arg4[%add3A_198] : memref<33554432xf32, #tpu.memory_space<hbm>> -> memref<32768xf32, #tpu.memory_space<hbm>>
      %dma_wait3A_273 = tpu.memref_slice %arg4[%add3A_198] : memref<33554432xf32, #tpu.memory_space<hbm>> -> memref<32768xf32, #tpu.memory_space<hbm>>
      tpu.wait_dma2 semaphore(%run_scoped3A : memref<!tpu.dma_semaphore, #tpu.memory_space<semaphore_mem>>) src(%arg5 : memref<32768xf32, #tpu.memory_space<vmem>>) dst(%dma_wait3A_273 : memref<32768xf32, #tpu.memory_space<hbm>>)
      tpu.yield
    }) : () -> ()
    %mul3A_204 = arith.constant 256 : i32
    %mul3A_205 = arith.muli %add3A, %mul3A_204 : i32
    %add3A_206 = arith.constant 192 : i32
    %add3A_207 = arith.addi %mul3A_205, %add3A_206 : i32
    %mul3A_208 = arith.constant 1024 : i32
    %mul3A_209 = arith.muli %add3A_207, %mul3A_208 : i32
    "tpu.region"() ({
      %run_scoped3A = tpu.sem_alloc : memref<!tpu.dma_semaphore, #tpu.memory_space<semaphore_mem>>
      %dma_start3A = tpu.memref_slice %arg3[%mul3A_209] : memref<8388608xf32, #tpu.memory_space<hbm>> -> memref<32768xf32, #tpu.memory_space<hbm>>
      %dma_start3A_272 = tpu.memref_slice %arg3[%mul3A_209] : memref<8388608xf32, #tpu.memory_space<hbm>> -> memref<32768xf32, #tpu.memory_space<hbm>>
      tpu.enqueue_dma source(%dma_start3A_272 : memref<32768xf32, #tpu.memory_space<hbm>>) target(%arg6 : memref<32768xf32, #tpu.memory_space<vmem>>) target_semaphore(%run_scoped3A : memref<!tpu.dma_semaphore, #tpu.memory_space<semaphore_mem>>)
      %dma_wait3A = tpu.memref_slice %arg3[%mul3A_209] : memref<8388608xf32, #tpu.memory_space<hbm>> -> memref<32768xf32, #tpu.memory_space<hbm>>
      %dma_wait3A_273 = tpu.memref_slice %arg3[%mul3A_209] : memref<8388608xf32, #tpu.memory_space<hbm>> -> memref<32768xf32, #tpu.memory_space<hbm>>
      tpu.wait_dma2 semaphore(%run_scoped3A : memref<!tpu.dma_semaphore, #tpu.memory_space<semaphore_mem>>) src(%dma_wait3A_273 : memref<32768xf32, #tpu.memory_space<hbm>>) dst(%arg6 : memref<32768xf32, #tpu.memory_space<vmem>>)
      tpu.yield
    }) : () -> ()
    %add3A_210 = arith.constant 0 : i32
    %add3A_211 = arith.addi %add3A_210, %mul3A_209 : i32
    "tpu.region"() ({
      %run_scoped3A = tpu.sem_alloc : memref<!tpu.dma_semaphore, #tpu.memory_space<semaphore_mem>>
      %dma_start3A = tpu.memref_slice %arg2[%add3A_211] : memref<33554432xf32, #tpu.memory_space<hbm>> -> memref<32768xf32, #tpu.memory_space<hbm>>
      %dma_start3A_272 = tpu.memref_slice %arg2[%add3A_211] : memref<33554432xf32, #tpu.memory_space<hbm>> -> memref<32768xf32, #tpu.memory_space<hbm>>
      tpu.enqueue_dma source(%dma_start3A_272 : memref<32768xf32, #tpu.memory_space<hbm>>) target(%arg5 : memref<32768xf32, #tpu.memory_space<vmem>>) target_semaphore(%run_scoped3A : memref<!tpu.dma_semaphore, #tpu.memory_space<semaphore_mem>>)
      %dma_wait3A = tpu.memref_slice %arg2[%add3A_211] : memref<33554432xf32, #tpu.memory_space<hbm>> -> memref<32768xf32, #tpu.memory_space<hbm>>
      %dma_wait3A_273 = tpu.memref_slice %arg2[%add3A_211] : memref<33554432xf32, #tpu.memory_space<hbm>> -> memref<32768xf32, #tpu.memory_space<hbm>>
      tpu.wait_dma2 semaphore(%run_scoped3A : memref<!tpu.dma_semaphore, #tpu.memory_space<semaphore_mem>>) src(%dma_wait3A_273 : memref<32768xf32, #tpu.memory_space<hbm>>) dst(%arg5 : memref<32768xf32, #tpu.memory_space<vmem>>)
      tpu.yield
    }) : () -> ()
    %scan3A_212 = arith.constant 0 : i32
    %scan3A_213 = arith.constant 2048 : i32
    %scan3A_214 = arith.addi %scan3A_212, %scan3A_213 : i32
    %scan3A_215 = arith.constant 1 : i32
    scf.for %scan3A_272 = %scan3A_212 to %scan3A_214 step %scan3A_215  : i32 {
      %mul3A_273 = arith.constant 16 : i32
      %mul3A_274 = arith.muli %scan3A_272, %mul3A_273 : i32
      %get3A = arith.index_cast %mul3A_274 : i32 to index
      %get3A_275 = tpu.vector_load %arg6[%get3A] {strides = array<i32>} : memref<32768xf32, #tpu.memory_space<vmem>>, vector<16xf32>,
      %get3A_276 = vector.shape_cast %get3A_275 : vector<16xf32> to vector<16xf32>
      %swap3A = arith.index_cast %mul3A_274 : i32 to index
      %swap3A_277 = tpu.vector_load %arg5[%swap3A] {strides = array<i32>} : memref<32768xf32, #tpu.memory_space<vmem>>, vector<16xf32>,
      %swap3A_278 = vector.shape_cast %swap3A_277 : vector<16xf32> to vector<16xf32>
      %swap3A_279 = vector.shape_cast %get3A_276 : vector<16xf32> to vector<16xf32>
      tpu.vector_store %arg5[%swap3A], %swap3A_279 {add = true, strides = array<i32>} : memref<32768xf32, #tpu.memory_space<vmem>>, vector<16xf32>,
    }
    %scan3A_216 = arith.constant 2048 : i32
    "tpu.region"() ({
      %run_scoped3A = tpu.sem_alloc : memref<!tpu.dma_semaphore, #tpu.memory_space<semaphore_mem>>
      %dma_start3A = tpu.memref_slice %arg4[%add3A_211] : memref<33554432xf32, #tpu.memory_space<hbm>> -> memref<32768xf32, #tpu.memory_space<hbm>>
      %dma_start3A_272 = tpu.memref_slice %arg4[%add3A_211] : memref<33554432xf32, #tpu.memory_space<hbm>> -> memref<32768xf32, #tpu.memory_space<hbm>>
      tpu.enqueue_dma source(%arg5 : memref<32768xf32, #tpu.memory_space<vmem>>) target(%dma_start3A_272 : memref<32768xf32, #tpu.memory_space<hbm>>) target_semaphore(%run_scoped3A : memref<!tpu.dma_semaphore, #tpu.memory_space<semaphore_mem>>)
      %dma_wait3A = tpu.memref_slice %arg4[%add3A_211] : memref<33554432xf32, #tpu.memory_space<hbm>> -> memref<32768xf32, #tpu.memory_space<hbm>>
      %dma_wait3A_273 = tpu.memref_slice %arg4[%add3A_211] : memref<33554432xf32, #tpu.memory_space<hbm>> -> memref<32768xf32, #tpu.memory_space<hbm>>
      tpu.wait_dma2 semaphore(%run_scoped3A : memref<!tpu.dma_semaphore, #tpu.memory_space<semaphore_mem>>) src(%arg5 : memref<32768xf32, #tpu.memory_space<vmem>>) dst(%dma_wait3A_273 : memref<32768xf32, #tpu.memory_space<hbm>>)
      tpu.yield
    }) : () -> ()
    %add3A_217 = arith.constant 8388608 : i32
    %add3A_218 = arith.addi %add3A_217, %mul3A_209 : i32
    "tpu.region"() ({
      %run_scoped3A = tpu.sem_alloc : memref<!tpu.dma_semaphore, #tpu.memory_space<semaphore_mem>>
      %dma_start3A = tpu.memref_slice %arg2[%add3A_218] : memref<33554432xf32, #tpu.memory_space<hbm>> -> memref<32768xf32, #tpu.memory_space<hbm>>
      %dma_start3A_272 = tpu.memref_slice %arg2[%add3A_218] : memref<33554432xf32, #tpu.memory_space<hbm>> -> memref<32768xf32, #tpu.memory_space<hbm>>
      tpu.enqueue_dma source(%dma_start3A_272 : memref<32768xf32, #tpu.memory_space<hbm>>) target(%arg5 : memref<32768xf32, #tpu.memory_space<vmem>>) target_semaphore(%run_scoped3A : memref<!tpu.dma_semaphore, #tpu.memory_space<semaphore_mem>>)
      %dma_wait3A = tpu.memref_slice %arg2[%add3A_218] : memref<33554432xf32, #tpu.memory_space<hbm>> -> memref<32768xf32, #tpu.memory_space<hbm>>
      %dma_wait3A_273 = tpu.memref_slice %arg2[%add3A_218] : memref<33554432xf32, #tpu.memory_space<hbm>> -> memref<32768xf32, #tpu.memory_space<hbm>>
      tpu.wait_dma2 semaphore(%run_scoped3A : memref<!tpu.dma_semaphore, #tpu.memory_space<semaphore_mem>>) src(%dma_wait3A_273 : memref<32768xf32, #tpu.memory_space<hbm>>) dst(%arg5 : memref<32768xf32, #tpu.memory_space<vmem>>)
      tpu.yield
    }) : () -> ()
    %scan3A_219 = arith.constant 0 : i32
    %scan3A_220 = arith.constant 2048 : i32
    %scan3A_221 = arith.addi %scan3A_219, %scan3A_220 : i32
    %scan3A_222 = arith.constant 1 : i32
    scf.for %scan3A_272 = %scan3A_219 to %scan3A_221 step %scan3A_222  : i32 {
      %mul3A_273 = arith.constant 16 : i32
      %mul3A_274 = arith.muli %scan3A_272, %mul3A_273 : i32
      %get3A = arith.index_cast %mul3A_274 : i32 to index
      %get3A_275 = tpu.vector_load %arg6[%get3A] {strides = array<i32>} : memref<32768xf32, #tpu.memory_space<vmem>>, vector<16xf32>,
      %get3A_276 = vector.shape_cast %get3A_275 : vector<16xf32> to vector<16xf32>
      %swap3A = arith.index_cast %mul3A_274 : i32 to index
      %swap3A_277 = tpu.vector_load %arg5[%swap3A] {strides = array<i32>} : memref<32768xf32, #tpu.memory_space<vmem>>, vector<16xf32>,
      %swap3A_278 = vector.shape_cast %swap3A_277 : vector<16xf32> to vector<16xf32>
      %swap3A_279 = vector.shape_cast %get3A_276 : vector<16xf32> to vector<16xf32>
      tpu.vector_store %arg5[%swap3A], %swap3A_279 {add = true, strides = array<i32>} : memref<32768xf32, #tpu.memory_space<vmem>>, vector<16xf32>,
    }
    %scan3A_223 = arith.constant 2048 : i32
    "tpu.region"() ({
      %run_scoped3A = tpu.sem_alloc : memref<!tpu.dma_semaphore, #tpu.memory_space<semaphore_mem>>
      %dma_start3A = tpu.memref_slice %arg4[%add3A_218] : memref<33554432xf32, #tpu.memory_space<hbm>> -> memref<32768xf32, #tpu.memory_space<hbm>>
      %dma_start3A_272 = tpu.memref_slice %arg4[%add3A_218] : memref<33554432xf32, #tpu.memory_space<hbm>> -> memref<32768xf32, #tpu.memory_space<hbm>>
      tpu.enqueue_dma source(%arg5 : memref<32768xf32, #tpu.memory_space<vmem>>) target(%dma_start3A_272 : memref<32768xf32, #tpu.memory_space<hbm>>) target_semaphore(%run_scoped3A : memref<!tpu.dma_semaphore, #tpu.memory_space<semaphore_mem>>)
      %dma_wait3A = tpu.memref_slice %arg4[%add3A_218] : memref<33554432xf32, #tpu.memory_space<hbm>> -> memref<32768xf32, #tpu.memory_space<hbm>>
      %dma_wait3A_273 = tpu.memref_slice %arg4[%add3A_218] : memref<33554432xf32, #tpu.memory_space<hbm>> -> memref<32768xf32, #tpu.memory_space<hbm>>
      tpu.wait_dma2 semaphore(%run_scoped3A : memref<!tpu.dma_semaphore, #tpu.memory_space<semaphore_mem>>) src(%arg5 : memref<32768xf32, #tpu.memory_space<vmem>>) dst(%dma_wait3A_273 : memref<32768xf32, #tpu.memory_space<hbm>>)
      tpu.yield
    }) : () -> ()
    %add3A_224 = arith.constant 16777216 : i32
    %add3A_225 = arith.addi %add3A_224, %mul3A_209 : i32
    "tpu.region"() ({
      %run_scoped3A = tpu.sem_alloc : memref<!tpu.dma_semaphore, #tpu.memory_space<semaphore_mem>>
      %dma_start3A = tpu.memref_slice %arg2[%add3A_225] : memref<33554432xf32, #tpu.memory_space<hbm>> -> memref<32768xf32, #tpu.memory_space<hbm>>
      %dma_start3A_272 = tpu.memref_slice %arg2[%add3A_225] : memref<33554432xf32, #tpu.memory_space<hbm>> -> memref<32768xf32, #tpu.memory_space<hbm>>
      tpu.enqueue_dma source(%dma_start3A_272 : memref<32768xf32, #tpu.memory_space<hbm>>) target(%arg5 : memref<32768xf32, #tpu.memory_space<vmem>>) target_semaphore(%run_scoped3A : memref<!tpu.dma_semaphore, #tpu.memory_space<semaphore_mem>>)
      %dma_wait3A = tpu.memref_slice %arg2[%add3A_225] : memref<33554432xf32, #tpu.memory_space<hbm>> -> memref<32768xf32, #tpu.memory_space<hbm>>
      %dma_wait3A_273 = tpu.memref_slice %arg2[%add3A_225] : memref<33554432xf32, #tpu.memory_space<hbm>> -> memref<32768xf32, #tpu.memory_space<hbm>>
      tpu.wait_dma2 semaphore(%run_scoped3A : memref<!tpu.dma_semaphore, #tpu.memory_space<semaphore_mem>>) src(%dma_wait3A_273 : memref<32768xf32, #tpu.memory_space<hbm>>) dst(%arg5 : memref<32768xf32, #tpu.memory_space<vmem>>)
      tpu.yield
    }) : () -> ()
    %scan3A_226 = arith.constant 0 : i32
    %scan3A_227 = arith.constant 2048 : i32
    %scan3A_228 = arith.addi %scan3A_226, %scan3A_227 : i32
    %scan3A_229 = arith.constant 1 : i32
    scf.for %scan3A_272 = %scan3A_226 to %scan3A_228 step %scan3A_229  : i32 {
      %mul3A_273 = arith.constant 16 : i32
      %mul3A_274 = arith.muli %scan3A_272, %mul3A_273 : i32
      %get3A = arith.index_cast %mul3A_274 : i32 to index
      %get3A_275 = tpu.vector_load %arg6[%get3A] {strides = array<i32>} : memref<32768xf32, #tpu.memory_space<vmem>>, vector<16xf32>,
      %get3A_276 = vector.shape_cast %get3A_275 : vector<16xf32> to vector<16xf32>
      %swap3A = arith.index_cast %mul3A_274 : i32 to index
      %swap3A_277 = tpu.vector_load %arg5[%swap3A] {strides = array<i32>} : memref<32768xf32, #tpu.memory_space<vmem>>, vector<16xf32>,
      %swap3A_278 = vector.shape_cast %swap3A_277 : vector<16xf32> to vector<16xf32>
      %swap3A_279 = vector.shape_cast %get3A_276 : vector<16xf32> to vector<16xf32>
      tpu.vector_store %arg5[%swap3A], %swap3A_279 {add = true, strides = array<i32>} : memref<32768xf32, #tpu.memory_space<vmem>>, vector<16xf32>,
    }
    %scan3A_230 = arith.constant 2048 : i32
    "tpu.region"() ({
      %run_scoped3A = tpu.sem_alloc : memref<!tpu.dma_semaphore, #tpu.memory_space<semaphore_mem>>
      %dma_start3A = tpu.memref_slice %arg4[%add3A_225] : memref<33554432xf32, #tpu.memory_space<hbm>> -> memref<32768xf32, #tpu.memory_space<hbm>>
      %dma_start3A_272 = tpu.memref_slice %arg4[%add3A_225] : memref<33554432xf32, #tpu.memory_space<hbm>> -> memref<32768xf32, #tpu.memory_space<hbm>>
      tpu.enqueue_dma source(%arg5 : memref<32768xf32, #tpu.memory_space<vmem>>) target(%dma_start3A_272 : memref<32768xf32, #tpu.memory_space<hbm>>) target_semaphore(%run_scoped3A : memref<!tpu.dma_semaphore, #tpu.memory_space<semaphore_mem>>)
      %dma_wait3A = tpu.memref_slice %arg4[%add3A_225] : memref<33554432xf32, #tpu.memory_space<hbm>> -> memref<32768xf32, #tpu.memory_space<hbm>>
      %dma_wait3A_273 = tpu.memref_slice %arg4[%add3A_225] : memref<33554432xf32, #tpu.memory_space<hbm>> -> memref<32768xf32, #tpu.memory_space<hbm>>
      tpu.wait_dma2 semaphore(%run_scoped3A : memref<!tpu.dma_semaphore, #tpu.memory_space<semaphore_mem>>) src(%arg5 : memref<32768xf32, #tpu.memory_space<vmem>>) dst(%dma_wait3A_273 : memref<32768xf32, #tpu.memory_space<hbm>>)
      tpu.yield
    }) : () -> ()
    %add3A_231 = arith.constant 25165824 : i32
    %add3A_232 = arith.addi %add3A_231, %mul3A_209 : i32
    "tpu.region"() ({
      %run_scoped3A = tpu.sem_alloc : memref<!tpu.dma_semaphore, #tpu.memory_space<semaphore_mem>>
      %dma_start3A = tpu.memref_slice %arg2[%add3A_232] : memref<33554432xf32, #tpu.memory_space<hbm>> -> memref<32768xf32, #tpu.memory_space<hbm>>
      %dma_start3A_272 = tpu.memref_slice %arg2[%add3A_232] : memref<33554432xf32, #tpu.memory_space<hbm>> -> memref<32768xf32, #tpu.memory_space<hbm>>
      tpu.enqueue_dma source(%dma_start3A_272 : memref<32768xf32, #tpu.memory_space<hbm>>) target(%arg5 : memref<32768xf32, #tpu.memory_space<vmem>>) target_semaphore(%run_scoped3A : memref<!tpu.dma_semaphore, #tpu.memory_space<semaphore_mem>>)
      %dma_wait3A = tpu.memref_slice %arg2[%add3A_232] : memref<33554432xf32, #tpu.memory_space<hbm>> -> memref<32768xf32, #tpu.memory_space<hbm>>
      %dma_wait3A_273 = tpu.memref_slice %arg2[%add3A_232] : memref<33554432xf32, #tpu.memory_space<hbm>> -> memref<32768xf32, #tpu.memory_space<hbm>>
      tpu.wait_dma2 semaphore(%run_scoped3A : memref<!tpu.dma_semaphore, #tpu.memory_space<semaphore_mem>>) src(%dma_wait3A_273 : memref<32768xf32, #tpu.memory_space<hbm>>) dst(%arg5 : memref<32768xf32, #tpu.memory_space<vmem>>)
      tpu.yield
    }) : () -> ()
    %scan3A_233 = arith.constant 0 : i32
    %scan3A_234 = arith.constant 2048 : i32
    %scan3A_235 = arith.addi %scan3A_233, %scan3A_234 : i32
    %scan3A_236 = arith.constant 1 : i32
    scf.for %scan3A_272 = %scan3A_233 to %scan3A_235 step %scan3A_236  : i32 {
      %mul3A_273 = arith.constant 16 : i32
      %mul3A_274 = arith.muli %scan3A_272, %mul3A_273 : i32
      %get3A = arith.index_cast %mul3A_274 : i32 to index
      %get3A_275 = tpu.vector_load %arg6[%get3A] {strides = array<i32>} : memref<32768xf32, #tpu.memory_space<vmem>>, vector<16xf32>,
      %get3A_276 = vector.shape_cast %get3A_275 : vector<16xf32> to vector<16xf32>
      %swap3A = arith.index_cast %mul3A_274 : i32 to index
      %swap3A_277 = tpu.vector_load %arg5[%swap3A] {strides = array<i32>} : memref<32768xf32, #tpu.memory_space<vmem>>, vector<16xf32>,
      %swap3A_278 = vector.shape_cast %swap3A_277 : vector<16xf32> to vector<16xf32>
      %swap3A_279 = vector.shape_cast %get3A_276 : vector<16xf32> to vector<16xf32>
      tpu.vector_store %arg5[%swap3A], %swap3A_279 {add = true, strides = array<i32>} : memref<32768xf32, #tpu.memory_space<vmem>>, vector<16xf32>,
    }
    %scan3A_237 = arith.constant 2048 : i32
    "tpu.region"() ({
      %run_scoped3A = tpu.sem_alloc : memref<!tpu.dma_semaphore, #tpu.memory_space<semaphore_mem>>
      %dma_start3A = tpu.memref_slice %arg4[%add3A_232] : memref<33554432xf32, #tpu.memory_space<hbm>> -> memref<32768xf32, #tpu.memory_space<hbm>>
      %dma_start3A_272 = tpu.memref_slice %arg4[%add3A_232] : memref<33554432xf32, #tpu.memory_space<hbm>> -> memref<32768xf32, #tpu.memory_space<hbm>>
      tpu.enqueue_dma source(%arg5 : memref<32768xf32, #tpu.memory_space<vmem>>) target(%dma_start3A_272 : memref<32768xf32, #tpu.memory_space<hbm>>) target_semaphore(%run_scoped3A : memref<!tpu.dma_semaphore, #tpu.memory_space<semaphore_mem>>)
      %dma_wait3A = tpu.memref_slice %arg4[%add3A_232] : memref<33554432xf32, #tpu.memory_space<hbm>> -> memref<32768xf32, #tpu.memory_space<hbm>>
      %dma_wait3A_273 = tpu.memref_slice %arg4[%add3A_232] : memref<33554432xf32, #tpu.memory_space<hbm>> -> memref<32768xf32, #tpu.memory_space<hbm>>
      tpu.wait_dma2 semaphore(%run_scoped3A : memref<!tpu.dma_semaphore, #tpu.memory_space<semaphore_mem>>) src(%arg5 : memref<32768xf32, #tpu.memory_space<vmem>>) dst(%dma_wait3A_273 : memref<32768xf32, #tpu.memory_space<hbm>>)
      tpu.yield
    }) : () -> ()
    %mul3A_238 = arith.constant 256 : i32
    %mul3A_239 = arith.muli %add3A, %mul3A_238 : i32
    %add3A_240 = arith.constant 224 : i32
    %add3A_241 = arith.addi %mul3A_239, %add3A_240 : i32
    %mul3A_242 = arith.constant 1024 : i32
    %mul3A_243 = arith.muli %add3A_241, %mul3A_242 : i32
    "tpu.region"() ({
      %run_scoped3A = tpu.sem_alloc : memref<!tpu.dma_semaphore, #tpu.memory_space<semaphore_mem>>
      %dma_start3A = tpu.memref_slice %arg3[%mul3A_243] : memref<8388608xf32, #tpu.memory_space<hbm>> -> memref<32768xf32, #tpu.memory_space<hbm>>
      %dma_start3A_272 = tpu.memref_slice %arg3[%mul3A_243] : memref<8388608xf32, #tpu.memory_space<hbm>> -> memref<32768xf32, #tpu.memory_space<hbm>>
      tpu.enqueue_dma source(%dma_start3A_272 : memref<32768xf32, #tpu.memory_space<hbm>>) target(%arg6 : memref<32768xf32, #tpu.memory_space<vmem>>) target_semaphore(%run_scoped3A : memref<!tpu.dma_semaphore, #tpu.memory_space<semaphore_mem>>)
      %dma_wait3A = tpu.memref_slice %arg3[%mul3A_243] : memref<8388608xf32, #tpu.memory_space<hbm>> -> memref<32768xf32, #tpu.memory_space<hbm>>
      %dma_wait3A_273 = tpu.memref_slice %arg3[%mul3A_243] : memref<8388608xf32, #tpu.memory_space<hbm>> -> memref<32768xf32, #tpu.memory_space<hbm>>
      tpu.wait_dma2 semaphore(%run_scoped3A : memref<!tpu.dma_semaphore, #tpu.memory_space<semaphore_mem>>) src(%dma_wait3A_273 : memref<32768xf32, #tpu.memory_space<hbm>>) dst(%arg6 : memref<32768xf32, #tpu.memory_space<vmem>>)
      tpu.yield
    }) : () -> ()
    %add3A_244 = arith.constant 0 : i32
    %add3A_245 = arith.addi %add3A_244, %mul3A_243 : i32
    "tpu.region"() ({
      %run_scoped3A = tpu.sem_alloc : memref<!tpu.dma_semaphore, #tpu.memory_space<semaphore_mem>>
      %dma_start3A = tpu.memref_slice %arg2[%add3A_245] : memref<33554432xf32, #tpu.memory_space<hbm>> -> memref<32768xf32, #tpu.memory_space<hbm>>
      %dma_start3A_272 = tpu.memref_slice %arg2[%add3A_245] : memref<33554432xf32, #tpu.memory_space<hbm>> -> memref<32768xf32, #tpu.memory_space<hbm>>
      tpu.enqueue_dma source(%dma_start3A_272 : memref<32768xf32, #tpu.memory_space<hbm>>) target(%arg5 : memref<32768xf32, #tpu.memory_space<vmem>>) target_semaphore(%run_scoped3A : memref<!tpu.dma_semaphore, #tpu.memory_space<semaphore_mem>>)
      %dma_wait3A = tpu.memref_slice %arg2[%add3A_245] : memref<33554432xf32, #tpu.memory_space<hbm>> -> memref<32768xf32, #tpu.memory_space<hbm>>
      %dma_wait3A_273 = tpu.memref_slice %arg2[%add3A_245] : memref<33554432xf32, #tpu.memory_space<hbm>> -> memref<32768xf32, #tpu.memory_space<hbm>>
      tpu.wait_dma2 semaphore(%run_scoped3A : memref<!tpu.dma_semaphore, #tpu.memory_space<semaphore_mem>>) src(%dma_wait3A_273 : memref<32768xf32, #tpu.memory_space<hbm>>) dst(%arg5 : memref<32768xf32, #tpu.memory_space<vmem>>)
      tpu.yield
    }) : () -> ()
    %scan3A_246 = arith.constant 0 : i32
    %scan3A_247 = arith.constant 2048 : i32
    %scan3A_248 = arith.addi %scan3A_246, %scan3A_247 : i32
    %scan3A_249 = arith.constant 1 : i32
    scf.for %scan3A_272 = %scan3A_246 to %scan3A_248 step %scan3A_249  : i32 {
      %mul3A_273 = arith.constant 16 : i32
      %mul3A_274 = arith.muli %scan3A_272, %mul3A_273 : i32
      %get3A = arith.index_cast %mul3A_274 : i32 to index
      %get3A_275 = tpu.vector_load %arg6[%get3A] {strides = array<i32>} : memref<32768xf32, #tpu.memory_space<vmem>>, vector<16xf32>,
      %get3A_276 = vector.shape_cast %get3A_275 : vector<16xf32> to vector<16xf32>
      %swap3A = arith.index_cast %mul3A_274 : i32 to index
      %swap3A_277 = tpu.vector_load %arg5[%swap3A] {strides = array<i32>} : memref<32768xf32, #tpu.memory_space<vmem>>, vector<16xf32>,
      %swap3A_278 = vector.shape_cast %swap3A_277 : vector<16xf32> to vector<16xf32>
      %swap3A_279 = vector.shape_cast %get3A_276 : vector<16xf32> to vector<16xf32>
      tpu.vector_store %arg5[%swap3A], %swap3A_279 {add = true, strides = array<i32>} : memref<32768xf32, #tpu.memory_space<vmem>>, vector<16xf32>,
    }
    %scan3A_250 = arith.constant 2048 : i32
    "tpu.region"() ({
      %run_scoped3A = tpu.sem_alloc : memref<!tpu.dma_semaphore, #tpu.memory_space<semaphore_mem>>
      %dma_start3A = tpu.memref_slice %arg4[%add3A_245] : memref<33554432xf32, #tpu.memory_space<hbm>> -> memref<32768xf32, #tpu.memory_space<hbm>>
      %dma_start3A_272 = tpu.memref_slice %arg4[%add3A_245] : memref<33554432xf32, #tpu.memory_space<hbm>> -> memref<32768xf32, #tpu.memory_space<hbm>>
      tpu.enqueue_dma source(%arg5 : memref<32768xf32, #tpu.memory_space<vmem>>) target(%dma_start3A_272 : memref<32768xf32, #tpu.memory_space<hbm>>) target_semaphore(%run_scoped3A : memref<!tpu.dma_semaphore, #tpu.memory_space<semaphore_mem>>)
      %dma_wait3A = tpu.memref_slice %arg4[%add3A_245] : memref<33554432xf32, #tpu.memory_space<hbm>> -> memref<32768xf32, #tpu.memory_space<hbm>>
      %dma_wait3A_273 = tpu.memref_slice %arg4[%add3A_245] : memref<33554432xf32, #tpu.memory_space<hbm>> -> memref<32768xf32, #tpu.memory_space<hbm>>
      tpu.wait_dma2 semaphore(%run_scoped3A : memref<!tpu.dma_semaphore, #tpu.memory_space<semaphore_mem>>) src(%arg5 : memref<32768xf32, #tpu.memory_space<vmem>>) dst(%dma_wait3A_273 : memref<32768xf32, #tpu.memory_space<hbm>>)
      tpu.yield
    }) : () -> ()
    %add3A_251 = arith.constant 8388608 : i32
    %add3A_252 = arith.addi %add3A_251, %mul3A_243 : i32
    "tpu.region"() ({
      %run_scoped3A = tpu.sem_alloc : memref<!tpu.dma_semaphore, #tpu.memory_space<semaphore_mem>>
      %dma_start3A = tpu.memref_slice %arg2[%add3A_252] : memref<33554432xf32, #tpu.memory_space<hbm>> -> memref<32768xf32, #tpu.memory_space<hbm>>
      %dma_start3A_272 = tpu.memref_slice %arg2[%add3A_252] : memref<33554432xf32, #tpu.memory_space<hbm>> -> memref<32768xf32, #tpu.memory_space<hbm>>
      tpu.enqueue_dma source(%dma_start3A_272 : memref<32768xf32, #tpu.memory_space<hbm>>) target(%arg5 : memref<32768xf32, #tpu.memory_space<vmem>>) target_semaphore(%run_scoped3A : memref<!tpu.dma_semaphore, #tpu.memory_space<semaphore_mem>>)
      %dma_wait3A = tpu.memref_slice %arg2[%add3A_252] : memref<33554432xf32, #tpu.memory_space<hbm>> -> memref<32768xf32, #tpu.memory_space<hbm>>
      %dma_wait3A_273 = tpu.memref_slice %arg2[%add3A_252] : memref<33554432xf32, #tpu.memory_space<hbm>> -> memref<32768xf32, #tpu.memory_space<hbm>>
      tpu.wait_dma2 semaphore(%run_scoped3A : memref<!tpu.dma_semaphore, #tpu.memory_space<semaphore_mem>>) src(%dma_wait3A_273 : memref<32768xf32, #tpu.memory_space<hbm>>) dst(%arg5 : memref<32768xf32, #tpu.memory_space<vmem>>)
      tpu.yield
    }) : () -> ()
    %scan3A_253 = arith.constant 0 : i32
    %scan3A_254 = arith.constant 2048 : i32
    %scan3A_255 = arith.addi %scan3A_253, %scan3A_254 : i32
    %scan3A_256 = arith.constant 1 : i32
    scf.for %scan3A_272 = %scan3A_253 to %scan3A_255 step %scan3A_256  : i32 {
      %mul3A_273 = arith.constant 16 : i32
      %mul3A_274 = arith.muli %scan3A_272, %mul3A_273 : i32
      %get3A = arith.index_cast %mul3A_274 : i32 to index
      %get3A_275 = tpu.vector_load %arg6[%get3A] {strides = array<i32>} : memref<32768xf32, #tpu.memory_space<vmem>>, vector<16xf32>,
      %get3A_276 = vector.shape_cast %get3A_275 : vector<16xf32> to vector<16xf32>
      %swap3A = arith.index_cast %mul3A_274 : i32 to index
      %swap3A_277 = tpu.vector_load %arg5[%swap3A] {strides = array<i32>} : memref<32768xf32, #tpu.memory_space<vmem>>, vector<16xf32>,
      %swap3A_278 = vector.shape_cast %swap3A_277 : vector<16xf32> to vector<16xf32>
      %swap3A_279 = vector.shape_cast %get3A_276 : vector<16xf32> to vector<16xf32>
      tpu.vector_store %arg5[%swap3A], %swap3A_279 {add = true, strides = array<i32>} : memref<32768xf32, #tpu.memory_space<vmem>>, vector<16xf32>,
    }
    %scan3A_257 = arith.constant 2048 : i32
    "tpu.region"() ({
      %run_scoped3A = tpu.sem_alloc : memref<!tpu.dma_semaphore, #tpu.memory_space<semaphore_mem>>
      %dma_start3A = tpu.memref_slice %arg4[%add3A_252] : memref<33554432xf32, #tpu.memory_space<hbm>> -> memref<32768xf32, #tpu.memory_space<hbm>>
      %dma_start3A_272 = tpu.memref_slice %arg4[%add3A_252] : memref<33554432xf32, #tpu.memory_space<hbm>> -> memref<32768xf32, #tpu.memory_space<hbm>>
      tpu.enqueue_dma source(%arg5 : memref<32768xf32, #tpu.memory_space<vmem>>) target(%dma_start3A_272 : memref<32768xf32, #tpu.memory_space<hbm>>) target_semaphore(%run_scoped3A : memref<!tpu.dma_semaphore, #tpu.memory_space<semaphore_mem>>)
      %dma_wait3A = tpu.memref_slice %arg4[%add3A_252] : memref<33554432xf32, #tpu.memory_space<hbm>> -> memref<32768xf32, #tpu.memory_space<hbm>>
      %dma_wait3A_273 = tpu.memref_slice %arg4[%add3A_252] : memref<33554432xf32, #tpu.memory_space<hbm>> -> memref<32768xf32, #tpu.memory_space<hbm>>
      tpu.wait_dma2 semaphore(%run_scoped3A : memref<!tpu.dma_semaphore, #tpu.memory_space<semaphore_mem>>) src(%arg5 : memref<32768xf32, #tpu.memory_space<vmem>>) dst(%dma_wait3A_273 : memref<32768xf32, #tpu.memory_space<hbm>>)
      tpu.yield
    }) : () -> ()
    %add3A_258 = arith.constant 16777216 : i32
    %add3A_259 = arith.addi %add3A_258, %mul3A_243 : i32
    "tpu.region"() ({
      %run_scoped3A = tpu.sem_alloc : memref<!tpu.dma_semaphore, #tpu.memory_space<semaphore_mem>>
      %dma_start3A = tpu.memref_slice %arg2[%add3A_259] : memref<33554432xf32, #tpu.memory_space<hbm>> -> memref<32768xf32, #tpu.memory_space<hbm>>
      %dma_start3A_272 = tpu.memref_slice %arg2[%add3A_259] : memref<33554432xf32, #tpu.memory_space<hbm>> -> memref<32768xf32, #tpu.memory_space<hbm>>
      tpu.enqueue_dma source(%dma_start3A_272 : memref<32768xf32, #tpu.memory_space<hbm>>) target(%arg5 : memref<32768xf32, #tpu.memory_space<vmem>>) target_semaphore(%run_scoped3A : memref<!tpu.dma_semaphore, #tpu.memory_space<semaphore_mem>>)
      %dma_wait3A = tpu.memref_slice %arg2[%add3A_259] : memref<33554432xf32, #tpu.memory_space<hbm>> -> memref<32768xf32, #tpu.memory_space<hbm>>
      %dma_wait3A_273 = tpu.memref_slice %arg2[%add3A_259] : memref<33554432xf32, #tpu.memory_space<hbm>> -> memref<32768xf32, #tpu.memory_space<hbm>>
      tpu.wait_dma2 semaphore(%run_scoped3A : memref<!tpu.dma_semaphore, #tpu.memory_space<semaphore_mem>>) src(%dma_wait3A_273 : memref<32768xf32, #tpu.memory_space<hbm>>) dst(%arg5 : memref<32768xf32, #tpu.memory_space<vmem>>)
      tpu.yield
    }) : () -> ()
    %scan3A_260 = arith.constant 0 : i32
    %scan3A_261 = arith.constant 2048 : i32
    %scan3A_262 = arith.addi %scan3A_260, %scan3A_261 : i32
    %scan3A_263 = arith.constant 1 : i32
    scf.for %scan3A_272 = %scan3A_260 to %scan3A_262 step %scan3A_263  : i32 {
      %mul3A_273 = arith.constant 16 : i32
      %mul3A_274 = arith.muli %scan3A_272, %mul3A_273 : i32
      %get3A = arith.index_cast %mul3A_274 : i32 to index
      %get3A_275 = tpu.vector_load %arg6[%get3A] {strides = array<i32>} : memref<32768xf32, #tpu.memory_space<vmem>>, vector<16xf32>,
      %get3A_276 = vector.shape_cast %get3A_275 : vector<16xf32> to vector<16xf32>
      %swap3A = arith.index_cast %mul3A_274 : i32 to index
      %swap3A_277 = tpu.vector_load %arg5[%swap3A] {strides = array<i32>} : memref<32768xf32, #tpu.memory_space<vmem>>, vector<16xf32>,
      %swap3A_278 = vector.shape_cast %swap3A_277 : vector<16xf32> to vector<16xf32>
      %swap3A_279 = vector.shape_cast %get3A_276 : vector<16xf32> to vector<16xf32>
      tpu.vector_store %arg5[%swap3A], %swap3A_279 {add = true, strides = array<i32>} : memref<32768xf32, #tpu.memory_space<vmem>>, vector<16xf32>,
    }
    %scan3A_264 = arith.constant 2048 : i32
    "tpu.region"() ({
      %run_scoped3A = tpu.sem_alloc : memref<!tpu.dma_semaphore, #tpu.memory_space<semaphore_mem>>
      %dma_start3A = tpu.memref_slice %arg4[%add3A_259] : memref<33554432xf32, #tpu.memory_space<hbm>> -> memref<32768xf32, #tpu.memory_space<hbm>>
      %dma_start3A_272 = tpu.memref_slice %arg4[%add3A_259] : memref<33554432xf32, #tpu.memory_space<hbm>> -> memref<32768xf32, #tpu.memory_space<hbm>>
      tpu.enqueue_dma source(%arg5 : memref<32768xf32, #tpu.memory_space<vmem>>) target(%dma_start3A_272 : memref<32768xf32, #tpu.memory_space<hbm>>) target_semaphore(%run_scoped3A : memref<!tpu.dma_semaphore, #tpu.memory_space<semaphore_mem>>)
      %dma_wait3A = tpu.memref_slice %arg4[%add3A_259] : memref<33554432xf32, #tpu.memory_space<hbm>> -> memref<32768xf32, #tpu.memory_space<hbm>>
      %dma_wait3A_273 = tpu.memref_slice %arg4[%add3A_259] : memref<33554432xf32, #tpu.memory_space<hbm>> -> memref<32768xf32, #tpu.memory_space<hbm>>
      tpu.wait_dma2 semaphore(%run_scoped3A : memref<!tpu.dma_semaphore, #tpu.memory_space<semaphore_mem>>) src(%arg5 : memref<32768xf32, #tpu.memory_space<vmem>>) dst(%dma_wait3A_273 : memref<32768xf32, #tpu.memory_space<hbm>>)
      tpu.yield
    }) : () -> ()
    %add3A_265 = arith.constant 25165824 : i32
    %add3A_266 = arith.addi %add3A_265, %mul3A_243 : i32
    "tpu.region"() ({
      %run_scoped3A = tpu.sem_alloc : memref<!tpu.dma_semaphore, #tpu.memory_space<semaphore_mem>>
      %dma_start3A = tpu.memref_slice %arg2[%add3A_266] : memref<33554432xf32, #tpu.memory_space<hbm>> -> memref<32768xf32, #tpu.memory_space<hbm>>
      %dma_start3A_272 = tpu.memref_slice %arg2[%add3A_266] : memref<33554432xf32, #tpu.memory_space<hbm>> -> memref<32768xf32, #tpu.memory_space<hbm>>
      tpu.enqueue_dma source(%dma_start3A_272 : memref<32768xf32, #tpu.memory_space<hbm>>) target(%arg5 : memref<32768xf32, #tpu.memory_space<vmem>>) target_semaphore(%run_scoped3A : memref<!tpu.dma_semaphore, #tpu.memory_space<semaphore_mem>>)
      %dma_wait3A = tpu.memref_slice %arg2[%add3A_266] : memref<33554432xf32, #tpu.memory_space<hbm>> -> memref<32768xf32, #tpu.memory_space<hbm>>
      %dma_wait3A_273 = tpu.memref_slice %arg2[%add3A_266] : memref<33554432xf32, #tpu.memory_space<hbm>> -> memref<32768xf32, #tpu.memory_space<hbm>>
      tpu.wait_dma2 semaphore(%run_scoped3A : memref<!tpu.dma_semaphore, #tpu.memory_space<semaphore_mem>>) src(%dma_wait3A_273 : memref<32768xf32, #tpu.memory_space<hbm>>) dst(%arg5 : memref<32768xf32, #tpu.memory_space<vmem>>)
      tpu.yield
    }) : () -> ()
    %scan3A_267 = arith.constant 0 : i32
    %scan3A_268 = arith.constant 2048 : i32
    %scan3A_269 = arith.addi %scan3A_267, %scan3A_268 : i32
    %scan3A_270 = arith.constant 1 : i32
    scf.for %scan3A_272 = %scan3A_267 to %scan3A_269 step %scan3A_270  : i32 {
      %mul3A_273 = arith.constant 16 : i32
      %mul3A_274 = arith.muli %scan3A_272, %mul3A_273 : i32
      %get3A = arith.index_cast %mul3A_274 : i32 to index
      %get3A_275 = tpu.vector_load %arg6[%get3A] {strides = array<i32>} : memref<32768xf32, #tpu.memory_space<vmem>>, vector<16xf32>,
      %get3A_276 = vector.shape_cast %get3A_275 : vector<16xf32> to vector<16xf32>
      %swap3A = arith.index_cast %mul3A_274 : i32 to index
      %swap3A_277 = tpu.vector_load %arg5[%swap3A] {strides = array<i32>} : memref<32768xf32, #tpu.memory_space<vmem>>, vector<16xf32>,
      %swap3A_278 = vector.shape_cast %swap3A_277 : vector<16xf32> to vector<16xf32>
      %swap3A_279 = vector.shape_cast %get3A_276 : vector<16xf32> to vector<16xf32>
      tpu.vector_store %arg5[%swap3A], %swap3A_279 {add = true, strides = array<i32>} : memref<32768xf32, #tpu.memory_space<vmem>>, vector<16xf32>,
    }
    %scan3A_271 = arith.constant 2048 : i32
    "tpu.region"() ({
      %run_scoped3A = tpu.sem_alloc : memref<!tpu.dma_semaphore, #tpu.memory_space<semaphore_mem>>
      %dma_start3A = tpu.memref_slice %arg4[%add3A_266] : memref<33554432xf32, #tpu.memory_space<hbm>> -> memref<32768xf32, #tpu.memory_space<hbm>>
      %dma_start3A_272 = tpu.memref_slice %arg4[%add3A_266] : memref<33554432xf32, #tpu.memory_space<hbm>> -> memref<32768xf32, #tpu.memory_space<hbm>>
      tpu.enqueue_dma source(%arg5 : memref<32768xf32, #tpu.memory_space<vmem>>) target(%dma_start3A_272 : memref<32768xf32, #tpu.memory_space<hbm>>) target_semaphore(%run_scoped3A : memref<!tpu.dma_semaphore, #tpu.memory_space<semaphore_mem>>)
      %dma_wait3A = tpu.memref_slice %arg4[%add3A_266] : memref<33554432xf32, #tpu.memory_space<hbm>> -> memref<32768xf32, #tpu.memory_space<hbm>>
      %dma_wait3A_273 = tpu.memref_slice %arg4[%add3A_266] : memref<33554432xf32, #tpu.memory_space<hbm>> -> memref<32768xf32, #tpu.memory_space<hbm>>
      tpu.wait_dma2 semaphore(%run_scoped3A : memref<!tpu.dma_semaphore, #tpu.memory_space<semaphore_mem>>) src(%arg5 : memref<32768xf32, #tpu.memory_space<vmem>>) dst(%dma_wait3A_273 : memref<32768xf32, #tpu.memory_space<hbm>>)
      tpu.yield
    }) : () -> ()
    return
  }
}

</mosaic_0001>

<sc_bundles>
// kernel: kernel.3.cloned.1.call-start
scs
__scs_entry_jumppad:
0x0: {  	(pc) =	sbr.rel $0x88, $3  }
0x1: {  	(tag) =	ssettag $0x0;
	lr =	simm.s32 $0x1  }
0x2: {  	[smem:$0x3F9F] =	sst lr;
	_ =	strace $0xD0000000  }
0x3: {  	_ = 	snop  }
0x4: {  	_ = 	snop  }
0x5: {  	_ = 	snop  }
0x6: {  	_ = 	snop  }
0x7: {  	_ = 	snop  }
__scs_overlays_trampoline_lowered:
0x8: {  	[smem:$0x3FAE] =	sst s0  }
0x9: {  	[smem:$0x3FAF] =	sst s1  }
0xa: {  	[smem:$0x3FB0] =	sst s2  }
0xb: {  	[smem:$0x3FB1] =	sst s3  }
0xc: {  	[smem:$0x3FB2] =	sst s4  }
0xd: {  	[smem:$0x3FB3] =	sst s5  }
0xe: {  	[smem:$0x3FB4] =	sst s6  }
0xf: {  	[smem:$0x3FB5] =	sst s7  }
0x10: {  	[smem:$0x3FB6] =	sst s8  }
0x11: {  	[smem:$0x3FB7] =	sst s9;
	s0 =	simm.s32 @!p0 $0x0  }
0x12: {  	s1 =	sld [smem:$0x3F9D];
	s0 =	simm.s32 @p0 $0x1  }
0x13: {  	[smem:$0x3FB8] =	sst s0;
	s0 =	simm.s32 @!p1 $0x0  }
0x14: {  	s2 =	sld [smem:$0x3F9C];
	s0 =	simm.s32 @p1 $0x1  }
0x15: {  	[smem:$0x3FB9] =	sst s0;
	s0 =	simm.s32 @!p2 $0x0  }
0x16: {  	s3 =	sld [smem:$0x3FDB];
	s0 =	simm.s32 @p2 $0x1  }
0x17: {  	s4 =	simm.s32 $0x1BF5;
	[smem:$0x3FBB] =	sst s0  }
0x18: {  	s0 =	sld [smem:$0x3F9E];
	_ =	swait.ge [sflag:s4], $0x0  }
0x19: {  	s7 =	sld [smem:$0x3F9F]  }
0x1a: {  	s8 =	sadd.s32 $0xFFFFE003, lr  }
0x1b: {  	s9 =	sadd.s32 $0xFFFFFEF7, lr;
	s5 =	simm.s32 $0xFFFFFFFF;
	p2 =	slt.u32 s8, $0xFFFFF086  }
0x1c: {  	p1 =	slt.u32 s9, $0xF7A;
	s5 =	simm.s32 @!p2 $0x0  }
0x1d: {  	s5 =	simm.s32 @p1 $0x1;
	p0 =	seq.s32 s7, s2  }
0x1e: {  	s7 =	smul.u32 @!p0 $0xF7A, s2;
	p2 =	seq.s32 @!p0 s5, $0x0  }
0x1f: {  	s9 =	smul.u32 $0xF7A, s1;
	s8 =	simm.s32 @!p0 $0x1BF5;
	p2 =	por !p2, p0  }
0x20: {  	[sflag:s8] =	ssyncset.s32 @!p0 $0xFFFFF086;
	s6 =	sadd.s32 @!p0 s3, s7;
	s7 =	simm.s32 @!p0 $0x108  }
0x21: {  	s3 =	sadd.s32 s3, s9;
	s6 =	sadd.s32 @!p0 $0x88, s6;
	s7 =	simm.s32 @p2 $0x1082  }
0x22: {  	[simem:s7], [sflag:s8] =	dma.local @!p0 [hbm:s6], $0xF7A  }
0x23: {  	s9 =	sor.u32 $0xD0000000, s2;
	s6 =	simm.s32 $0x108;
	_ =	swait.ge @!p0 [sflag:s8], $0x0  }
0x24: {  	s3 =	sadd.s32 $0x88, s3;
	s6 =	simm.s32 @!p1 $0x1082;
	[sflag:s4] =	ssyncset.s32 $0xFFFFF086  }
0x25: {  	[simem:s6], [sflag:s4] =	dma.local [hbm:s3], $0xF7A  }
0x26: {  	[smem:$0x3F9F] =	sst s1;
	(tag) =	ssettag s2;
	_ =	strace s9  }
0x27: {  	s1 =	sld [smem:$0x3FAF]  }
0x28: {  	s2 =	sld [smem:$0x3FB0]  }
0x29: {  	s4 =	sld [smem:$0x3FB2]  }
0x2a: {  	p0 =	seq.s32 s5, $0x0;
	s5 =	sld [smem:$0x3FB3]  }
0x2b: {  	s6 =	sld [smem:$0x3FB4]  }
0x2c: {  	s7 =	sld [smem:$0x3FB5]  }
0x2d: {  	s3 =	simm.s32 $0x108;
	s8 =	sld [smem:$0x3FB6]  }
0x2e: {  	s3 =	simm.s32 @!p0 $0x1082;
	s9 =	sld [smem:$0x3FB7]  }
0x2f: {  	lr =	sadd.s32 s0, s3;
	s0 =	sld [smem:$0x3FAE]  }
0x30: {  	s3 =	sld [smem:$0x3FB1]  }
0x31: {  	[smem:$0x3FBA] =	sst s10  }
0x32: {  	s10 =	sld [smem:$0x3FB8];
	_ =	sdelay $0x3  }
0x33: {  	p0 =	seq.s32 s10, $0x1;
	s10 =	sld [smem:$0x3FBA];
	_ =	sdelay $0x3  }
0x34: {  	[smem:$0x3FBA] =	sst s10  }
0x35: {  	s10 =	sld [smem:$0x3FB9];
	_ =	sdelay $0x3  }
0x36: {  	p1 =	seq.s32 s10, $0x1;
	s10 =	sld [smem:$0x3FBA];
	_ =	sdelay $0x3  }
0x37: {  	[smem:$0x3FBA] =	sst s10  }
0x38: {  	s10 =	sld [smem:$0x3FBB]  }
0x39: {  	_ = 	snop;
	(pc) =	sbr.ind lr, $3  }
0x3a: {  	_ = 	snop  }
0x3b: {  	_ = 	snop  }
0x3c: {  	p2 =	seq.s32 s10, $0x1;
	s10 =	sld [smem:$0x3FBA]  }
0x3d: {  	_ =	shalt  }
0x3e: {  	_ =	shalt  }
0x3f: {  	_ =	shalt  }
0x40: {  	_ =	shalt  }
0x41: {  	_ =	shalt  }
0x42: {  	_ =	shalt  }
0x43: {  	_ =	shalt  }
0x44: {  	_ =	shalt  }
0x45: {  	_ =	shalt  }
0x46: {  	_ =	shalt  }
0x47: {  	_ =	shalt  }
0x48: {  	_ =	shalt  }
0x49: {  	_ =	shalt  }
0x4a: {  	_ =	shalt  }
0x4b: {  	_ =	shalt  }
0x4c: {  	_ =	shalt  }
0x4d: {  	_ =	shalt  }
0x4e: {  	_ =	shalt  }
0x4f: {  	_ =	shalt  }
0x50: {  	_ =	shalt  }
0x51: {  	_ =	shalt  }
0x52: {  	_ =	shalt  }
0x53: {  	_ =	shalt  }
0x54: {  	_ =	shalt  }
0x55: {  	_ =	shalt  }
0x56: {  	_ =	shalt  }
0x57: {  	_ =	shalt  }
0x58: {  	_ =	shalt  }
0x59: {  	_ =	shalt  }
0x5a: {  	_ =	shalt  }
0x5b: {  	_ =	shalt  }
0x5c: {  	_ =	shalt  }
0x5d: {  	_ =	shalt  }
0x5e: {  	_ =	shalt  }
0x5f: {  	_ =	shalt  }
0x60: {  	_ =	shalt  }
0x61: {  	_ =	shalt  }
0x62: {  	_ =	shalt  }
0x63: {  	_ =	shalt  }
0x64: {  	_ =	shalt  }
0x65: {  	_ =	shalt  }
0x66: {  	_ =	shalt  }
0x67: {  	_ =	shalt  }
0x68: {  	_ =	shalt  }
0x69: {  	_ =	shalt  }
0x6a: {  	_ =	shalt  }
0x6b: {  	_ =	shalt  }
0x6c: {  	_ =	shalt  }
0x6d: {  	_ =	shalt  }
0x6e: {  	_ =	shalt  }
0x6f: {  	_ =	shalt  }
0x70: {  	_ =	shalt  }
0x71: {  	_ =	shalt  }
0x72: {  	_ =	shalt  }
0x73: {  	_ =	shalt  }
0x74: {  	_ =	shalt  }
0x75: {  	_ =	shalt  }
0x76: {  	_ =	shalt  }
0x77: {  	_ =	shalt  }
0x78: {  	_ =	shalt  }
0x79: {  	_ =	shalt  }
0x7a: {  	_ =	shalt  }
0x7b: {  	_ =	shalt  }
0x7c: {  	_ =	shalt  }
0x7d: {  	_ =	shalt  }
0x7e: {  	_ =	shalt  }
0x7f: {  	_ =	shalt  }
0x80: {  	_ =	shalt  }
0x81: {  	_ =	shalt  }
0x82: {  	_ =	shalt  }
0x83: {  	_ =	shalt  }
0x84: {  	_ =	shalt  }
0x85: {  	_ =	shalt  }
0x86: {  	_ =	shalt  }
0x87: {  	_ =	shalt  }
.Lfunc_end0:
.L_simem_size_0:
called_computation.2_lowered:
.L_overlay_start_0:
0x88: {  	s2 =	sld [smem:$0x3FD9]  }
0x89: {  	s3 =	sld [smem:$0x3FFE];
	_ =	sdelay $0x1  }
0x8a: {  	s1 =	srdreg.scid  }
0x8b: {  	s0 =	sand.u32 $0x1, s1  }
0x8c: {  	s17 =	sshll.u32 s0, $0xA;
	s2 =	sadd.s32 s3, s2  }
0x8d: {  	s2 =	sadd.s32 s2, s17  }
0x8e: {  	[smem:$0x3FC6] =	sst s2  }
0x8f: {  	_ = 	snop  }
0x90: {  	s2 =	sld [smem:$0x3FD0];
	(tm) =	ssettm $0x1  }
0x91: {  	s18 =	sld [smem:$0x3FFB];
	_ =	sdelay $0x3  }
0x92: {  	_ =	strace s18  }
0x93: {  	s3 =	sld [smem:$0x3FFC];
	_ =	sdelay $0x3  }
0x94: {  	_ =	strace s3  }
0x95: {  	s3 =	sld [smem:$0x3FFD];
	_ =	sdelay $0x3  }
0x96: {  	_ =	strace s3  }
0x97: {  	_ =	strace $0x8FFFFFFF  }
0x98: {  	s19 =	sld [smem:$0x3FDB];
	_ =	sdelay $0x1  }
0x99: {  	s4 =	simm.s32 $_scs_section_size  }
0x9a: {  	s5 =	simm.s32 $_size__tile_overlayer_lowered;
	s6 =	simm.s32 $_tile_overlayer_lowered  }
0x9b: {  	s22 =	simm.s32 $0x1BFF;
	s21 =	sshll.u32 s6, $0x1;
	s3 =	sadd.s32 s4, s19  }
0x9c: {  	s7 =	simm.s32 $0x0;
	s20 =	sshll.u32 s5, $0x1;
	s5 =	sadd.s32 s21, s3  }
0x9d: {  	[timem:s7], [sflag:s22] =	dma.local [hbm:s5], s20  }
0x9e: {  	_ =	swait.ge [sflag:s22], s20  }
0x9f: {  	s4 =	ssub.s32 $0x0, s20;
	[sflag:s22] =	ssyncset.done $0x0  }
0xa0: {  	[sflag:s22] =	ssyncadd.s32 s4;
	_ =	sdelay $0x1  }
0xa1: {  	s23 =	simm.s32 $0x1B8B  }
0xa2: {  	_ =	swait.ge [sflag:s23], $0x1  }
0xa3: {  	[sflag:s23] =	ssyncset.done $0x0  }
0xa4: {  	s25 =	simm.s32 $0x1B8E;
	s24 =	sld [smem:$0x3FFE];
	[sflag:s23] =	ssyncadd.s32 $0xFFFFFFFF  }
0xa5: {  	s26 =	simm.s32 $execute0_lowered;
	[smem:$0x3FD2] =	sst s25  }
0xa6: {  	s5 =	sshll.u32 s26, $0x1;
	_ =	strace $0x8000004C;
	[dreg:$0x1] =	wrdreg $0xFFFFFFFF  }
0xa7: {  	s28 =	simm.s32 $_size_execute0_lowered;
	s3 =	sadd.s32 s3, s5;
	[dreg:$0x0] =	wrdreg $0x0  }
0xa8: {  	s5 =	sshll.u32 s28, $0x1;
	[dreg:$0x2] =	wrdreg s3  }
0xa9: {  	[dreg:$0x3] =	wrdreg s5  }
0xaa: {  	[dreg:$0x4] =	wrdreg $0xC0  }
0xab: {  	_ =	task [dreg:s7], $0x5FFFF  }
0xac: {  	[dreg:$0x1] =	wrdreg $0xFFFFFFFF  }
0xad: {  	[dreg:$0x0] =	wrdreg $0x60  }
0xae: {  	[dreg:$0x2] =	wrdreg s2  }
0xaf: {  	[dreg:$0x3] =	wrdreg s24  }
0xb0: {  	[dreg:$0x4] =	wrdreg $0x9  }
0xb1: {  	_ =	task.clear_ibuf [dreg:s7], $0x5FFFF;
	_ =	strace $0x9000004C  }
0xb2: {  	s29 =	simm.s32 $0x9;
	_ =	strace $0x8000004E  }
0xb3: {  	_ =	swait.ge [sflag:s29], $0x1  }
0xb4: {  	[sflag:s29] =	ssyncadd.s32 $0xFFFFFFFF  }
0xb5: {  	_ =	strace $0x9000004E  }
0xb6: {  	_ =	sfence  }
0xb7: {  	s30 =	sld [smem:$0x0];
	_ =	sdelay $0x2  }
0xb8: {  	s31 =	sshll.u32 s1, $0xD;
	s1 =	sshrl.u32 s1, $0x2  }
0xb9: {  	s3 =	sand.u32 $0x4000, s31;
	s1 =	sadd.s32 s1, s30  }
0xba: {  	s0 =	sor.u32 s3, s0;
	s1 =	sshll.u32 s1, $0x11  }
0xbb: {  	s0 =	sor.u32 s1, s0  }
0xbc: {  	s0 =	sadd.s32 $0x8F2B, s0  }
0xbd: {  	[sflag:s0] =	ssyncadd.remote.s32 $0x1  }
0xbe: {  	_ =	sfence.sel $0xFFFF  }
0xbf: {  	[dreg:$0x0] =	wrdreg $0xFFFFFFFF;
	(pc) =	sbr.abs _section_cstart, $3  }
0xc0: {  	[dreg:$0x1] =	wrdreg $0xFFFFFFFF  }
0xc1: {  	_ =	task.clear_ibuf [dreg:s7], $0x2FFFF;
	_ =	strace $0x9FFFFFFF  }
0xc2: {  	(tm) =	ssettm $0x7FFFFFFF  }
0xc3: {  	_ =	shalt  }
tec
execute0_lowered:
.L_overlay_start_1:
0x0: {  	(tag) =	ssettag $0x1  }
0x1: {  	s2 =	srdreg.scid  }
0x2: {  	s12 =	rddreg [dreg:$0x0];
	s3 =	stileid.u32;
	s2 =	sand.u32 $0x1, s2  }
0x3: {  	s5 =	sshll.u32 s3, $0x10;
	s4 =	ssub.s32 $0x2, s2;
	s2 =	sshll.u32 s2, $0xF  }
0x4: {  	s0 =	rddreg [dreg:$0x1];
	s1 =	simm.s32 $0x0;
	s10 =	sor.u32 s2, s5  }
0x5: {  	[smem:$0x7FF] =	sst s1;
	s3 =	sadd.s32 $0xC00, s0;
	s20 =	sor.u32 $0x100000, s10  }
0x6: {  	s13 =	sadd.s32 $0x100C00, s0;
	s6 =	sshrl.u32 s4, $0x1;
	s21 =	sadd.s32 s12, s20  }
0x7: {  	s22 =	sor.u32 $0x200000, s10;
	s0 =	sadd.s32 s13, s20;
	[dreg:$0x3] =	wrdreg s21  }
0x8: {  	s24 =	sor.u32 $0x300000, s10;
	s23 =	sadd.s32 s12, s22;
	[dreg:$0x4] =	wrdreg s0  }
0x9: {  	s26 =	sor.u32 $0x1000, s10;
	s25 =	sadd.s32 s12, s24;
	[dreg:$0x5] =	wrdreg s23  }
0xa: {  	s14 =	ssub.s32 s4, s6;
	s4 =	sadd.s32 s3, s26;
	[dreg:$0x7] =	wrdreg s25  }
0xb: {  	s6 =	sor.u32 $0x101000, s10;
	s5 =	sadd.s32 s12, s26;
	[dreg:$0x9] =	wrdreg s4  }
0xc: {  	s7 =	sadd.s32 s12, s6;
	[dreg:$0xa] =	wrdreg s5  }
0xd: {  	s8 =	sor.u32 $0x201000, s10;
	s2 =	sadd.s32 s13, s6;
	[dreg:$0xc] =	wrdreg s7  }
0xe: {  	s11 =	sor.u32 $0x301000, s10;
	s9 =	sadd.s32 s12, s8;
	[dreg:$0xd] =	wrdreg s2  }
0xf: {  	s16 =	sor.u32 $0x2000, s10;
	s15 =	sadd.s32 s12, s11;
	[dreg:$0xe] =	wrdreg s9  }
0x10: {  	s17 =	sadd.s32 s3, s16;
	[dreg:$0x10] =	wrdreg s15  }
0x11: {  	s18 =	sadd.s32 s12, s16;
	[dreg:$0x12] =	wrdreg s17  }
0x12: {  	s0 =	sadd.s32 s13, s22;
	[dreg:$0x13] =	wrdreg s18  }
0x13: {  	s19 =	sor.u32 $0x102000, s10;
	s2 =	sadd.s32 s13, s11;
	[dreg:$0x6] =	wrdreg s0  }
0x14: {  	s20 =	sor.u32 $0x202000, s10;
	s21 =	sadd.s32 s12, s19;
	[dreg:$0x11] =	wrdreg s2  }
0x15: {  	s22 =	sadd.s32 s12, s20;
	[dreg:$0x15] =	wrdreg s21  }
0x16: {  	s23 =	sadd.s32 s13, s20;
	[dreg:$0x17] =	wrdreg s22  }
0x17: {  	s25 =	sor.u32 $0x3000, s10;
	s0 =	sadd.s32 s13, s24;
	[dreg:$0x18] =	wrdreg s23  }
0x18: {  	s5 =	sadd.s32 s3, s25;
	[dreg:$0x8] =	wrdreg s0  }
0x19: {  	s14 =	smax.u32 s14, $0x1;
	s6 =	sadd.s32 s12, s25;
	[dreg:$0x1b] =	wrdreg s5  }
0x1a: {  	s11 =	sor.u32 $0x203000, s10;
	s7 =	sadd.s32 s13, s25;
	[dreg:$0x1c] =	wrdreg s6  }
0x1b: {  	s18 =	sor.u32 $0x4000, s10;
	s15 =	sadd.s32 s12, s11;
	[dreg:$0x1d] =	wrdreg s7  }
0x1c: {  	s4 =	sor.u32 $0x5000, s10;
	s20 =	sadd.s32 s12, s18;
	[smem:$0x7EB] =	sst s15  }
0x1d: {  	s24 =	sor.u32 $0x302000, s10;
	s0 =	sadd.s32 s13, s26;
	[smem:$0x7F0] =	sst s20  }
0x1e: {  	s21 =	sor.u32 $0x104000, s10;
	s26 =	sadd.s32 s12, s24;
	[dreg:$0xb] =	wrdreg s0  }
0x1f: {  	s23 =	sor.u32 $0x204000, s10;
	s22 =	sadd.s32 s12, s21;
	[dreg:$0x19] =	wrdreg s26  }
0x20: {  	s25 =	sor.u32 $0x304000, s10;
	s2 =	sadd.s32 s13, s21;
	[smem:$0x7F2] =	sst s22  }
0x21: {  	s5 =	sadd.s32 s3, s4;
	s6 =	sadd.s32 s12, s4;
	[smem:$0x7F3] =	sst s2  }
0x22: {  	s7 =	sor.u32 $0x105000, s10;
	s15 =	sor.u32 $0x305000, s10;
	[smem:$0x7F8] =	sst s5  }
0x23: {  	s0 =	sadd.s32 s13, s8;
	s8 =	sor.u32 $0x103000, s10;
	[smem:$0x7F9] =	sst s6  }
0x24: {  	s26 =	sadd.s32 s12, s25;
	s2 =	sadd.s32 s13, s25;
	[dreg:$0xf] =	wrdreg s0  }
0x25: {  	s21 =	sadd.s32 s12, s15;
	s22 =	sadd.s32 s13, s15;
	[smem:$0x7F6] =	sst s26  }
0x26: {  	s5 =	sor.u32 $0x7000, s10;
	s0 =	sadd.s32 s13, s16;
	[smem:$0x7F7] =	sst s2  }
0x27: {  	s15 =	sor.u32 $0x307000, s10;
	s9 =	sadd.s32 s12, s8;
	[dreg:$0x14] =	wrdreg s0  }
0x28: {  	s16 =	sor.u32 $0x303000, s10;
	s0 =	sadd.s32 s13, s19;
	[dreg:$0x1e] =	wrdreg s9  }
0x29: {  	s2 =	sadd.s32 s3, s10;
	s17 =	sadd.s32 s12, s16;
	[dreg:$0x16] =	wrdreg s0  }
0x2a: {  	s19 =	sadd.s32 s3, s18;
	s9 =	sadd.s32 s12, s7;
	[smem:$0x7ED] =	sst s17  }
0x2b: {  	s0 =	sadd.s32 s13, s24;
	[smem:$0x7EF] =	sst s19;
	s24 =	sadd.s32 s12, s23  }
0x2c: {  	[smem:$0x7FB] =	sst s9;
	s17 =	sor.u32 $0x106000, s10;
	s19 =	sor.u32 $0x306000, s10  }
0x2d: {  	s9 =	sadd.s32 s13, s10;
	[dreg:$0x1a] =	wrdreg s0;
	s0 =	sadd.s32 s13, s8  }
0x2e: {  	[smem:$0x7F4] =	sst s24;
	s8 =	sor.u32 $0x205000, s10;
	s26 =	sadd.s32 s12, s17  }
0x2f: {  	s28 =	sadd.s32 s13, s17;
	s31 =	sadd.s32 s12, s19;
	s17 =	simm.s32 $0x0  }
0x30: {  	[dreg:$0x1f] =	wrdreg s0;
	s0 =	sadd.s32 s13, s11;
	s11 =	sadd.s32 s12, s8  }
0x31: {  	s20 =	sadd.s32 s13, s8;
	s8 =	sadd.s32 s12, s10;
	[smem:$0x7EC] =	sst s0  }
0x32: {  	s0 =	sadd.s32 s13, s16;
	[smem:$0x7FD] =	sst s11;
	s16 =	sor.u32 $0x6000, s10  }
0x33: {  	s11 =	sor.u32 $0x207000, s10;
	[smem:$0x7EE] =	sst s0;
	s0 =	sadd.s32 s13, s18  }
0x34: {  	s24 =	sadd.s32 s12, s16;
	s25 =	sadd.s32 s13, s16;
	s18 =	sor.u32 $0x206000, s10  }
0x35: {  	[smem:$0x7F1] =	sst s0;
	s0 =	sadd.s32 s13, s23;
	s23 =	sadd.s32 s3, s16  }
0x36: {  	s29 =	sadd.s32 s12, s18;
	s30 =	sadd.s32 s13, s18;
	s3 =	sadd.s32 s3, s5  }
0x37: {  	s16 =	simm.s32 $0x1;
	[smem:$0x7F5] =	sst s0;
	s0 =	sadd.s32 s13, s4  }
0x38: {  	s4 =	sadd.s32 s12, s5;
	s5 =	sadd.s32 s13, s5;
	[smem:$0x7FA] =	sst s0  }
0x39: {  	s0 =	sadd.s32 s13, s7;
	s7 =	sor.u32 $0x107000, s10;
	s10 =	sadd.s32 s12, s11  }
0x3a: {  	s11 =	sadd.s32 s13, s11;
	[smem:$0x7FC] =	sst s0;
	s0 =	sadd.s32 s13, s19  }
0x3b: {  	s6 =	sadd.s32 s12, s7;
	s7 =	sadd.s32 s13, s7;
	s12 =	sadd.s32 s12, s15  }
0x3c: {  	s13 =	sadd.s32 s13, s15;
	s15 =	simm.s32 $0x8000;
	_ =	strace $0x8000004D  }
.LBB2_1:
0x3d: {  	[tilespmem:s15], [sflag:$0x1] =	stream.linear.gather [hbm4b:s2+s1], $0x8000, $0x38;
	[tilespmem:$0x10000] =	vst v63  }
0x3e: {  	_ =	swait.ge [sflag:s16], $0x8000  }
0x3f: {  	[sflag:s16] =	ssyncset.done $0x0  }
0x40: {  	[sflag:s16] =	ssyncadd.s32 $0xFFFF8000  }
0x41: {  	[tilespmem:s1], [sflag:$0x1] =	stream.linear.gather [hbm4b:s8+s1], $0x8000, $0x38;
	[tilespmem:$0x10000] =	vst v63  }
0x42: {  	_ =	swait.ge [sflag:s16], $0x8000  }
0x43: {  	[sflag:s16] =	ssyncset.done $0x0  }
0x44: {  	s18 =	simm.s32 $0x0;
	[sflag:s16] =	ssyncadd.s32 $0xFFFF8000  }
0x45: {  	s19 =	simm.s32 $0x40;
	v0 =	vld [tilespmem:s18+$0x8000]  }
.LBB2_2:
0x46: {  	p0 =	sne.s32 s19, $0x1FFC0  }
.Ltmp0:
0x47: {  	_ = 	snop;
	(pc) =	sbr.rel @p0 .LBB2_2-.Ltmp0, $3  }
0x48: {  	_ =	sdelay $0x1  }
0x49: {  	[tilespmem:s18+$0x0] =	vst.add.f32.msk $0xffff, v0;
	s18 =	sshra.s32 s19, $0x2;
	s19 =	sadd.s32 $0x40, s19  }
0x4a: {  	v0 =	vld [tilespmem:s18+$0x8000]  }
0x4b: {  	_ =	sdelay $0x3  }
0x4c: {  	[tilespmem:s18+$0x0] =	vst.add.f32.msk $0xffff, v0;
	s18 =	simm.s32 $0x0  }
0x4d: {  	[hbm4b:s9+s18] =	stream.linear.scatter [tilespmem:s18], [sflag:$0x1], $0x8000, $0x38;
	[tilespmem:$0x10000] =	vst v63  }
0x4e: {  	_ =	swait.ge [sflag:s16], $0x8000  }
0x4f: {  	[sflag:s16] =	ssyncset.done $0x0  }
0x50: {  	s19 =	rddreg [dreg:$0x3];
	[sflag:s16] =	ssyncadd.s32 $0xFFFF8000  }
0x51: {  	[tilespmem:s18], [sflag:$0x1] =	stream.linear.gather [hbm4b:s19+s18], $0x8000, $0x38;
	[tilespmem:$0x10000] =	vst v63  }
0x52: {  	_ =	swait.ge [sflag:s16], $0x8000  }
0x53: {  	[sflag:s16] =	ssyncset.done $0x0  }
0x54: {  	s18 =	simm.s32 $0x0;
	[sflag:s16] =	ssyncadd.s32 $0xFFFF8000  }
0x55: {  	s19 =	simm.s32 $0x40;
	v0 =	vld [tilespmem:s18+$0x8000]  }
.LBB2_4:
0x56: {  	p0 =	sne.s32 s19, $0x1FFC0  }
.Ltmp1:
0x57: {  	_ = 	snop;
	(pc) =	sbr.rel @p0 .LBB2_4-.Ltmp1, $3  }
0x58: {  	_ =	sdelay $0x1  }
0x59: {  	[tilespmem:s18+$0x0] =	vst.add.f32.msk $0xffff, v0;
	s18 =	sshra.s32 s19, $0x2;
	s19 =	sadd.s32 $0x40, s19  }
0x5a: {  	v0 =	vld [tilespmem:s18+$0x8000]  }
0x5b: {  	_ =	sdelay $0x3  }
0x5c: {  	s19 =	rddreg [dreg:$0x4];
	[tilespmem:s18+$0x0] =	vst.add.f32.msk $0xffff, v0;
	s18 =	simm.s32 $0x0  }
0x5d: {  	[hbm4b:s19+s18] =	stream.linear.scatter [tilespmem:s18], [sflag:$0x1], $0x8000, $0x38;
	[tilespmem:$0x10000] =	vst v63  }
0x5e: {  	_ =	swait.ge [sflag:s16], $0x8000  }
0x5f: {  	[sflag:s16] =	ssyncset.done $0x0  }
0x60: {  	s19 =	rddreg [dreg:$0x5];
	[sflag:s16] =	ssyncadd.s32 $0xFFFF8000  }
0x61: {  	[tilespmem:s18], [sflag:$0x1] =	stream.linear.gather [hbm4b:s19+s18], $0x8000, $0x38;
	[tilespmem:$0x10000] =	vst v63  }
0x62: {  	_ =	swait.ge [sflag:s16], $0x8000  }
0x63: {  	[sflag:s16] =	ssyncset.done $0x0  }
0x64: {  	s18 =	simm.s32 $0x0;
	[sflag:s16] =	ssyncadd.s32 $0xFFFF8000  }
0x65: {  	s19 =	simm.s32 $0x40;
	v0 =	vld [tilespmem:s18+$0x8000]  }
.LBB2_6:
0x66: {  	p0 =	sne.s32 s19, $0x1FFC0  }
.Ltmp2:
0x67: {  	_ = 	snop;
	(pc) =	sbr.rel @p0 .LBB2_6-.Ltmp2, $3  }
0x68: {  	_ =	sdelay $0x1  }
0x69: {  	[tilespmem:s18+$0x0] =	vst.add.f32.msk $0xffff, v0;
	s18 =	sshra.s32 s19, $0x2;
	s19 =	sadd.s32 $0x40, s19  }
0x6a: {  	v0 =	vld [tilespmem:s18+$0x8000]  }
0x6b: {  	_ =	sdelay $0x3  }
0x6c: {  	s19 =	rddreg [dreg:$0x6];
	[tilespmem:s18+$0x0] =	vst.add.f32.msk $0xffff, v0;
	s18 =	simm.s32 $0x0  }
0x6d: {  	[hbm4b:s19+s18] =	stream.linear.scatter [tilespmem:s18], [sflag:$0x1], $0x8000, $0x38;
	[tilespmem:$0x10000] =	vst v63  }
0x6e: {  	_ =	swait.ge [sflag:s16], $0x8000  }
0x6f: {  	[sflag:s16] =	ssyncset.done $0x0  }
0x70: {  	s19 =	rddreg [dreg:$0x7];
	[sflag:s16] =	ssyncadd.s32 $0xFFFF8000  }
0x71: {  	[tilespmem:s18], [sflag:$0x1] =	stream.linear.gather [hbm4b:s19+s18], $0x8000, $0x38;
	[tilespmem:$0x10000] =	vst v63  }
0x72: {  	_ =	swait.ge [sflag:s16], $0x8000  }
0x73: {  	[sflag:s16] =	ssyncset.done $0x0  }
0x74: {  	s18 =	simm.s32 $0x0;
	[sflag:s16] =	ssyncadd.s32 $0xFFFF8000  }
0x75: {  	s19 =	simm.s32 $0x40;
	v0 =	vld [tilespmem:s18+$0x8000]  }
.LBB2_8:
0x76: {  	p0 =	sne.s32 s19, $0x1FFC0  }
.Ltmp3:
0x77: {  	_ = 	snop;
	(pc) =	sbr.rel @p0 .LBB2_8-.Ltmp3, $3  }
0x78: {  	_ =	sdelay $0x1  }
0x79: {  	[tilespmem:s18+$0x0] =	vst.add.f32.msk $0xffff, v0;
	s18 =	sshra.s32 s19, $0x2;
	s19 =	sadd.s32 $0x40, s19  }
0x7a: {  	v0 =	vld [tilespmem:s18+$0x8000]  }
0x7b: {  	_ =	sdelay $0x3  }
0x7c: {  	s19 =	rddreg [dreg:$0x8];
	[tilespmem:s18+$0x0] =	vst.add.f32.msk $0xffff, v0;
	s18 =	simm.s32 $0x0  }
0x7d: {  	[hbm4b:s19+s18] =	stream.linear.scatter [tilespmem:s18], [sflag:$0x1], $0x8000, $0x38;
	[tilespmem:$0x10000] =	vst v63  }
0x7e: {  	_ =	swait.ge [sflag:s16], $0x8000  }
0x7f: {  	[sflag:s16] =	ssyncset.done $0x0  }
0x80: {  	s19 =	rddreg [dreg:$0x9];
	[sflag:s16] =	ssyncadd.s32 $0xFFFF8000  }
0x81: {  	[tilespmem:s15], [sflag:$0x1] =	stream.linear.gather [hbm4b:s19+s18], $0x8000, $0x38;
	[tilespmem:$0x10000] =	vst v63  }
0x82: {  	_ =	swait.ge [sflag:s16], $0x8000  }
0x83: {  	[sflag:s16] =	ssyncset.done $0x0  }
0x84: {  	s19 =	rddreg [dreg:$0xa];
	[sflag:s16] =	ssyncadd.s32 $0xFFFF8000  }
0x85: {  	[tilespmem:s18], [sflag:$0x1] =	stream.linear.gather [hbm4b:s19+s18], $0x8000, $0x38;
	[tilespmem:$0x10000] =	vst v63  }
0x86: {  	_ =	swait.ge [sflag:s16], $0x8000  }
0x87: {  	[sflag:s16] =	ssyncset.done $0x0  }
0x88: {  	s18 =	simm.s32 $0x0;
	[sflag:s16] =	ssyncadd.s32 $0xFFFF8000  }
0x89: {  	s19 =	simm.s32 $0x40;
	v0 =	vld [tilespmem:s18+$0x8000]  }
.LBB2_10:
0x8a: {  	p0 =	sne.s32 s19, $0x1FFC0  }
.Ltmp4:
0x8b: {  	_ = 	snop;
	(pc) =	sbr.rel @p0 .LBB2_10-.Ltmp4, $3  }
0x8c: {  	_ =	sdelay $0x1  }
0x8d: {  	[tilespmem:s18+$0x0] =	vst.add.f32.msk $0xffff, v0;
	s18 =	sshra.s32 s19, $0x2;
	s19 =	sadd.s32 $0x40, s19  }
0x8e: {  	v0 =	vld [tilespmem:s18+$0x8000]  }
0x8f: {  	_ =	sdelay $0x3  }
0x90: {  	s19 =	rddreg [dreg:$0xb];
	[tilespmem:s18+$0x0] =	vst.add.f32.msk $0xffff, v0;
	s18 =	simm.s32 $0x0  }
0x91: {  	[hbm4b:s19+s18] =	stream.linear.scatter [tilespmem:s18], [sflag:$0x1], $0x8000, $0x38;
	[tilespmem:$0x10000] =	vst v63  }
0x92: {  	_ =	swait.ge [sflag:s16], $0x8000  }
0x93: {  	[sflag:s16] =	ssyncset.done $0x0  }
0x94: {  	s19 =	rddreg [dreg:$0xc];
	[sflag:s16] =	ssyncadd.s32 $0xFFFF8000  }
0x95: {  	[tilespmem:s18], [sflag:$0x1] =	stream.linear.gather [hbm4b:s19+s18], $0x8000, $0x38;
	[tilespmem:$0x10000] =	vst v63  }
0x96: {  	_ =	swait.ge [sflag:s16], $0x8000  }
0x97: {  	[sflag:s16] =	ssyncset.done $0x0  }
0x98: {  	s18 =	simm.s32 $0x0;
	[sflag:s16] =	ssyncadd.s32 $0xFFFF8000  }
0x99: {  	s19 =	simm.s32 $0x40;
	v0 =	vld [tilespmem:s18+$0x8000]  }
.LBB2_12:
0x9a: {  	p0 =	sne.s32 s19, $0x1FFC0  }
.Ltmp5:
0x9b: {  	_ = 	snop;
	(pc) =	sbr.rel @p0 .LBB2_12-.Ltmp5, $3  }
0x9c: {  	_ =	sdelay $0x1  }
0x9d: {  	[tilespmem:s18+$0x0] =	vst.add.f32.msk $0xffff, v0;
	s18 =	sshra.s32 s19, $0x2;
	s19 =	sadd.s32 $0x40, s19  }
0x9e: {  	v0 =	vld [tilespmem:s18+$0x8000]  }
0x9f: {  	_ =	sdelay $0x3  }
0xa0: {  	s19 =	rddreg [dreg:$0xd];
	[tilespmem:s18+$0x0] =	vst.add.f32.msk $0xffff, v0;
	s18 =	simm.s32 $0x0  }
0xa1: {  	[hbm4b:s19+s18] =	stream.linear.scatter [tilespmem:s18], [sflag:$0x1], $0x8000, $0x38;
	[tilespmem:$0x10000] =	vst v63  }
0xa2: {  	_ =	swait.ge [sflag:s16], $0x8000  }
0xa3: {  	[sflag:s16] =	ssyncset.done $0x0  }
0xa4: {  	s19 =	rddreg [dreg:$0xe];
	[sflag:s16] =	ssyncadd.s32 $0xFFFF8000  }
0xa5: {  	[tilespmem:s18], [sflag:$0x1] =	stream.linear.gather [hbm4b:s19+s18], $0x8000, $0x38;
	[tilespmem:$0x10000] =	vst v63  }
0xa6: {  	_ =	swait.ge [sflag:s16], $0x8000  }
0xa7: {  	[sflag:s16] =	ssyncset.done $0x0  }
0xa8: {  	s18 =	simm.s32 $0x0;
	[sflag:s16] =	ssyncadd.s32 $0xFFFF8000  }
0xa9: {  	s19 =	simm.s32 $0x40;
	v0 =	vld [tilespmem:s18+$0x8000]  }
.LBB2_14:
0xaa: {  	p0 =	sne.s32 s19, $0x1FFC0  }
.Ltmp6:
0xab: {  	_ = 	snop;
	(pc) =	sbr.rel @p0 .LBB2_14-.Ltmp6, $3  }
0xac: {  	_ =	sdelay $0x1  }
0xad: {  	[tilespmem:s18+$0x0] =	vst.add.f32.msk $0xffff, v0;
	s18 =	sshra.s32 s19, $0x2;
	s19 =	sadd.s32 $0x40, s19  }
0xae: {  	v0 =	vld [tilespmem:s18+$0x8000]  }
0xaf: {  	_ =	sdelay $0x3  }
0xb0: {  	s19 =	rddreg [dreg:$0xf];
	[tilespmem:s18+$0x0] =	vst.add.f32.msk $0xffff, v0;
	s18 =	simm.s32 $0x0  }
0xb1: {  	[hbm4b:s19+s18] =	stream.linear.scatter [tilespmem:s18], [sflag:$0x1], $0x8000, $0x38;
	[tilespmem:$0x10000] =	vst v63  }
0xb2: {  	_ =	swait.ge [sflag:s16], $0x8000  }
0xb3: {  	[sflag:s16] =	ssyncset.done $0x0  }
0xb4: {  	s19 =	rddreg [dreg:$0x10];
	[sflag:s16] =	ssyncadd.s32 $0xFFFF8000  }
0xb5: {  	[tilespmem:s18], [sflag:$0x1] =	stream.linear.gather [hbm4b:s19+s18], $0x8000, $0x38;
	[tilespmem:$0x10000] =	vst v63  }
0xb6: {  	_ =	swait.ge [sflag:s16], $0x8000  }
0xb7: {  	[sflag:s16] =	ssyncset.done $0x0  }
0xb8: {  	s18 =	simm.s32 $0x0;
	[sflag:s16] =	ssyncadd.s32 $0xFFFF8000  }
0xb9: {  	s19 =	simm.s32 $0x40;
	v0 =	vld [tilespmem:s18+$0x8000]  }
.LBB2_16:
0xba: {  	p0 =	sne.s32 s19, $0x1FFC0  }
.Ltmp7:
0xbb: {  	_ = 	snop;
	(pc) =	sbr.rel @p0 .LBB2_16-.Ltmp7, $3  }
0xbc: {  	_ =	sdelay $0x1  }
0xbd: {  	[tilespmem:s18+$0x0] =	vst.add.f32.msk $0xffff, v0;
	s18 =	sshra.s32 s19, $0x2;
	s19 =	sadd.s32 $0x40, s19  }
0xbe: {  	v0 =	vld [tilespmem:s18+$0x8000]  }
0xbf: {  	_ =	sdelay $0x3  }
0xc0: {  	s19 =	rddreg [dreg:$0x11];
	[tilespmem:s18+$0x0] =	vst.add.f32.msk $0xffff, v0;
	s18 =	simm.s32 $0x0  }
0xc1: {  	[hbm4b:s19+s18] =	stream.linear.scatter [tilespmem:s18], [sflag:$0x1], $0x8000, $0x38;
	[tilespmem:$0x10000] =	vst v63  }
0xc2: {  	_ =	swait.ge [sflag:s16], $0x8000  }
0xc3: {  	[sflag:s16] =	ssyncset.done $0x0  }
0xc4: {  	s19 =	rddreg [dreg:$0x12];
	[sflag:s16] =	ssyncadd.s32 $0xFFFF8000  }
0xc5: {  	[tilespmem:s15], [sflag:$0x1] =	stream.linear.gather [hbm4b:s19+s18], $0x8000, $0x38;
	[tilespmem:$0x10000] =	vst v63  }
0xc6: {  	_ =	swait.ge [sflag:s16], $0x8000  }
0xc7: {  	[sflag:s16] =	ssyncset.done $0x0  }
0xc8: {  	s19 =	rddreg [dreg:$0x13];
	[sflag:s16] =	ssyncadd.s32 $0xFFFF8000  }
0xc9: {  	[tilespmem:s18], [sflag:$0x1] =	stream.linear.gather [hbm4b:s19+s18], $0x8000, $0x38;
	[tilespmem:$0x10000] =	vst v63  }
0xca: {  	_ =	swait.ge [sflag:s16], $0x8000  }
0xcb: {  	[sflag:s16] =	ssyncset.done $0x0  }
0xcc: {  	s18 =	simm.s32 $0x0;
	[sflag:s16] =	ssyncadd.s32 $0xFFFF8000  }
0xcd: {  	s19 =	simm.s32 $0x40;
	v0 =	vld [tilespmem:s18+$0x8000]  }
.LBB2_18:
0xce: {  	p0 =	sne.s32 s19, $0x1FFC0  }
.Ltmp8:
0xcf: {  	_ = 	snop;
	(pc) =	sbr.rel @p0 .LBB2_18-.Ltmp8, $3  }
0xd0: {  	_ =	sdelay $0x1  }
0xd1: {  	[tilespmem:s18+$0x0] =	vst.add.f32.msk $0xffff, v0;
	s18 =	sshra.s32 s19, $0x2;
	s19 =	sadd.s32 $0x40, s19  }
0xd2: {  	v0 =	vld [tilespmem:s18+$0x8000]  }
0xd3: {  	_ =	sdelay $0x3  }
0xd4: {  	s19 =	rddreg [dreg:$0x14];
	[tilespmem:s18+$0x0] =	vst.add.f32.msk $0xffff, v0;
	s18 =	simm.s32 $0x0  }
0xd5: {  	[hbm4b:s19+s18] =	stream.linear.scatter [tilespmem:s18], [sflag:$0x1], $0x8000, $0x38;
	[tilespmem:$0x10000] =	vst v63  }
0xd6: {  	_ =	swait.ge [sflag:s16], $0x8000  }
0xd7: {  	[sflag:s16] =	ssyncset.done $0x0  }
0xd8: {  	s19 =	rddreg [dreg:$0x15];
	[sflag:s16] =	ssyncadd.s32 $0xFFFF8000  }
0xd9: {  	[tilespmem:s18], [sflag:$0x1] =	stream.linear.gather [hbm4b:s19+s18], $0x8000, $0x38;
	[tilespmem:$0x10000] =	vst v63  }
0xda: {  	_ =	swait.ge [sflag:s16], $0x8000  }
0xdb: {  	[sflag:s16] =	ssyncset.done $0x0  }
0xdc: {  	s18 =	simm.s32 $0x0;
	[sflag:s16] =	ssyncadd.s32 $0xFFFF8000  }
0xdd: {  	s19 =	simm.s32 $0x40;
	v0 =	vld [tilespmem:s18+$0x8000]  }
.LBB2_20:
0xde: {  	p0 =	sne.s32 s19, $0x1FFC0  }
.Ltmp9:
0xdf: {  	_ = 	snop;
	(pc) =	sbr.rel @p0 .LBB2_20-.Ltmp9, $3  }
0xe0: {  	_ =	sdelay $0x1  }
0xe1: {  	[tilespmem:s18+$0x0] =	vst.add.f32.msk $0xffff, v0;
	s18 =	sshra.s32 s19, $0x2;
	s19 =	sadd.s32 $0x40, s19  }
0xe2: {  	v0 =	vld [tilespmem:s18+$0x8000]  }
0xe3: {  	_ =	sdelay $0x3  }
0xe4: {  	s19 =	rddreg [dreg:$0x16];
	[tilespmem:s18+$0x0] =	vst.add.f32.msk $0xffff, v0;
	s18 =	simm.s32 $0x0  }
0xe5: {  	[hbm4b:s19+s18] =	stream.linear.scatter [tilespmem:s18], [sflag:$0x1], $0x8000, $0x38;
	[tilespmem:$0x10000] =	vst v63  }
0xe6: {  	_ =	swait.ge [sflag:s16], $0x8000  }
0xe7: {  	[sflag:s16] =	ssyncset.done $0x0  }
0xe8: {  	s19 =	rddreg [dreg:$0x17];
	[sflag:s16] =	ssyncadd.s32 $0xFFFF8000  }
0xe9: {  	[tilespmem:s18], [sflag:$0x1] =	stream.linear.gather [hbm4b:s19+s18], $0x8000, $0x38;
	[tilespmem:$0x10000] =	vst v63  }
0xea: {  	_ =	swait.ge [sflag:s16], $0x8000  }
0xeb: {  	[sflag:s16] =	ssyncset.done $0x0  }
0xec: {  	s18 =	simm.s32 $0x0;
	[sflag:s16] =	ssyncadd.s32 $0xFFFF8000  }
0xed: {  	s19 =	simm.s32 $0x40;
	v0 =	vld [tilespmem:s18+$0x8000]  }
.LBB2_22:
0xee: {  	p0 =	sne.s32 s19, $0x1FFC0  }
.Ltmp10:
0xef: {  	_ = 	snop;
	(pc) =	sbr.rel @p0 .LBB2_22-.Ltmp10, $3  }
0xf0: {  	_ =	sdelay $0x1  }
0xf1: {  	[tilespmem:s18+$0x0] =	vst.add.f32.msk $0xffff, v0;
	s18 =	sshra.s32 s19, $0x2;
	s19 =	sadd.s32 $0x40, s19  }
0xf2: {  	v0 =	vld [tilespmem:s18+$0x8000]  }
0xf3: {  	_ =	sdelay $0x3  }
0xf4: {  	s19 =	rddreg [dreg:$0x18];
	[tilespmem:s18+$0x0] =	vst.add.f32.msk $0xffff, v0;
	s18 =	simm.s32 $0x0  }
0xf5: {  	[hbm4b:s19+s18] =	stream.linear.scatter [tilespmem:s18], [sflag:$0x1], $0x8000, $0x38;
	[tilespmem:$0x10000] =	vst v63  }
0xf6: {  	_ =	swait.ge [sflag:s16], $0x8000  }
0xf7: {  	[sflag:s16] =	ssyncset.done $0x0  }
0xf8: {  	s19 =	rddreg [dreg:$0x19];
	[sflag:s16] =	ssyncadd.s32 $0xFFFF8000  }
0xf9: {  	[tilespmem:s18], [sflag:$0x1] =	stream.linear.gather [hbm4b:s19+s18], $0x8000, $0x38;
	[tilespmem:$0x10000] =	vst v63  }
0xfa: {  	_ =	swait.ge [sflag:s16], $0x8000  }
0xfb: {  	[sflag:s16] =	ssyncset.done $0x0  }
0xfc: {  	s18 =	simm.s32 $0x0;
	[sflag:s16] =	ssyncadd.s32 $0xFFFF8000  }
0xfd: {  	s19 =	simm.s32 $0x40;
	v0 =	vld [tilespmem:s18+$0x8000]  }
.LBB2_24:
0xfe: {  	p0 =	sne.s32 s19, $0x1FFC0  }
.Ltmp11:
0xff: {  	_ = 	snop;
	(pc) =	sbr.rel @p0 .LBB2_24-.Ltmp11, $3  }
0x100: {  	_ =	sdelay $0x1  }
0x101: {  	[tilespmem:s18+$0x0] =	vst.add.f32.msk $0xffff, v0;
	s18 =	sshra.s32 s19, $0x2;
	s19 =	sadd.s32 $0x40, s19  }
0x102: {  	v0 =	vld [tilespmem:s18+$0x8000]  }
0x103: {  	_ =	sdelay $0x3  }
0x104: {  	s19 =	rddreg [dreg:$0x1a];
	[tilespmem:s18+$0x0] =	vst.add.f32.msk $0xffff, v0;
	s18 =	simm.s32 $0x0  }
0x105: {  	[hbm4b:s19+s18] =	stream.linear.scatter [tilespmem:s18], [sflag:$0x1], $0x8000, $0x38;
	[tilespmem:$0x10000] =	vst v63  }
0x106: {  	_ =	swait.ge [sflag:s16], $0x8000  }
0x107: {  	[sflag:s16] =	ssyncset.done $0x0  }
0x108: {  	s19 =	rddreg [dreg:$0x1b];
	[sflag:s16] =	ssyncadd.s32 $0xFFFF8000  }
0x109: {  	[tilespmem:s15], [sflag:$0x1] =	stream.linear.gather [hbm4b:s19+s18], $0x8000, $0x38;
	[tilespmem:$0x10000] =	vst v63  }
0x10a: {  	_ =	swait.ge [sflag:s16], $0x8000  }
0x10b: {  	[sflag:s16] =	ssyncset.done $0x0  }
0x10c: {  	s19 =	rddreg [dreg:$0x1c];
	[sflag:s16] =	ssyncadd.s32 $0xFFFF8000  }
0x10d: {  	[tilespmem:s18], [sflag:$0x1] =	stream.linear.gather [hbm4b:s19+s18], $0x8000, $0x38;
	[tilespmem:$0x10000] =	vst v63  }
0x10e: {  	_ =	swait.ge [sflag:s16], $0x8000  }
0x10f: {  	[sflag:s16] =	ssyncset.done $0x0  }
0x110: {  	s18 =	simm.s32 $0x0;
	[sflag:s16] =	ssyncadd.s32 $0xFFFF8000  }
0x111: {  	s19 =	simm.s32 $0x40;
	v0 =	vld [tilespmem:s18+$0x8000]  }
.LBB2_26:
0x112: {  	p0 =	sne.s32 s19, $0x1FFC0  }
.Ltmp12:
0x113: {  	_ = 	snop;
	(pc) =	sbr.rel @p0 .LBB2_26-.Ltmp12, $3  }
0x114: {  	_ =	sdelay $0x1  }
0x115: {  	[tilespmem:s18+$0x0] =	vst.add.f32.msk $0xffff, v0;
	s18 =	sshra.s32 s19, $0x2;
	s19 =	sadd.s32 $0x40, s19  }
0x116: {  	v0 =	vld [tilespmem:s18+$0x8000]  }
0x117: {  	_ =	sdelay $0x3  }
0x118: {  	s19 =	rddreg [dreg:$0x1d];
	[tilespmem:s18+$0x0] =	vst.add.f32.msk $0xffff, v0;
	s18 =	simm.s32 $0x0  }
0x119: {  	[hbm4b:s19+s18] =	stream.linear.scatter [tilespmem:s18], [sflag:$0x1], $0x8000, $0x38;
	[tilespmem:$0x10000] =	vst v63  }
0x11a: {  	_ =	swait.ge [sflag:s16], $0x8000  }
0x11b: {  	[sflag:s16] =	ssyncset.done $0x0  }
0x11c: {  	s19 =	rddreg [dreg:$0x1e];
	[sflag:s16] =	ssyncadd.s32 $0xFFFF8000  }
0x11d: {  	[tilespmem:s18], [sflag:$0x1] =	stream.linear.gather [hbm4b:s19+s18], $0x8000, $0x38;
	[tilespmem:$0x10000] =	vst v63  }
0x11e: {  	_ =	swait.ge [sflag:s16], $0x8000  }
0x11f: {  	[sflag:s16] =	ssyncset.done $0x0  }
0x120: {  	s18 =	simm.s32 $0x0;
	[sflag:s16] =	ssyncadd.s32 $0xFFFF8000  }
0x121: {  	s19 =	simm.s32 $0x40;
	v0 =	vld [tilespmem:s18+$0x8000]  }
.LBB2_28:
0x122: {  	p0 =	sne.s32 s19, $0x1FFC0  }
.Ltmp13:
0x123: {  	_ = 	snop;
	(pc) =	sbr.rel @p0 .LBB2_28-.Ltmp13, $3  }
0x124: {  	_ =	sdelay $0x1  }
0x125: {  	[tilespmem:s18+$0x0] =	vst.add.f32.msk $0xffff, v0;
	s18 =	sshra.s32 s19, $0x2;
	s19 =	sadd.s32 $0x40, s19  }
0x126: {  	v0 =	vld [tilespmem:s18+$0x8000]  }
0x127: {  	_ =	sdelay $0x3  }
0x128: {  	s19 =	rddreg [dreg:$0x1f];
	[tilespmem:s18+$0x0] =	vst.add.f32.msk $0xffff, v0;
	s18 =	simm.s32 $0x0  }
0x129: {  	[hbm4b:s19+s18] =	stream.linear.scatter [tilespmem:s18], [sflag:$0x1], $0x8000, $0x38;
	[tilespmem:$0x10000] =	vst v63  }
0x12a: {  	_ =	swait.ge [sflag:s16], $0x8000  }
0x12b: {  	s19 =	sld [smem:$0x7EB]  }
0x12c: {  	[sflag:s16] =	ssyncset.done $0x0  }
0x12d: {  	[sflag:s16] =	ssyncadd.s32 $0xFFFF8000  }
0x12e: {  	[tilespmem:s18], [sflag:$0x1] =	stream.linear.gather [hbm4b:s19+s18], $0x8000, $0x38;
	[tilespmem:$0x10000] =	vst v63  }
0x12f: {  	_ =	swait.ge [sflag:s16], $0x8000  }
0x130: {  	[sflag:s16] =	ssyncset.done $0x0  }
0x131: {  	s18 =	simm.s32 $0x0;
	[sflag:s16] =	ssyncadd.s32 $0xFFFF8000  }
0x132: {  	s19 =	simm.s32 $0x40;
	v0 =	vld [tilespmem:s18+$0x8000]  }
.LBB2_30:
0x133: {  	p0 =	sne.s32 s19, $0x1FFC0  }
.Ltmp14:
0x134: {  	_ = 	snop;
	(pc) =	sbr.rel @p0 .LBB2_30-.Ltmp14, $3  }
0x135: {  	_ =	sdelay $0x1  }
0x136: {  	[tilespmem:s18+$0x0] =	vst.add.f32.msk $0xffff, v0;
	s18 =	sshra.s32 s19, $0x2;
	s19 =	sadd.s32 $0x40, s19  }
0x137: {  	v0 =	vld [tilespmem:s18+$0x8000]  }
0x138: {  	_ =	sdelay $0x1  }
0x139: {  	s19 =	sld [smem:$0x7EC];
	_ =	sdelay $0x1  }
0x13a: {  	[tilespmem:s18+$0x0] =	vst.add.f32.msk $0xffff, v0;
	s18 =	simm.s32 $0x0  }
0x13b: {  	[hbm4b:s19+s18] =	stream.linear.scatter [tilespmem:s18], [sflag:$0x1], $0x8000, $0x38;
	[tilespmem:$0x10000] =	vst v63  }
0x13c: {  	_ =	swait.ge [sflag:s16], $0x8000  }
0x13d: {  	s19 =	sld [smem:$0x7ED]  }
0x13e: {  	[sflag:s16] =	ssyncset.done $0x0  }
0x13f: {  	[sflag:s16] =	ssyncadd.s32 $0xFFFF8000  }
0x140: {  	[tilespmem:s18], [sflag:$0x1] =	stream.linear.gather [hbm4b:s19+s18], $0x8000, $0x38;
	[tilespmem:$0x10000] =	vst v63  }
0x141: {  	_ =	swait.ge [sflag:s16], $0x8000  }
0x142: {  	[sflag:s16] =	ssyncset.done $0x0  }
0x143: {  	s18 =	simm.s32 $0x0;
	[sflag:s16] =	ssyncadd.s32 $0xFFFF8000  }
0x144: {  	s19 =	simm.s32 $0x40;
	v0 =	vld [tilespmem:s18+$0x8000]  }
.LBB2_32:
0x145: {  	p0 =	sne.s32 s19, $0x1FFC0  }
.Ltmp15:
0x146: {  	_ = 	snop;
	(pc) =	sbr.rel @p0 .LBB2_32-.Ltmp15, $3  }
0x147: {  	_ =	sdelay $0x1  }
0x148: {  	[tilespmem:s18+$0x0] =	vst.add.f32.msk $0xffff, v0;
	s18 =	sshra.s32 s19, $0x2;
	s19 =	sadd.s32 $0x40, s19  }
0x149: {  	v0 =	vld [tilespmem:s18+$0x8000]  }
0x14a: {  	_ =	sdelay $0x1  }
0x14b: {  	s19 =	sld [smem:$0x7EE];
	_ =	sdelay $0x1  }
0x14c: {  	[tilespmem:s18+$0x0] =	vst.add.f32.msk $0xffff, v0;
	s18 =	simm.s32 $0x0  }
0x14d: {  	[hbm4b:s19+s18] =	stream.linear.scatter [tilespmem:s18], [sflag:$0x1], $0x8000, $0x38;
	[tilespmem:$0x10000] =	vst v63  }
0x14e: {  	_ =	swait.ge [sflag:s16], $0x8000  }
0x14f: {  	s19 =	sld [smem:$0x7EF]  }
0x150: {  	[sflag:s16] =	ssyncset.done $0x0  }
0x151: {  	[sflag:s16] =	ssyncadd.s32 $0xFFFF8000  }
0x152: {  	[tilespmem:s15], [sflag:$0x1] =	stream.linear.gather [hbm4b:s19+s18], $0x8000, $0x38;
	[tilespmem:$0x10000] =	vst v63  }
0x153: {  	_ =	swait.ge [sflag:s16], $0x8000  }
0x154: {  	s19 =	sld [smem:$0x7F0]  }
0x155: {  	[sflag:s16] =	ssyncset.done $0x0  }
0x156: {  	[sflag:s16] =	ssyncadd.s32 $0xFFFF8000  }
0x157: {  	[tilespmem:s18], [sflag:$0x1] =	stream.linear.gather [hbm4b:s19+s18], $0x8000, $0x38;
	[tilespmem:$0x10000] =	vst v63  }
0x158: {  	_ =	swait.ge [sflag:s16], $0x8000  }
0x159: {  	[sflag:s16] =	ssyncset.done $0x0  }
0x15a: {  	s18 =	simm.s32 $0x0;
	[sflag:s16] =	ssyncadd.s32 $0xFFFF8000  }
0x15b: {  	s19 =	simm.s32 $0x40;
	v0 =	vld [tilespmem:s18+$0x8000]  }
.LBB2_34:
0x15c: {  	p0 =	sne.s32 s19, $0x1FFC0  }
.Ltmp16:
0x15d: {  	_ = 	snop;
	(pc) =	sbr.rel @p0 .LBB2_34-.Ltmp16, $3  }
0x15e: {  	_ =	sdelay $0x1  }
0x15f: {  	[tilespmem:s18+$0x0] =	vst.add.f32.msk $0xffff, v0;
	s18 =	sshra.s32 s19, $0x2;
	s19 =	sadd.s32 $0x40, s19  }
0x160: {  	v0 =	vld [tilespmem:s18+$0x8000]  }
0x161: {  	_ =	sdelay $0x1  }
0x162: {  	s19 =	sld [smem:$0x7F1];
	_ =	sdelay $0x1  }
0x163: {  	[tilespmem:s18+$0x0] =	vst.add.f32.msk $0xffff, v0;
	s18 =	simm.s32 $0x0  }
0x164: {  	[hbm4b:s19+s18] =	stream.linear.scatter [tilespmem:s18], [sflag:$0x1], $0x8000, $0x38;
	[tilespmem:$0x10000] =	vst v63  }
0x165: {  	_ =	swait.ge [sflag:s16], $0x8000  }
0x166: {  	s19 =	sld [smem:$0x7F2]  }
0x167: {  	[sflag:s16] =	ssyncset.done $0x0  }
0x168: {  	[sflag:s16] =	ssyncadd.s32 $0xFFFF8000  }
0x169: {  	[tilespmem:s18], [sflag:$0x1] =	stream.linear.gather [hbm4b:s19+s18], $0x8000, $0x38;
	[tilespmem:$0x10000] =	vst v63  }
0x16a: {  	_ =	swait.ge [sflag:s16], $0x8000  }
0x16b: {  	[sflag:s16] =	ssyncset.done $0x0  }
0x16c: {  	s18 =	simm.s32 $0x0;
	[sflag:s16] =	ssyncadd.s32 $0xFFFF8000  }
0x16d: {  	s19 =	simm.s32 $0x40;
	v0 =	vld [tilespmem:s18+$0x8000]  }
.LBB2_36:
0x16e: {  	p0 =	sne.s32 s19, $0x1FFC0  }
.Ltmp17:
0x16f: {  	_ = 	snop;
	(pc) =	sbr.rel @p0 .LBB2_36-.Ltmp17, $3  }
0x170: {  	_ =	sdelay $0x1  }
0x171: {  	[tilespmem:s18+$0x0] =	vst.add.f32.msk $0xffff, v0;
	s18 =	sshra.s32 s19, $0x2;
	s19 =	sadd.s32 $0x40, s19  }
0x172: {  	v0 =	vld [tilespmem:s18+$0x8000]  }
0x173: {  	_ =	sdelay $0x1  }
0x174: {  	s19 =	sld [smem:$0x7F3];
	_ =	sdelay $0x1  }
0x175: {  	[tilespmem:s18+$0x0] =	vst.add.f32.msk $0xffff, v0;
	s18 =	simm.s32 $0x0  }
0x176: {  	[hbm4b:s19+s18] =	stream.linear.scatter [tilespmem:s18], [sflag:$0x1], $0x8000, $0x38;
	[tilespmem:$0x10000] =	vst v63  }
0x177: {  	_ =	swait.ge [sflag:s16], $0x8000  }
0x178: {  	s19 =	sld [smem:$0x7F4]  }
0x179: {  	[sflag:s16] =	ssyncset.done $0x0  }
0x17a: {  	[sflag:s16] =	ssyncadd.s32 $0xFFFF8000  }
0x17b: {  	[tilespmem:s18], [sflag:$0x1] =	stream.linear.gather [hbm4b:s19+s18], $0x8000, $0x38;
	[tilespmem:$0x10000] =	vst v63  }
0x17c: {  	_ =	swait.ge [sflag:s16], $0x8000  }
0x17d: {  	[sflag:s16] =	ssyncset.done $0x0  }
0x17e: {  	s18 =	simm.s32 $0x0;
	[sflag:s16] =	ssyncadd.s32 $0xFFFF8000  }
0x17f: {  	s19 =	simm.s32 $0x40;
	v0 =	vld [tilespmem:s18+$0x8000]  }
.LBB2_38:
0x180: {  	p0 =	sne.s32 s19, $0x1FFC0  }
.Ltmp18:
0x181: {  	_ = 	snop;
	(pc) =	sbr.rel @p0 .LBB2_38-.Ltmp18, $3  }
0x182: {  	_ =	sdelay $0x1  }
0x183: {  	[tilespmem:s18+$0x0] =	vst.add.f32.msk $0xffff, v0;
	s18 =	sshra.s32 s19, $0x2;
	s19 =	sadd.s32 $0x40, s19  }
0x184: {  	v0 =	vld [tilespmem:s18+$0x8000]  }
0x185: {  	_ =	sdelay $0x1  }
0x186: {  	s19 =	sld [smem:$0x7F5];
	_ =	sdelay $0x1  }
0x187: {  	[tilespmem:s18+$0x0] =	vst.add.f32.msk $0xffff, v0;
	s18 =	simm.s32 $0x0  }
0x188: {  	[hbm4b:s19+s18] =	stream.linear.scatter [tilespmem:s18], [sflag:$0x1], $0x8000, $0x38;
	[tilespmem:$0x10000] =	vst v63  }
0x189: {  	_ =	swait.ge [sflag:s16], $0x8000  }
0x18a: {  	s19 =	sld [smem:$0x7F6]  }
0x18b: {  	[sflag:s16] =	ssyncset.done $0x0  }
0x18c: {  	[sflag:s16] =	ssyncadd.s32 $0xFFFF8000  }
0x18d: {  	[tilespmem:s18], [sflag:$0x1] =	stream.linear.gather [hbm4b:s19+s18], $0x8000, $0x38;
	[tilespmem:$0x10000] =	vst v63  }
0x18e: {  	_ =	swait.ge [sflag:s16], $0x8000  }
0x18f: {  	[sflag:s16] =	ssyncset.done $0x0  }
0x190: {  	s18 =	simm.s32 $0x0;
	[sflag:s16] =	ssyncadd.s32 $0xFFFF8000  }
0x191: {  	s19 =	simm.s32 $0x40;
	v0 =	vld [tilespmem:s18+$0x8000]  }
.LBB2_40:
0x192: {  	p0 =	sne.s32 s19, $0x1FFC0  }
.Ltmp19:
0x193: {  	_ = 	snop;
	(pc) =	sbr.rel @p0 .LBB2_40-.Ltmp19, $3  }
0x194: {  	_ =	sdelay $0x1  }
0x195: {  	[tilespmem:s18+$0x0] =	vst.add.f32.msk $0xffff, v0;
	s18 =	sshra.s32 s19, $0x2;
	s19 =	sadd.s32 $0x40, s19  }
0x196: {  	v0 =	vld [tilespmem:s18+$0x8000]  }
0x197: {  	_ =	sdelay $0x1  }
0x198: {  	s19 =	sld [smem:$0x7F7];
	_ =	sdelay $0x1  }
0x199: {  	[tilespmem:s18+$0x0] =	vst.add.f32.msk $0xffff, v0;
	s18 =	simm.s32 $0x0  }
0x19a: {  	[hbm4b:s19+s18] =	stream.linear.scatter [tilespmem:s18], [sflag:$0x1], $0x8000, $0x38;
	[tilespmem:$0x10000] =	vst v63  }
0x19b: {  	_ =	swait.ge [sflag:s16], $0x8000  }
0x19c: {  	s19 =	sld [smem:$0x7F8]  }
0x19d: {  	[sflag:s16] =	ssyncset.done $0x0  }
0x19e: {  	[sflag:s16] =	ssyncadd.s32 $0xFFFF8000  }
0x19f: {  	[tilespmem:s15], [sflag:$0x1] =	stream.linear.gather [hbm4b:s19+s18], $0x8000, $0x38;
	[tilespmem:$0x10000] =	vst v63  }
0x1a0: {  	_ =	swait.ge [sflag:s16], $0x8000  }
0x1a1: {  	s19 =	sld [smem:$0x7F9]  }
0x1a2: {  	[sflag:s16] =	ssyncset.done $0x0  }
0x1a3: {  	[sflag:s16] =	ssyncadd.s32 $0xFFFF8000  }
0x1a4: {  	[tilespmem:s18], [sflag:$0x1] =	stream.linear.gather [hbm4b:s19+s18], $0x8000, $0x38;
	[tilespmem:$0x10000] =	vst v63  }
0x1a5: {  	_ =	swait.ge [sflag:s16], $0x8000  }
0x1a6: {  	[sflag:s16] =	ssyncset.done $0x0  }
0x1a7: {  	s18 =	simm.s32 $0x0;
	[sflag:s16] =	ssyncadd.s32 $0xFFFF8000  }
0x1a8: {  	s19 =	simm.s32 $0x40;
	v0 =	vld [tilespmem:s18+$0x8000]  }
.LBB2_42:
0x1a9: {  	p0 =	sne.s32 s19, $0x1FFC0  }
.Ltmp20:
0x1aa: {  	_ = 	snop;
	(pc) =	sbr.rel @p0 .LBB2_42-.Ltmp20, $3  }
0x1ab: {  	_ =	sdelay $0x1  }
0x1ac: {  	[tilespmem:s18+$0x0] =	vst.add.f32.msk $0xffff, v0;
	s18 =	sshra.s32 s19, $0x2;
	s19 =	sadd.s32 $0x40, s19  }
0x1ad: {  	v0 =	vld [tilespmem:s18+$0x8000]  }
0x1ae: {  	_ =	sdelay $0x1  }
0x1af: {  	s19 =	sld [smem:$0x7FA];
	_ =	sdelay $0x1  }
0x1b0: {  	[tilespmem:s18+$0x0] =	vst.add.f32.msk $0xffff, v0;
	s18 =	simm.s32 $0x0  }
0x1b1: {  	[hbm4b:s19+s18] =	stream.linear.scatter [tilespmem:s18], [sflag:$0x1], $0x8000, $0x38;
	[tilespmem:$0x10000] =	vst v63  }
0x1b2: {  	_ =	swait.ge [sflag:s16], $0x8000  }
0x1b3: {  	s19 =	sld [smem:$0x7FB]  }
0x1b4: {  	[sflag:s16] =	ssyncset.done $0x0  }
0x1b5: {  	[sflag:s16] =	ssyncadd.s32 $0xFFFF8000  }
0x1b6: {  	[tilespmem:s18], [sflag:$0x1] =	stream.linear.gather [hbm4b:s19+s18], $0x8000, $0x38;
	[tilespmem:$0x10000] =	vst v63  }
0x1b7: {  	_ =	swait.ge [sflag:s16], $0x8000  }
0x1b8: {  	[sflag:s16] =	ssyncset.done $0x0  }
0x1b9: {  	s18 =	simm.s32 $0x0;
	[sflag:s16] =	ssyncadd.s32 $0xFFFF8000  }
0x1ba: {  	s19 =	simm.s32 $0x40;
	v0 =	vld [tilespmem:s18+$0x8000]  }
.LBB2_44:
0x1bb: {  	p0 =	sne.s32 s19, $0x1FFC0  }
.Ltmp21:
0x1bc: {  	_ = 	snop;
	(pc) =	sbr.rel @p0 .LBB2_44-.Ltmp21, $3  }
0x1bd: {  	_ =	sdelay $0x1  }
0x1be: {  	[tilespmem:s18+$0x0] =	vst.add.f32.msk $0xffff, v0;
	s18 =	sshra.s32 s19, $0x2;
	s19 =	sadd.s32 $0x40, s19  }
0x1bf: {  	v0 =	vld [tilespmem:s18+$0x8000]  }
0x1c0: {  	_ =	sdelay $0x1  }
0x1c1: {  	s19 =	sld [smem:$0x7FC];
	_ =	sdelay $0x1  }
0x1c2: {  	[tilespmem:s18+$0x0] =	vst.add.f32.msk $0xffff, v0;
	s18 =	simm.s32 $0x0  }
0x1c3: {  	[hbm4b:s19+s18] =	stream.linear.scatter [tilespmem:s18], [sflag:$0x1], $0x8000, $0x38;
	[tilespmem:$0x10000] =	vst v63  }
0x1c4: {  	_ =	swait.ge [sflag:s16], $0x8000  }
0x1c5: {  	s19 =	sld [smem:$0x7FD]  }
0x1c6: {  	[sflag:s16] =	ssyncset.done $0x0  }
0x1c7: {  	[sflag:s16] =	ssyncadd.s32 $0xFFFF8000  }
0x1c8: {  	[tilespmem:s18], [sflag:$0x1] =	stream.linear.gather [hbm4b:s19+s18], $0x8000, $0x38;
	[tilespmem:$0x10000] =	vst v63  }
0x1c9: {  	_ =	swait.ge [sflag:s16], $0x8000  }
0x1ca: {  	[sflag:s16] =	ssyncset.done $0x0  }
0x1cb: {  	s18 =	simm.s32 $0x0;
	[sflag:s16] =	ssyncadd.s32 $0xFFFF8000  }
0x1cc: {  	s19 =	simm.s32 $0x40;
	v0 =	vld [tilespmem:s18+$0x8000]  }
.LBB2_46:
0x1cd: {  	p0 =	sne.s32 s19, $0x1FFC0  }
.Ltmp22:
0x1ce: {  	_ = 	snop;
	(pc) =	sbr.rel @p0 .LBB2_46-.Ltmp22, $3  }
0x1cf: {  	_ =	sdelay $0x1  }
0x1d0: {  	[tilespmem:s18+$0x0] =	vst.add.f32.msk $0xffff, v0;
	s18 =	sshra.s32 s19, $0x2;
	s19 =	sadd.s32 $0x40, s19  }
0x1d1: {  	v0 =	vld [tilespmem:s18+$0x8000]  }
0x1d2: {  	_ =	sdelay $0x3  }
0x1d3: {  	s19 =	simm.s32 $0x0;
	[tilespmem:s18+$0x0] =	vst.add.f32.msk $0xffff, v0  }
0x1d4: {  	[hbm4b:s20+s19] =	stream.linear.scatter [tilespmem:s19], [sflag:$0x1], $0x8000, $0x38;
	[tilespmem:$0x10000] =	vst v63  }
0x1d5: {  	_ =	swait.ge [sflag:s16], $0x8000  }
0x1d6: {  	[sflag:s16] =	ssyncset.done $0x0  }
0x1d7: {  	[sflag:s16] =	ssyncadd.s32 $0xFFFF8000  }
0x1d8: {  	[tilespmem:s19], [sflag:$0x1] =	stream.linear.gather [hbm4b:s21+s19], $0x8000, $0x38;
	[tilespmem:$0x10000] =	vst v63  }
0x1d9: {  	_ =	swait.ge [sflag:s16], $0x8000  }
0x1da: {  	[sflag:s16] =	ssyncset.done $0x0  }
0x1db: {  	s18 =	simm.s32 $0x0;
	[sflag:s16] =	ssyncadd.s32 $0xFFFF8000  }
0x1dc: {  	s19 =	simm.s32 $0x40;
	v0 =	vld [tilespmem:s18+$0x8000]  }
.LBB2_48:
0x1dd: {  	p0 =	sne.s32 s19, $0x1FFC0  }
.Ltmp23:
0x1de: {  	_ = 	snop;
	(pc) =	sbr.rel @p0 .LBB2_48-.Ltmp23, $3  }
0x1df: {  	_ =	sdelay $0x1  }
0x1e0: {  	[tilespmem:s18+$0x0] =	vst.add.f32.msk $0xffff, v0;
	s18 =	sshra.s32 s19, $0x2;
	s19 =	sadd.s32 $0x40, s19  }
0x1e1: {  	v0 =	vld [tilespmem:s18+$0x8000]  }
0x1e2: {  	_ =	sdelay $0x3  }
0x1e3: {  	s19 =	simm.s32 $0x0;
	[tilespmem:s18+$0x0] =	vst.add.f32.msk $0xffff, v0  }
0x1e4: {  	[hbm4b:s22+s19] =	stream.linear.scatter [tilespmem:s19], [sflag:$0x1], $0x8000, $0x38;
	[tilespmem:$0x10000] =	vst v63  }
0x1e5: {  	_ =	swait.ge [sflag:s16], $0x8000  }
0x1e6: {  	[sflag:s16] =	ssyncset.done $0x0  }
0x1e7: {  	[sflag:s16] =	ssyncadd.s32 $0xFFFF8000  }
0x1e8: {  	[tilespmem:s15], [sflag:$0x1] =	stream.linear.gather [hbm4b:s23+s19], $0x8000, $0x38;
	[tilespmem:$0x10000] =	vst v63  }
0x1e9: {  	_ =	swait.ge [sflag:s16], $0x8000  }
0x1ea: {  	[sflag:s16] =	ssyncset.done $0x0  }
0x1eb: {  	[sflag:s16] =	ssyncadd.s32 $0xFFFF8000  }
0x1ec: {  	[tilespmem:s19], [sflag:$0x1] =	stream.linear.gather [hbm4b:s24+s19], $0x8000, $0x38;
	[tilespmem:$0x10000] =	vst v63  }
0x1ed: {  	_ =	swait.ge [sflag:s16], $0x8000  }
0x1ee: {  	[sflag:s16] =	ssyncset.done $0x0  }
0x1ef: {  	s18 =	simm.s32 $0x0;
	[sflag:s16] =	ssyncadd.s32 $0xFFFF8000  }
0x1f0: {  	s19 =	simm.s32 $0x40;
	v0 =	vld [tilespmem:s18+$0x8000]  }
.LBB2_50:
0x1f1: {  	p0 =	sne.s32 s19, $0x1FFC0  }
.Ltmp24:
0x1f2: {  	_ = 	snop;
	(pc) =	sbr.rel @p0 .LBB2_50-.Ltmp24, $3  }
0x1f3: {  	_ =	sdelay $0x1  }
0x1f4: {  	[tilespmem:s18+$0x0] =	vst.add.f32.msk $0xffff, v0;
	s18 =	sshra.s32 s19, $0x2;
	s19 =	sadd.s32 $0x40, s19  }
0x1f5: {  	v0 =	vld [tilespmem:s18+$0x8000]  }
0x1f6: {  	_ =	sdelay $0x3  }
0x1f7: {  	s19 =	simm.s32 $0x0;
	[tilespmem:s18+$0x0] =	vst.add.f32.msk $0xffff, v0  }
0x1f8: {  	[hbm4b:s25+s19] =	stream.linear.scatter [tilespmem:s19], [sflag:$0x1], $0x8000, $0x38;
	[tilespmem:$0x10000] =	vst v63  }
0x1f9: {  	_ =	swait.ge [sflag:s16], $0x8000  }
0x1fa: {  	[sflag:s16] =	ssyncset.done $0x0  }
0x1fb: {  	[sflag:s16] =	ssyncadd.s32 $0xFFFF8000  }
0x1fc: {  	[tilespmem:s19], [sflag:$0x1] =	stream.linear.gather [hbm4b:s26+s19], $0x8000, $0x38;
	[tilespmem:$0x10000] =	vst v63  }
0x1fd: {  	_ =	swait.ge [sflag:s16], $0x8000  }
0x1fe: {  	[sflag:s16] =	ssyncset.done $0x0  }
0x1ff: {  	s18 =	simm.s32 $0x0;
	[sflag:s16] =	ssyncadd.s32 $0xFFFF8000  }
0x200: {  	s19 =	simm.s32 $0x40;
	v0 =	vld [tilespmem:s18+$0x8000]  }
.LBB2_52:
0x201: {  	p0 =	sne.s32 s19, $0x1FFC0  }
.Ltmp25:
0x202: {  	_ = 	snop;
	(pc) =	sbr.rel @p0 .LBB2_52-.Ltmp25, $3  }
0x203: {  	_ =	sdelay $0x1  }
0x204: {  	[tilespmem:s18+$0x0] =	vst.add.f32.msk $0xffff, v0;
	s18 =	sshra.s32 s19, $0x2;
	s19 =	sadd.s32 $0x40, s19  }
0x205: {  	v0 =	vld [tilespmem:s18+$0x8000]  }
0x206: {  	_ =	sdelay $0x3  }
0x207: {  	s19 =	simm.s32 $0x0;
	[tilespmem:s18+$0x0] =	vst.add.f32.msk $0xffff, v0  }
0x208: {  	[hbm4b:s28+s19] =	stream.linear.scatter [tilespmem:s19], [sflag:$0x1], $0x8000, $0x38;
	[tilespmem:$0x10000] =	vst v63  }
0x209: {  	_ =	swait.ge [sflag:s16], $0x8000  }
0x20a: {  	[sflag:s16] =	ssyncset.done $0x0  }
0x20b: {  	[sflag:s16] =	ssyncadd.s32 $0xFFFF8000  }
0x20c: {  	[tilespmem:s19], [sflag:$0x1] =	stream.linear.gather [hbm4b:s29+s19], $0x8000, $0x38;
	[tilespmem:$0x10000] =	vst v63  }
0x20d: {  	_ =	swait.ge [sflag:s16], $0x8000  }
0x20e: {  	[sflag:s16] =	ssyncset.done $0x0  }
0x20f: {  	s18 =	simm.s32 $0x0;
	[sflag:s16] =	ssyncadd.s32 $0xFFFF8000  }
0x210: {  	s19 =	simm.s32 $0x40;
	v0 =	vld [tilespmem:s18+$0x8000]  }
.LBB2_54:
0x211: {  	p0 =	sne.s32 s19, $0x1FFC0  }
.Ltmp26:
0x212: {  	_ = 	snop;
	(pc) =	sbr.rel @p0 .LBB2_54-.Ltmp26, $3  }
0x213: {  	_ =	sdelay $0x1  }
0x214: {  	[tilespmem:s18+$0x0] =	vst.add.f32.msk $0xffff, v0;
	s18 =	sshra.s32 s19, $0x2;
	s19 =	sadd.s32 $0x40, s19  }
0x215: {  	v0 =	vld [tilespmem:s18+$0x8000]  }
0x216: {  	_ =	sdelay $0x3  }
0x217: {  	s19 =	simm.s32 $0x0;
	[tilespmem:s18+$0x0] =	vst.add.f32.msk $0xffff, v0  }
0x218: {  	[hbm4b:s30+s19] =	stream.linear.scatter [tilespmem:s19], [sflag:$0x1], $0x8000, $0x38;
	[tilespmem:$0x10000] =	vst v63  }
0x219: {  	_ =	swait.ge [sflag:s16], $0x8000  }
0x21a: {  	[sflag:s16] =	ssyncset.done $0x0  }
0x21b: {  	[sflag:s16] =	ssyncadd.s32 $0xFFFF8000  }
0x21c: {  	[tilespmem:s19], [sflag:$0x1] =	stream.linear.gather [hbm4b:s31+s19], $0x8000, $0x38;
	[tilespmem:$0x10000] =	vst v63  }
0x21d: {  	_ =	swait.ge [sflag:s16], $0x8000  }
0x21e: {  	[sflag:s16] =	ssyncset.done $0x0  }
0x21f: {  	s18 =	simm.s32 $0x0;
	[sflag:s16] =	ssyncadd.s32 $0xFFFF8000  }
0x220: {  	s19 =	simm.s32 $0x40;
	v0 =	vld [tilespmem:s18+$0x8000]  }
.LBB2_56:
0x221: {  	p0 =	sne.s32 s19, $0x1FFC0  }
.Ltmp27:
0x222: {  	_ = 	snop;
	(pc) =	sbr.rel @p0 .LBB2_56-.Ltmp27, $3  }
0x223: {  	_ =	sdelay $0x1  }
0x224: {  	[tilespmem:s18+$0x0] =	vst.add.f32.msk $0xffff, v0;
	s18 =	sshra.s32 s19, $0x2;
	s19 =	sadd.s32 $0x40, s19  }
0x225: {  	v0 =	vld [tilespmem:s18+$0x8000]  }
0x226: {  	_ =	sdelay $0x3  }
0x227: {  	s19 =	simm.s32 $0x0;
	[tilespmem:s18+$0x0] =	vst.add.f32.msk $0xffff, v0  }
0x228: {  	[hbm4b:s0+s19] =	stream.linear.scatter [tilespmem:s19], [sflag:$0x1], $0x8000, $0x38;
	[tilespmem:$0x10000] =	vst v63  }
0x229: {  	_ =	swait.ge [sflag:s16], $0x8000  }
0x22a: {  	[sflag:s16] =	ssyncset.done $0x0  }
0x22b: {  	[sflag:s16] =	ssyncadd.s32 $0xFFFF8000  }
0x22c: {  	[tilespmem:s15], [sflag:$0x1] =	stream.linear.gather [hbm4b:s3+s19], $0x8000, $0x38;
	[tilespmem:$0x10000] =	vst v63  }
0x22d: {  	_ =	swait.ge [sflag:s16], $0x8000  }
0x22e: {  	[sflag:s16] =	ssyncset.done $0x0  }
0x22f: {  	[sflag:s16] =	ssyncadd.s32 $0xFFFF8000  }
0x230: {  	[tilespmem:s19], [sflag:$0x1] =	stream.linear.gather [hbm4b:s4+s19], $0x8000, $0x38;
	[tilespmem:$0x10000] =	vst v63  }
0x231: {  	_ =	swait.ge [sflag:s16], $0x8000  }
0x232: {  	[sflag:s16] =	ssyncset.done $0x0  }
0x233: {  	s18 =	simm.s32 $0x0;
	[sflag:s16] =	ssyncadd.s32 $0xFFFF8000  }
0x234: {  	s19 =	simm.s32 $0x40;
	v0 =	vld [tilespmem:s18+$0x8000]  }
.LBB2_58:
0x235: {  	p0 =	sne.s32 s19, $0x1FFC0  }
.Ltmp28:
0x236: {  	_ = 	snop;
	(pc) =	sbr.rel @p0 .LBB2_58-.Ltmp28, $3  }
0x237: {  	_ =	sdelay $0x1  }
0x238: {  	[tilespmem:s18+$0x0] =	vst.add.f32.msk $0xffff, v0;
	s18 =	sshra.s32 s19, $0x2;
	s19 =	sadd.s32 $0x40, s19  }
0x239: {  	v0 =	vld [tilespmem:s18+$0x8000]  }
0x23a: {  	_ =	sdelay $0x3  }
0x23b: {  	s19 =	simm.s32 $0x0;
	[tilespmem:s18+$0x0] =	vst.add.f32.msk $0xffff, v0  }
0x23c: {  	[hbm4b:s5+s19] =	stream.linear.scatter [tilespmem:s19], [sflag:$0x1], $0x8000, $0x38;
	[tilespmem:$0x10000] =	vst v63  }
0x23d: {  	_ =	swait.ge [sflag:s16], $0x8000  }
0x23e: {  	[sflag:s16] =	ssyncset.done $0x0  }
0x23f: {  	[sflag:s16] =	ssyncadd.s32 $0xFFFF8000  }
0x240: {  	[tilespmem:s19], [sflag:$0x1] =	stream.linear.gather [hbm4b:s6+s19], $0x8000, $0x38;
	[tilespmem:$0x10000] =	vst v63  }
0x241: {  	_ =	swait.ge [sflag:s16], $0x8000  }
0x242: {  	[sflag:s16] =	ssyncset.done $0x0  }
0x243: {  	s18 =	simm.s32 $0x0;
	[sflag:s16] =	ssyncadd.s32 $0xFFFF8000  }
0x244: {  	s19 =	simm.s32 $0x40;
	v0 =	vld [tilespmem:s18+$0x8000]  }
.LBB2_60:
0x245: {  	p0 =	sne.s32 s19, $0x1FFC0  }
.Ltmp29:
0x246: {  	_ = 	snop;
	(pc) =	sbr.rel @p0 .LBB2_60-.Ltmp29, $3  }
0x247: {  	_ =	sdelay $0x1  }
0x248: {  	[tilespmem:s18+$0x0] =	vst.add.f32.msk $0xffff, v0;
	s18 =	sshra.s32 s19, $0x2;
	s19 =	sadd.s32 $0x40, s19  }
0x249: {  	v0 =	vld [tilespmem:s18+$0x8000]  }
0x24a: {  	_ =	sdelay $0x3  }
0x24b: {  	s19 =	simm.s32 $0x0;
	[tilespmem:s18+$0x0] =	vst.add.f32.msk $0xffff, v0  }
0x24c: {  	[hbm4b:s7+s19] =	stream.linear.scatter [tilespmem:s19], [sflag:$0x1], $0x8000, $0x38;
	[tilespmem:$0x10000] =	vst v63  }
0x24d: {  	_ =	swait.ge [sflag:s16], $0x8000  }
0x24e: {  	[sflag:s16] =	ssyncset.done $0x0  }
0x24f: {  	[sflag:s16] =	ssyncadd.s32 $0xFFFF8000  }
0x250: {  	[tilespmem:s19], [sflag:$0x1] =	stream.linear.gather [hbm4b:s10+s19], $0x8000, $0x38;
	[tilespmem:$0x10000] =	vst v63  }
0x251: {  	_ =	swait.ge [sflag:s16], $0x8000  }
0x252: {  	[sflag:s16] =	ssyncset.done $0x0  }
0x253: {  	s18 =	simm.s32 $0x0;
	[sflag:s16] =	ssyncadd.s32 $0xFFFF8000  }
0x254: {  	s19 =	simm.s32 $0x40;
	v0 =	vld [tilespmem:s18+$0x8000]  }
.LBB2_62:
0x255: {  	p0 =	sne.s32 s19, $0x1FFC0  }
.Ltmp30:
0x256: {  	_ = 	snop;
	(pc) =	sbr.rel @p0 .LBB2_62-.Ltmp30, $3  }
0x257: {  	_ =	sdelay $0x1  }
0x258: {  	[tilespmem:s18+$0x0] =	vst.add.f32.msk $0xffff, v0;
	s18 =	sshra.s32 s19, $0x2;
	s19 =	sadd.s32 $0x40, s19  }
0x259: {  	v0 =	vld [tilespmem:s18+$0x8000]  }
0x25a: {  	_ =	sdelay $0x3  }
0x25b: {  	s19 =	simm.s32 $0x0;
	[tilespmem:s18+$0x0] =	vst.add.f32.msk $0xffff, v0  }
0x25c: {  	[hbm4b:s11+s19] =	stream.linear.scatter [tilespmem:s19], [sflag:$0x1], $0x8000, $0x38;
	[tilespmem:$0x10000] =	vst v63  }
0x25d: {  	_ =	swait.ge [sflag:s16], $0x8000  }
0x25e: {  	[sflag:s16] =	ssyncset.done $0x0  }
0x25f: {  	[sflag:s16] =	ssyncadd.s32 $0xFFFF8000  }
0x260: {  	[tilespmem:s19], [sflag:$0x1] =	stream.linear.gather [hbm4b:s12+s19], $0x8000, $0x38;
	[tilespmem:$0x10000] =	vst v63  }
0x261: {  	_ =	swait.ge [sflag:s16], $0x8000  }
0x262: {  	[sflag:s16] =	ssyncset.done $0x0  }
0x263: {  	s18 =	simm.s32 $0x0;
	[sflag:s16] =	ssyncadd.s32 $0xFFFF8000  }
0x264: {  	s19 =	simm.s32 $0x40;
	v0 =	vld [tilespmem:s18+$0x8000]  }
.LBB2_64:
0x265: {  	p0 =	sne.s32 s19, $0x1FFC0  }
.Ltmp31:
0x266: {  	_ = 	snop;
	(pc) =	sbr.rel @p0 .LBB2_64-.Ltmp31, $3  }
0x267: {  	_ =	sdelay $0x1  }
0x268: {  	[tilespmem:s18+$0x0] =	vst.add.f32.msk $0xffff, v0;
	s18 =	sshra.s32 s19, $0x2;
	s19 =	sadd.s32 $0x40, s19  }
0x269: {  	v0 =	vld [tilespmem:s18+$0x8000]  }
0x26a: {  	_ =	sdelay $0x1  }
0x26b: {  	s17 =	sadd.s32 $0x1, s17  }
0x26c: {  	p0 =	sne.s32 s17, s14  }
.Ltmp32:
0x26d: {  	[tilespmem:s18+$0x0] =	vst.add.f32.msk $0xffff, v0;
	(pc) =	sbr.rel @p0 .LBB2_1-.Ltmp32, $4  }
0x26e: {  	[hbm4b:s13+s1] =	stream.linear.scatter [tilespmem:s1], [sflag:$0x1], $0x8000, $0x38;
	[tilespmem:$0x10000] =	vst v63  }
0x26f: {  	_ =	swait.ge [sflag:s16], $0x8000  }
0x270: {  	[sflag:s16] =	ssyncset.done $0x0  }
0x271: {  	[sflag:s16] =	ssyncadd.s32 $0xFFFF8000  }
0x272: {  	_ =	sfence.sel $0x180000  }
0x273: {  	[bflag:$0x0] =	sbarrier.arrive $0xFFFF  }
0x274: {  	_ =	strace $0x9000004D  }
0x275: {  	s0 =	stileid.u32;
	[bflag:$0x2] =	sbarrier.arrive $0xFFFF  }
0x276: {  	p0 =	sne.s32 s0, $0x0;
	s0 =	rddreg [dreg:$0x2]  }
0x277: {  	s0 =	sadd.s32 @!p0 $0x100000, s0  }
0x278: {  	[sflag:s0] =	ssyncadd.tile.s32 @!p0 $0x1;
	_ =	shalt  }
.Lfunc_end2:
_tile_overlayer_lowered:
.L_overlay_start_2:
0x279: {  	(tag) =	ssettag $0x2  }
0x27a: {  	s0 =	rddreg [dreg:$0x0];
	s2 =	stileid.u32  }
0x27b: {  	s1 =	rddreg [dreg:$0x1];
	p0 =	sne.s32 s2, $0x0  }
0x27c: {  	s3 =	rddreg [dreg:$0x2];
	[bflag:$0x3] =	sbarrier.arrive $0xFFFF;
	s2 =	simm.s32 @!p0 $0x1C01  }
0x27d: {  	[timem:s3], [sflag:s2] =	dma.local @!p0 [hbm:s0], s1  }
0x27e: {  	s0 =	simm.s32 @!p0 $0x1  }
0x27f: {  	_ =	swait.ge @!p0 [sflag:s0], s1  }
0x280: {  	s1 =	ssub.s32 @!p0 $0x0, s1;
	[sflag:s0] =	ssyncset.done @!p0 $0x0  }
0x281: {  	[sflag:s0] =	ssyncadd.s32 @!p0 s1  }
0x282: {  	[bflag:$0x3] =	sbarrier.arrive $0xFFFF  }
0x283: {  	_ =	shalt  }

// kernel: sparse-core-data-format-call.1.cloned.1.call-start
scs
called_computation.1_lowered:
.L_overlay_start_0:
0x0: {  	s2 =	sld [smem:$0x3FD9]  }
0x1: {  	s3 =	sld [smem:$0x3FFE];
	_ =	sdelay $0x1  }
0x2: {  	s1 =	srdreg.scid  }
0x3: {  	s0 =	sand.u32 $0x1, s1  }
0x4: {  	s19 =	sshll.u32 s0, $0xA;
	s2 =	sadd.s32 s3, s2  }
0x5: {  	s2 =	sadd.s32 s2, s19  }
0x6: {  	[smem:$0x3FC6] =	sst s2  }
0x7: {  	_ = 	snop  }
0x8: {  	s20 =	sld [smem:$0x3FC9]  }
0x9: {  	s4 =	sld [smem:$0x3FD0];
	(tm) =	ssettm $0x1  }
0xa: {  	s21 =	sld [smem:$0x3FFB];
	_ =	sdelay $0x3  }
0xb: {  	_ =	strace s21  }
0xc: {  	s2 =	sld [smem:$0x3FFC];
	_ =	sdelay $0x3  }
0xd: {  	_ =	strace s2  }
0xe: {  	s2 =	sld [smem:$0x3FFD];
	_ =	sdelay $0x3  }
0xf: {  	_ =	strace s2  }
0x10: {  	_ =	strace $0x8FFFFFFF  }
0x11: {  	s22 =	sld [smem:$0x3FDB];
	_ =	sdelay $0x1  }
0x12: {  	s5 =	simm.s32 $_scs_section_size  }
0x13: {  	s6 =	simm.s32 $_size__tile_overlayer_lowered;
	s7 =	simm.s32 $_tile_overlayer_lowered  }
0x14: {  	s8 =	simm.s32 $0x1BFF;
	s23 =	sshll.u32 s7, $0x1;
	s5 =	sadd.s32 s5, s22  }
0x15: {  	s24 =	simm.s32 $0x0;
	s6 =	sshll.u32 s6, $0x1;
	s7 =	sadd.s32 s23, s5  }
0x16: {  	[timem:s24], [sflag:s8] =	dma.local [hbm:s7], s6  }
0x17: {  	_ =	swait.ge [sflag:s8], s6  }
0x18: {  	s6 =	ssub.s32 $0x0, s6;
	[sflag:s8] =	ssyncset.done $0x0  }
0x19: {  	[sflag:s8] =	ssyncadd.s32 s6;
	_ =	sdelay $0x1  }
0x1a: {  	s25 =	simm.s32 $0x1B8B  }
0x1b: {  	_ =	swait.ge [sflag:s25], $0x1  }
0x1c: {  	[sflag:s25] =	ssyncset.done $0x0  }
0x1d: {  	[sflag:s25] =	ssyncadd.s32 $0xFFFFFFFF  }
0x1e: {  	s6 =	sld [smem:$0x0]  }
0x1f: {  	s7 =	sand.u32 $0xFFFFFFFE, s1  }
0x20: {  	p0 =	sne.s32 s1, s7  }
0x21: {  	s7 =	sshll.u32 @p0 s7, $0xE  }
0x22: {  	s7 =	sadd.s32 @p0 $0x11B8D, s7;
	s8 =	sshll.u32 @p0 s6, $0x11  }
0x23: {  	s7 =	sor.u32 @p0 s8, s7  }
0x24: {  	[sflag:s7] =	ssyncadd.remote.s32 @p0 $0x1;
	_ =	sdelay $0x1  }
0x25: {  	s7 =	simm.s32 @p0 $0x1B8D  }
0x26: {  	_ =	swait.eq @p0 [sflag:s7], $0x1  }
0x27: {  	[sflag:s7] =	ssyncadd.s32 @p0 $0xFFFFFFFF  }
0x28: {  	s8 =	sshll.u32 @!p0 s1, $0xE  }
0x29: {  	s8 =	sor.u32 @!p0 $0x4000, s8;
	s7 =	simm.s32 @!p0 $0x1B8D  }
0x2a: {  	s6 =	sshll.u32 @!p0 s6, $0x11;
	s8 =	sadd.s32 @!p0 $0x11B8D, s8;
	_ =	swait.eq @!p0 [sflag:s7], $0x1  }
0x2b: {  	s6 =	sor.u32 @!p0 s6, s8;
	[sflag:s7] =	ssyncadd.s32 @!p0 $0xFFFFFFFF  }
0x2c: {  	s26 =	simm.s32 $0x1B8E;
	[sflag:s6] =	ssyncadd.remote.s32 @!p0 $0x1  }
0x2d: {  	s27 =	simm.s32 $execute0_lowered;
	[smem:$0x3FD2] =	sst s26  }
0x2e: {  	s6 =	sshll.u32 s27, $0x1;
	_ =	strace $0x80000049;
	[dreg:$0x1] =	wrdreg $0xFFFFFFFF  }
0x2f: {  	s28 =	simm.s32 $_size_execute0_lowered;
	s5 =	sadd.s32 s5, s6;
	[dreg:$0x0] =	wrdreg $0x0  }
0x30: {  	s6 =	sshll.u32 s28, $0x1;
	[dreg:$0x2] =	wrdreg s5  }
0x31: {  	[dreg:$0x3] =	wrdreg s6  }
0x32: {  	[dreg:$0x4] =	wrdreg $0xC0  }
0x33: {  	_ =	task [dreg:s24], $0x5FFFF  }
0x34: {  	[dreg:$0x1] =	wrdreg $0xFFFFFFFF  }
0x35: {  	[dreg:$0x0] =	wrdreg $0x60  }
0x36: {  	[dreg:$0x2] =	wrdreg s20  }
0x37: {  	[dreg:$0x3] =	wrdreg s4  }
0x38: {  	[dreg:$0x4] =	wrdreg $0xA  }
0x39: {  	_ =	task.clear_ibuf [dreg:s24], $0x5FFFF;
	_ =	strace $0x90000049  }
0x3a: {  	s29 =	simm.s32 $0xA;
	_ =	strace $0x8000004B  }
0x3b: {  	_ =	swait.ge [sflag:s29], $0x1  }
0x3c: {  	[sflag:s29] =	ssyncadd.s32 $0xFFFFFFFF  }
0x3d: {  	_ =	strace $0x9000004B  }
0x3e: {  	_ =	sfence  }
0x3f: {  	s30 =	sld [smem:$0x0];
	_ =	sdelay $0x2  }
0x40: {  	s31 =	sshll.u32 s1, $0xD;
	s1 =	sshrl.u32 s1, $0x2  }
0x41: {  	s4 =	sand.u32 $0x4000, s31;
	s1 =	sadd.s32 s1, s30  }
0x42: {  	s0 =	sor.u32 s4, s0;
	s1 =	sshll.u32 s1, $0x11  }
0x43: {  	s0 =	sor.u32 s1, s0  }
0x44: {  	s0 =	sadd.s32 $0x8F2B, s0  }
0x45: {  	[sflag:s0] =	ssyncadd.remote.s32 $0x1  }
0x46: {  	_ =	sfence.sel $0xFFFF  }
0x47: {  	[dreg:$0x0] =	wrdreg $0xFFFFFFFF;
	(pc) =	sbr.abs _section_cstart, $3  }
0x48: {  	[dreg:$0x1] =	wrdreg $0xFFFFFFFF  }
0x49: {  	_ =	task.clear_ibuf [dreg:s24], $0x2FFFF;
	_ =	strace $0x9FFFFFFF  }
0x4a: {  	(tm) =	ssettm $0x7FFFFFFF  }
0x4b: {  	_ =	shalt  }
tec
execute0_lowered:
.L_overlay_start_1:
0x0: {  	(tag) =	ssettag $0x1  }
0x1: {  	s0 =	srdreg.scid  }
0x2: {  	s1 =	sshll.u32 s0, $0x4  }
0x3: {  	s2 =	rddreg [dreg:$0x0];
	s0 =	stileid.u32;
	s1 =	sand.u32 $0x10, s1  }
0x4: {  	s4 =	rddreg [dreg:$0x1];
	s1 =	sor.u32 s0, s1  }
0x5: {  	s7 =	simm.s32 $0x1;
	s8 =	simm.s32 $0x2;
	s3 =	sshll.u32 s1, $0x1  }
0x6: {  	s9 =	simm.s32 $0x0;
	s12 =	simm.s32 $0x0;
	s6 =	ssub.s32 $0x1000, s3  }
.Ltmp0:
0x7: {  	s11 =	simm.s32 $0x0;
	s5 =	sand.u32 $0x3E, s6;
	(pc) =	sbr.rel .LBB1_1-.Ltmp0, $4  }
0x8: {  	s1 =	rddreg [dreg:$0x2];
	_ =	strace $0x8000004A;
	p0 =	sne.s32 s5, $0x0  }
0x9: {  	s6 =	sshrl.u32 s6, $0x6;
	s5 =	simm.s32 $0x1;
	s7 =	simm.s32 @!p0 $0x0  }
0xa: {  	s10 =	smov.u32 s3;
	[sflag:s5] =	ssyncpa.u1 $0x0;
	s6 =	sadd.s32 s7, s6  }
0xb: {  	[sflag:s8] =	ssyncpa.u1 $0x0;
	s8 =	simm.s32 $0x0;
	s7 =	sadd.s32 $0x1, s6  }
.LBB1_9:
0xc: {  	s14 =	sadd.s32 $0x40, s10  }
0xd: {  	p1 =	sgt.s32 s14, $0xFFF  }
0xe: {  	s14 =	smov.u32 @p1 s3;
	p1 =	sne.s32 s11, s7  }
.Ltmp1:
0xf: {  	p0 =	slt.u32 s11, $0x2;
	(pc) =	sbr.rel @!p1 .LBB1_10-.Ltmp1, $4  }
0x10: {  	s13 =	simm.s32 @!p0 $0x2  }
0x11: {  	s15 =	sadd.s32 $0x1, s11;
	_ =	swait.ge @!p0 [sflag:s13], $0x4000  }
0x12: {  	s12 =	smov.u32 s10;
	s9 =	sadd.s32 $0x4000, s9;
	[sflag:s13] =	ssyncset.done @!p0 $0x0  }
0x13: {  	s11 =	smov.u32 s15;
	s10 =	smov.u32 s14;
	[sflag:s13] =	ssyncadd.s32 @!p0 $0xFFFFC000  }
.LBB1_1:
0x14: {  	p0 =	sge.u32 s11, s6  }
0x15: {  	s13 =	sxor.u32 @!p0 $0xFFFFFFFF, s11  }
0x16: {  	s31 =	sadd.s32 $0xFFFFFFFF, s11;
	s14 =	sshll.u32 @!p0 s10, $0xA;
	s13 =	sshll.u32 @!p0 s13, $0xE  }
0x17: {  	s15 =	simm.s32 @!p0 $0x0;
	s14 =	sadd.s32 @!p0 s2, s14;
	s13 =	sand.u32 @!p0 $0x4000, s13  }
0x18: {  	[tilespmem:s13], [sflag:$0x1] =	stream.linear.gather @!p0 [hbm4b:s14+s15], $0x4000, $0x38;
	[tilespmem:$0x10000] =	vst v63  }
0x19: {  	p0 =	sge.u32 s31, s6  }
.Ltmp2:
0x1a: {  	_ = 	snop;
	(pc) =	sbr.rel @p0 .LBB1_9-.Ltmp2, $1  }
0x1b: {  	_ =	sdelay $0x3  }
0x1c: {  	s13 =	sshll.u32 s9, $0x2  }
0x1d: {  	_ =	swait.ge [sflag:s5], $0x4000;
	s14 =	sshll.u32 s11, $0xE;
	s16 =	simm.s32 $0x0  }
0x1e: {  	p1 =	por $0x1, $0x1;
	s13 =	sand.u32 $0x10000, s13;
	[sflag:s5] =	ssyncset.done $0x0  }
0x1f: {  	s14 =	sand.u32 $0x4000, s14;
	s15 =	sshrl.u32 s13, $0x2;
	[sflag:s5] =	ssyncadd.s32 $0xFFFFC000  }
0x20: {  	s13 =	sor.u32 $0x8000, s14;
	s14 =	sadd.s32 $0x8040, s15;
	s15 =	sadd.s32 $0x40, s15  }
.LBB1_3:
0x21: {  	s16 =	sshll.u32 s16, $0x2  }
0x22: {  	p0 =	por p1, p1;
	s17 =	sshra.s32 s16, $0x2  }
0x23: {  	s18 =	simm.s32 $0x0;
	s16 =	sadd.s32 s17, s14;
	s17 =	sadd.s32 s17, s15  }
.LBB1_4:
0x24: {  	v0 =	vmov s17;
	_ =	sdelay $0x3  }
0x25: {  	s20 =	simm.s32 $0x0  }
0x26: {  	v6 =	vld.idx.msk [tilespmem:v0+s20+$0x30 ss:$0x1], $0xffff  }
0x27: {  	v7 =	vld.idx.msk [tilespmem:v0+s20+$0xFFFFFFC0 ss:$0x1], $0xffff  }
0x28: {  	v5 =	vld.idx.msk [tilespmem:v0+s20+$0xFFFFFFD0 ss:$0x1], $0xffff  }
0x29: {  	v4 =	vld.idx.msk [tilespmem:v0+s20+$0xFFFFFFE0 ss:$0x1], $0xffff  }
0x2a: {  	v3 =	vld.idx.msk [tilespmem:v0+s20+$0xFFFFFFF0 ss:$0x1], $0xffff  }
0x2b: {  	v1 =	vld.idx.msk [tilespmem:v0+s20+$0x0 ss:$0x1], $0xffff  }
0x2c: {  	v2 =	vld.idx.msk [tilespmem:v0+s20+$0x10 ss:$0x1], $0xffff;
	[tilespmem:s16+$0x30] =	vst v6  }
0x2d: {  	s19 =	simm.s32 $0x80;
	s21 =	simm.s32 $0x400;
	[tilespmem:s16+$0xFFFFFFC0] =	vst v7;
	v6 =	vld.idx.msk [tilespmem:v0+s20+$0x20 ss:$0x1], $0xffff;
	s20 =	smov.u32 s16  }
.LBB1_5:
0x2e: {  	p1 =	sne.s32 s21, $0xE00;
	v7 =	vld.idx.msk [tilespmem:v0+s19+$0x30 ss:$0x1], $0xffff;
	[tilespmem:s20+$0xFFFFFFD0] =	vst v5  }
0x2f: {  	v8 =	vld.idx.msk [tilespmem:v0+s19+$0xFFFFFFC0 ss:$0x1], $0xffff;
	[tilespmem:s20+$0xFFFFFFE0] =	vst v4  }
0x30: {  	v5 =	vld.idx.msk [tilespmem:v0+s19+$0xFFFFFFD0 ss:$0x1], $0xffff;
	[tilespmem:s20+$0xFFFFFFF0] =	vst v3  }
.Ltmp3:
0x31: {  	v4 =	vld.idx.msk [tilespmem:v0+s19+$0xFFFFFFE0 ss:$0x1], $0xffff;
	[tilespmem:s20+$0x0] =	vst v1;
	(pc) =	sbr.rel @p1 .LBB1_5-.Ltmp3, $4  }
0x32: {  	v3 =	vld.idx.msk [tilespmem:v0+s19+$0xFFFFFFF0 ss:$0x1], $0xffff;
	[tilespmem:s20+$0x10] =	vst v2  }
0x33: {  	v1 =	vld.idx.msk [tilespmem:v0+s19+$0x0 ss:$0x1], $0xffff;
	[tilespmem:s20+$0x20] =	vst v6;
	s20 =	sadd.s32 $0x400, s20  }
0x34: {  	v2 =	vld.idx.msk [tilespmem:v0+s19+$0x10 ss:$0x1], $0xffff;
	[tilespmem:s20+$0x30] =	vst v7  }
0x35: {  	[tilespmem:s20+$0xFFFFFFC0] =	vst v8;
	v6 =	vld.idx.msk [tilespmem:v0+s19+$0x20 ss:$0x1], $0xffff;
	s19 =	sshra.s32 s21, $0x2;
	s21 =	sadd.s32 $0x200, s21  }
0x36: {  	_ =	sdelay $0x2  }
0x37: {  	[tilespmem:s20+$0xFFFFFFD0] =	vst v5  }
0x38: {  	v56 =	vld.idx.msk [tilespmem:v0+s19+$0x30 ss:$0x1], $0xffff;
	[tilespmem:s20+$0xFFFFFFE0] =	vst v4  }
0x39: {  	v57 =	vld.idx.msk [tilespmem:v0+s19+$0xFFFFFFC0 ss:$0x1], $0xffff;
	[tilespmem:s20+$0xFFFFFFF0] =	vst v3  }
0x3a: {  	v58 =	vld.idx.msk [tilespmem:v0+s19+$0xFFFFFFD0 ss:$0x1], $0xffff;
	[tilespmem:s20+$0x0] =	vst v1  }
0x3b: {  	v59 =	vld.idx.msk [tilespmem:v0+s19+$0xFFFFFFE0 ss:$0x1], $0xffff;
	[tilespmem:s20+$0x10] =	vst v2  }
0x3c: {  	v60 =	vld.idx.msk [tilespmem:v0+s19+$0xFFFFFFF0 ss:$0x1], $0xffff;
	s31 =	sadd.s32 $0x400, s20;
	[tilespmem:s20+$0x20] =	vst v6  }
0x3d: {  	v61 =	vld.idx.msk [tilespmem:v0+s19+$0x0 ss:$0x1], $0xffff;
	[tilespmem:s31+$0x30] =	vst v56  }
0x3e: {  	v62 =	vld.idx.msk [tilespmem:v0+s19+$0x10 ss:$0x1], $0xffff;
	s18 =	sadd.s32 $0x1, s18;
	[tilespmem:s31+$0xFFFFFFC0] =	vst v57  }
0x3f: {  	v63 =	vld.idx.msk [tilespmem:v0+s19+$0x20 ss:$0x1], $0xffff;
	p1 =	sne.s32 s18, $0x8;
	[tilespmem:s31+$0xFFFFFFD0] =	vst v58  }
.Ltmp4:
0x40: {  	[tilespmem:s31+$0xFFFFFFE0] =	vst v59;
	(pc) =	sbr.rel @p1 .LBB1_4-.Ltmp4, $4  }
0x41: {  	[tilespmem:s31+$0xFFFFFFF0] =	vst v60  }
0x42: {  	[tilespmem:s31+$0x0] =	vst v61  }
0x43: {  	[tilespmem:s31+$0x10] =	vst v62  }
0x44: {  	s16 =	sadd.s32 $0x80, s16;
	s17 =	sadd.s32 $0x400, s17;
	[tilespmem:s31+$0x20] =	vst v63  }
.Ltmp5:
0x45: {  	(pc) =	sbr.rel @p0 .LBB1_3-.Ltmp5, $2  }
0x46: {  	_ =	sdelay $0x2  }
0x47: {  	s16 =	simm.s32 $0x2000;
	p1 =	por $0x0, $0x0  }
.Ltmp6:
0x48: {  	(pc) =	sbr.rel .LBB1_9-.Ltmp6, $4  }
0x49: {  	_ = 	snop  }
0x4a: {  	s12 =	sshll.u32 s12, $0xA  }
0x4b: {  	s12 =	sadd.s32 s4, s12  }
0x4c: {  	[hbm4b:s12+s8] =	stream.linear.scatter [tilespmem:s13], [sflag:$0x2], $0x4000, $0x38;
	[tilespmem:$0x10000] =	vst v63  }
.LBB1_10:
0x4d: {  	_ =	sfence.sel $0x180000  }
0x4e: {  	s2 =	simm.s32 $0x1;
	[bflag:$0x0] =	sbarrier.arrive $0xFFFF  }
0x4f: {  	s31 =	simm.s32 $0x2;
	[sflag:s2] =	ssyncpa.u1 $0x1  }
0x50: {  	[sflag:s31] =	ssyncpa.u1 $0x1  }
0x51: {  	p0 =	sne.s32 s0, $0x0;
	_ =	strace $0x9000004A  }
0x52: {  	s0 =	sadd.s32 @!p0 $0x100000, s1;
	[bflag:$0x2] =	sbarrier.arrive $0xFFFF  }
0x53: {  	[sflag:s0] =	ssyncadd.tile.s32 @!p0 $0x1;
	_ =	shalt  }
.Lfunc_end1:
_tile_overlayer_lowered:
.L_overlay_start_2:
0x54: {  	(tag) =	ssettag $0x2  }
0x55: {  	s0 =	rddreg [dreg:$0x0];
	s2 =	stileid.u32  }
0x56: {  	s1 =	rddreg [dreg:$0x1];
	p0 =	sne.s32 s2, $0x0  }
0x57: {  	s3 =	rddreg [dreg:$0x2];
	[bflag:$0x3] =	sbarrier.arrive $0xFFFF;
	s2 =	simm.s32 @!p0 $0x1C01  }
0x58: {  	[timem:s3], [sflag:s2] =	dma.local @!p0 [hbm:s0], s1  }
0x59: {  	s0 =	simm.s32 @!p0 $0x1  }
0x5a: {  	_ =	swait.ge @!p0 [sflag:s0], s1  }
0x5b: {  	s1 =	ssub.s32 @!p0 $0x0, s1;
	[sflag:s0] =	ssyncset.done @!p0 $0x0  }
0x5c: {  	[sflag:s0] =	ssyncadd.s32 @!p0 s1  }
0x5d: {  	[bflag:$0x3] =	sbarrier.arrive $0xFFFF  }
0x5e: {  	_ =	shalt  }

// kernel: sparse-core-data-format-call.cloned.1.call-start
scs
called_computation_lowered:
.L_overlay_start_0:
0x0: {  	s2 =	sld [smem:$0x3FD9]  }
0x1: {  	s3 =	sld [smem:$0x3FFE];
	_ =	sdelay $0x1  }
0x2: {  	s1 =	srdreg.scid  }
0x3: {  	s0 =	sand.u32 $0x1, s1  }
0x4: {  	s18 =	sshll.u32 s0, $0xA;
	s2 =	sadd.s32 s3, s2  }
0x5: {  	s2 =	sadd.s32 s2, s18  }
0x6: {  	[smem:$0x3FC6] =	sst s2  }
0x7: {  	_ = 	snop  }
0x8: {  	s2 =	sld [smem:$0x3FC8];
	(tm) =	ssettm $0x1  }
0x9: {  	s19 =	sld [smem:$0x3FFB];
	_ =	sdelay $0x3  }
0xa: {  	_ =	strace s19  }
0xb: {  	s3 =	sld [smem:$0x3FFC];
	_ =	sdelay $0x3  }
0xc: {  	_ =	strace s3  }
0xd: {  	s3 =	sld [smem:$0x3FFD];
	_ =	sdelay $0x3  }
0xe: {  	_ =	strace s3  }
0xf: {  	_ =	strace $0x8FFFFFFF  }
0x10: {  	s20 =	sld [smem:$0x3FDB];
	_ =	sdelay $0x1  }
0x11: {  	s4 =	simm.s32 $_scs_section_size  }
0x12: {  	s5 =	simm.s32 $_size__tile_overlayer_lowered;
	s6 =	simm.s32 $_tile_overlayer_lowered  }
0x13: {  	s23 =	simm.s32 $0x1BFF;
	s22 =	sshll.u32 s6, $0x1;
	s3 =	sadd.s32 s4, s20  }
0x14: {  	s7 =	simm.s32 $0x0;
	s21 =	sshll.u32 s5, $0x1;
	s5 =	sadd.s32 s22, s3  }
0x15: {  	[timem:s7], [sflag:s23] =	dma.local [hbm:s5], s21  }
0x16: {  	_ =	swait.ge [sflag:s23], s21  }
0x17: {  	s4 =	ssub.s32 $0x0, s21;
	[sflag:s23] =	ssyncset.done $0x0  }
0x18: {  	[sflag:s23] =	ssyncadd.s32 s4;
	_ =	sdelay $0x1  }
0x19: {  	s24 =	simm.s32 $0x1B8B  }
0x1a: {  	_ =	swait.ge [sflag:s24], $0x1  }
0x1b: {  	[sflag:s24] =	ssyncset.done $0x0  }
0x1c: {  	s26 =	simm.s32 $0x1B8E;
	s25 =	sld [smem:$0x3FFE];
	[sflag:s24] =	ssyncadd.s32 $0xFFFFFFFF  }
0x1d: {  	s27 =	simm.s32 $execute0_lowered;
	[smem:$0x3FD2] =	sst s26  }
0x1e: {  	s5 =	sshll.u32 s27, $0x1;
	_ =	strace $0x80000046;
	[dreg:$0x1] =	wrdreg $0xFFFFFFFF  }
0x1f: {  	s28 =	simm.s32 $_size_execute0_lowered;
	s3 =	sadd.s32 s3, s5;
	[dreg:$0x0] =	wrdreg $0x0  }
0x20: {  	s5 =	sshll.u32 s28, $0x1;
	[dreg:$0x2] =	wrdreg s3  }
0x21: {  	[dreg:$0x3] =	wrdreg s5  }
0x22: {  	[dreg:$0x4] =	wrdreg $0xC0  }
0x23: {  	_ =	task [dreg:s7], $0x5FFFF  }
0x24: {  	[dreg:$0x1] =	wrdreg $0xFFFFFFFF  }
0x25: {  	[dreg:$0x0] =	wrdreg $0x60  }
0x26: {  	[dreg:$0x2] =	wrdreg s2  }
0x27: {  	[dreg:$0x3] =	wrdreg s25  }
0x28: {  	[dreg:$0x4] =	wrdreg $0x9  }
0x29: {  	_ =	task.clear_ibuf [dreg:s7], $0x5FFFF;
	_ =	strace $0x90000046  }
0x2a: {  	s29 =	simm.s32 $0x9;
	_ =	strace $0x80000048  }
0x2b: {  	_ =	swait.ge [sflag:s29], $0x1  }
0x2c: {  	[sflag:s29] =	ssyncadd.s32 $0xFFFFFFFF  }
0x2d: {  	_ =	strace $0x90000048  }
0x2e: {  	_ =	sfence  }
0x2f: {  	s30 =	sld [smem:$0x0];
	_ =	sdelay $0x2  }
0x30: {  	s31 =	sshll.u32 s1, $0xD;
	s1 =	sshrl.u32 s1, $0x2  }
0x31: {  	s3 =	sand.u32 $0x4000, s31;
	s1 =	sadd.s32 s1, s30  }
0x32: {  	s0 =	sor.u32 s3, s0;
	s1 =	sshll.u32 s1, $0x11  }
0x33: {  	s0 =	sor.u32 s1, s0  }
0x34: {  	s0 =	sadd.s32 $0x8F2B, s0  }
0x35: {  	[sflag:s0] =	ssyncadd.remote.s32 $0x1  }
0x36: {  	_ =	sfence.sel $0xFFFF  }
0x37: {  	[dreg:$0x0] =	wrdreg $0xFFFFFFFF;
	(pc) =	sbr.abs _section_cstart, $3  }
0x38: {  	[dreg:$0x1] =	wrdreg $0xFFFFFFFF  }
0x39: {  	_ =	task.clear_ibuf [dreg:s7], $0x2FFFF;
	_ =	strace $0x9FFFFFFF  }
0x3a: {  	(tm) =	ssettm $0x7FFFFFFF  }
0x3b: {  	_ =	shalt  }
tec
execute0_lowered:
.L_overlay_start_1:
0x0: {  	(tag) =	ssettag $0x1  }
0x1: {  	s0 =	srdreg.scid  }
0x2: {  	s1 =	sshll.u32 s0, $0x4  }
0x3: {  	s2 =	rddreg [dreg:$0x0];
	s0 =	stileid.u32;
	s1 =	sand.u32 $0x10, s1  }
0x4: {  	s4 =	rddreg [dreg:$0x1];
	s7 =	simm.s32 $0x1;
	s1 =	sor.u32 s0, s1  }
0x5: {  	s8 =	simm.s32 $0x2;
	s9 =	simm.s32 $0x0;
	s3 =	sshll.u32 s1, $0x1  }
0x6: {  	s12 =	simm.s32 $0x0;
	s11 =	simm.s32 $0x0;
	s6 =	ssub.s32 $0x400, s3  }
.Ltmp0:
0x7: {  	s4 =	sadd.s32 $0xC00, s4;
	s5 =	sand.u32 $0x3E, s6;
	(pc) =	sbr.rel .LBB1_1-.Ltmp0, $4  }
0x8: {  	s1 =	rddreg [dreg:$0x2];
	_ =	strace $0x80000047;
	p0 =	sne.s32 s5, $0x0  }
0x9: {  	s6 =	sshrl.u32 s6, $0x6;
	s5 =	simm.s32 $0x1;
	s7 =	simm.s32 @!p0 $0x0  }
0xa: {  	s10 =	smov.u32 s3;
	[sflag:s5] =	ssyncpa.u1 $0x0;
	s6 =	sadd.s32 s7, s6  }
0xb: {  	[sflag:s8] =	ssyncpa.u1 $0x0;
	s8 =	simm.s32 $0x0;
	s7 =	sadd.s32 $0x1, s6  }
.LBB1_9:
0xc: {  	s14 =	sadd.s32 $0x40, s10  }
0xd: {  	p1 =	sgt.s32 s14, $0x3FF  }
0xe: {  	s14 =	smov.u32 @p1 s3;
	p1 =	sne.s32 s11, s7  }
.Ltmp1:
0xf: {  	p0 =	slt.u32 s11, $0x2;
	(pc) =	sbr.rel @!p1 .LBB1_10-.Ltmp1, $4  }
0x10: {  	s13 =	simm.s32 @!p0 $0x2  }
0x11: {  	s15 =	sadd.s32 $0x1, s11;
	_ =	swait.ge @!p0 [sflag:s13], $0x4000  }
0x12: {  	s12 =	smov.u32 s10;
	s9 =	sadd.s32 $0x4000, s9;
	[sflag:s13] =	ssyncset.done @!p0 $0x0  }
0x13: {  	s11 =	smov.u32 s15;
	s10 =	smov.u32 s14;
	[sflag:s13] =	ssyncadd.s32 @!p0 $0xFFFFC000  }
.LBB1_1:
0x14: {  	p0 =	sge.u32 s11, s6  }
0x15: {  	s13 =	sxor.u32 @!p0 $0xFFFFFFFF, s11  }
0x16: {  	s31 =	sadd.s32 $0xFFFFFFFF, s11;
	s14 =	sshll.u32 @!p0 s10, $0xA;
	s13 =	sshll.u32 @!p0 s13, $0xE  }
0x17: {  	s15 =	simm.s32 @!p0 $0x0;
	s14 =	sadd.s32 @!p0 s2, s14;
	s13 =	sand.u32 @!p0 $0x4000, s13  }
0x18: {  	[tilespmem:s13], [sflag:$0x1] =	stream.linear.gather @!p0 [hbm4b:s14+s15], $0x4000, $0x38;
	[tilespmem:$0x10000] =	vst v63  }
0x19: {  	p0 =	sge.u32 s31, s6  }
.Ltmp2:
0x1a: {  	_ = 	snop;
	(pc) =	sbr.rel @p0 .LBB1_9-.Ltmp2, $1  }
0x1b: {  	_ =	sdelay $0x3  }
0x1c: {  	s13 =	sshll.u32 s9, $0x2  }
0x1d: {  	_ =	swait.ge [sflag:s5], $0x4000;
	s14 =	sshll.u32 s11, $0xE;
	s16 =	simm.s32 $0x0  }
0x1e: {  	p1 =	por $0x1, $0x1;
	s13 =	sand.u32 $0x10000, s13;
	[sflag:s5] =	ssyncset.done $0x0  }
0x1f: {  	s14 =	sand.u32 $0x4000, s14;
	s15 =	sshrl.u32 s13, $0x2;
	[sflag:s5] =	ssyncadd.s32 $0xFFFFC000  }
0x20: {  	s13 =	sor.u32 $0x8000, s14;
	s14 =	sadd.s32 $0x8040, s15;
	s15 =	sadd.s32 $0x40, s15  }
.LBB1_3:
0x21: {  	s16 =	sshll.u32 s16, $0x2  }
0x22: {  	p0 =	por p1, p1;
	s17 =	sshra.s32 s16, $0x2  }
0x23: {  	s18 =	simm.s32 $0x0;
	s16 =	sadd.s32 s17, s14;
	s17 =	sadd.s32 s17, s15  }
.LBB1_4:
0x24: {  	v0 =	vmov s17;
	_ =	sdelay $0x3  }
0x25: {  	s20 =	simm.s32 $0x0  }
0x26: {  	v6 =	vld.idx.msk [tilespmem:v0+s20+$0x30 ss:$0x1], $0xffff  }
0x27: {  	v7 =	vld.idx.msk [tilespmem:v0+s20+$0xFFFFFFC0 ss:$0x1], $0xffff  }
0x28: {  	v5 =	vld.idx.msk [tilespmem:v0+s20+$0xFFFFFFD0 ss:$0x1], $0xffff  }
0x29: {  	v4 =	vld.idx.msk [tilespmem:v0+s20+$0xFFFFFFE0 ss:$0x1], $0xffff  }
0x2a: {  	v3 =	vld.idx.msk [tilespmem:v0+s20+$0xFFFFFFF0 ss:$0x1], $0xffff  }
0x2b: {  	v1 =	vld.idx.msk [tilespmem:v0+s20+$0x0 ss:$0x1], $0xffff  }
0x2c: {  	v2 =	vld.idx.msk [tilespmem:v0+s20+$0x10 ss:$0x1], $0xffff;
	[tilespmem:s16+$0x30] =	vst v6  }
0x2d: {  	s19 =	simm.s32 $0x80;
	s21 =	simm.s32 $0x400;
	[tilespmem:s16+$0xFFFFFFC0] =	vst v7;
	v6 =	vld.idx.msk [tilespmem:v0+s20+$0x20 ss:$0x1], $0xffff;
	s20 =	smov.u32 s16  }
.LBB1_5:
0x2e: {  	p1 =	sne.s32 s21, $0xE00;
	v7 =	vld.idx.msk [tilespmem:v0+s19+$0x30 ss:$0x1], $0xffff;
	[tilespmem:s20+$0xFFFFFFD0] =	vst v5  }
0x2f: {  	v8 =	vld.idx.msk [tilespmem:v0+s19+$0xFFFFFFC0 ss:$0x1], $0xffff;
	[tilespmem:s20+$0xFFFFFFE0] =	vst v4  }
0x30: {  	v5 =	vld.idx.msk [tilespmem:v0+s19+$0xFFFFFFD0 ss:$0x1], $0xffff;
	[tilespmem:s20+$0xFFFFFFF0] =	vst v3  }
.Ltmp3:
0x31: {  	v4 =	vld.idx.msk [tilespmem:v0+s19+$0xFFFFFFE0 ss:$0x1], $0xffff;
	[tilespmem:s20+$0x0] =	vst v1;
	(pc) =	sbr.rel @p1 .LBB1_5-.Ltmp3, $4  }
0x32: {  	v3 =	vld.idx.msk [tilespmem:v0+s19+$0xFFFFFFF0 ss:$0x1], $0xffff;
	[tilespmem:s20+$0x10] =	vst v2  }
0x33: {  	v1 =	vld.idx.msk [tilespmem:v0+s19+$0x0 ss:$0x1], $0xffff;
	[tilespmem:s20+$0x20] =	vst v6;
	s20 =	sadd.s32 $0x400, s20  }
0x34: {  	v2 =	vld.idx.msk [tilespmem:v0+s19+$0x10 ss:$0x1], $0xffff;
	[tilespmem:s20+$0x30] =	vst v7  }
0x35: {  	[tilespmem:s20+$0xFFFFFFC0] =	vst v8;
	v6 =	vld.idx.msk [tilespmem:v0+s19+$0x20 ss:$0x1], $0xffff;
	s19 =	sshra.s32 s21, $0x2;
	s21 =	sadd.s32 $0x200, s21  }
0x36: {  	_ =	sdelay $0x2  }
0x37: {  	[tilespmem:s20+$0xFFFFFFD0] =	vst v5  }
0x38: {  	v56 =	vld.idx.msk [tilespmem:v0+s19+$0x30 ss:$0x1], $0xffff;
	[tilespmem:s20+$0xFFFFFFE0] =	vst v4  }
0x39: {  	v57 =	vld.idx.msk [tilespmem:v0+s19+$0xFFFFFFC0 ss:$0x1], $0xffff;
	[tilespmem:s20+$0xFFFFFFF0] =	vst v3  }
0x3a: {  	v58 =	vld.idx.msk [tilespmem:v0+s19+$0xFFFFFFD0 ss:$0x1], $0xffff;
	[tilespmem:s20+$0x0] =	vst v1  }
0x3b: {  	v59 =	vld.idx.msk [tilespmem:v0+s19+$0xFFFFFFE0 ss:$0x1], $0xffff;
	[tilespmem:s20+$0x10] =	vst v2  }
0x3c: {  	v60 =	vld.idx.msk [tilespmem:v0+s19+$0xFFFFFFF0 ss:$0x1], $0xffff;
	s31 =	sadd.s32 $0x400, s20;
	[tilespmem:s20+$0x20] =	vst v6  }
0x3d: {  	v61 =	vld.idx.msk [tilespmem:v0+s19+$0x0 ss:$0x1], $0xffff;
	[tilespmem:s31+$0x30] =	vst v56  }
0x3e: {  	v62 =	vld.idx.msk [tilespmem:v0+s19+$0x10 ss:$0x1], $0xffff;
	s18 =	sadd.s32 $0x1, s18;
	[tilespmem:s31+$0xFFFFFFC0] =	vst v57  }
0x3f: {  	v63 =	vld.idx.msk [tilespmem:v0+s19+$0x20 ss:$0x1], $0xffff;
	p1 =	sne.s32 s18, $0x8;
	[tilespmem:s31+$0xFFFFFFD0] =	vst v58  }
.Ltmp4:
0x40: {  	[tilespmem:s31+$0xFFFFFFE0] =	vst v59;
	(pc) =	sbr.rel @p1 .LBB1_4-.Ltmp4, $4  }
0x41: {  	[tilespmem:s31+$0xFFFFFFF0] =	vst v60  }
0x42: {  	[tilespmem:s31+$0x0] =	vst v61  }
0x43: {  	[tilespmem:s31+$0x10] =	vst v62  }
0x44: {  	s16 =	sadd.s32 $0x80, s16;
	s17 =	sadd.s32 $0x400, s17;
	[tilespmem:s31+$0x20] =	vst v63  }
.Ltmp5:
0x45: {  	(pc) =	sbr.rel @p0 .LBB1_3-.Ltmp5, $2  }
0x46: {  	_ =	sdelay $0x2  }
0x47: {  	s16 =	simm.s32 $0x2000;
	p1 =	por $0x0, $0x0  }
.Ltmp6:
0x48: {  	(pc) =	sbr.rel .LBB1_9-.Ltmp6, $4  }
0x49: {  	_ = 	snop  }
0x4a: {  	s12 =	sshll.u32 s12, $0xA  }
0x4b: {  	s12 =	sadd.s32 s4, s12  }
0x4c: {  	[hbm4b:s12+s8] =	stream.linear.scatter [tilespmem:s13], [sflag:$0x2], $0x4000, $0x38;
	[tilespmem:$0x10000] =	vst v63  }
.LBB1_10:
0x4d: {  	_ =	sfence.sel $0x180000  }
0x4e: {  	s2 =	simm.s32 $0x1;
	[bflag:$0x0] =	sbarrier.arrive $0xFFFF  }
0x4f: {  	s31 =	simm.s32 $0x2;
	[sflag:s2] =	ssyncpa.u1 $0x1  }
0x50: {  	[sflag:s31] =	ssyncpa.u1 $0x1  }
0x51: {  	p0 =	sne.s32 s0, $0x0;
	_ =	strace $0x90000047  }
0x52: {  	s0 =	sadd.s32 @!p0 $0x100000, s1;
	[bflag:$0x2] =	sbarrier.arrive $0xFFFF  }
0x53: {  	[sflag:s0] =	ssyncadd.tile.s32 @!p0 $0x1;
	_ =	shalt  }
.Lfunc_end1:
_tile_overlayer_lowered:
.L_overlay_start_2:
0x54: {  	(tag) =	ssettag $0x2  }
0x55: {  	s0 =	rddreg [dreg:$0x0];
	s2 =	stileid.u32  }
0x56: {  	s1 =	rddreg [dreg:$0x1];
	p0 =	sne.s32 s2, $0x0  }
0x57: {  	s3 =	rddreg [dreg:$0x2];
	[bflag:$0x3] =	sbarrier.arrive $0xFFFF;
	s2 =	simm.s32 @!p0 $0x1C01  }
0x58: {  	[timem:s3], [sflag:s2] =	dma.local @!p0 [hbm:s0], s1  }
0x59: {  	s0 =	simm.s32 @!p0 $0x1  }
0x5a: {  	_ =	swait.ge @!p0 [sflag:s0], s1  }
0x5b: {  	s1 =	ssub.s32 @!p0 $0x0, s1;
	[sflag:s0] =	ssyncset.done @!p0 $0x0  }
0x5c: {  	[sflag:s0] =	ssyncadd.s32 @!p0 s1  }
0x5d: {  	[bflag:$0x3] =	sbarrier.arrive $0xFFFF  }
0x5e: {  	_ =	shalt  }

</sc_bundles>
